<compile_context>
chip_gen: v7x
topology: tpu7x:2x2x1
jax: 0.10.2.dev20260603
libtpu: 0.0.44.dev20260713+nightly
codegen_flags: <defaults>
</compile_context>

<pallas_src>
import jax
import jax.numpy as jnp
from jax import lax
from jax.experimental import pallas as pl
from jax.experimental.pallas import tpu as pltpu
from jax.experimental.pallas import tpu_sc as plsc

NC = 2
NS = 16
L = 16
NW = NC * NS

BATCH = 16384
NF = 32
BPW = BATCH // NW
NWAVE = BPW // L


def _gmf_body(u_idx_hbm, i_idx_hbm, ut_hbm, it_hbm, par_hbm, out_hbm,
              idx_u, idx_i, stage, packed_u, packed_i, out_v, par_v,
              sem_u, sem_i):
  wid = lax.axis_index("s") * NC + lax.axis_index("c")
  base = pl.multiple_of(wid * BPW, BPW)

  pltpu.sync_copy(u_idx_hbm.at[wid], idx_u)
  pltpu.sync_copy(i_idx_hbm.at[wid], idx_i)
  pltpu.sync_copy(par_hbm, par_v)

  iota = lax.iota(jnp.int32, L)

  def drain(sem):
    pltpu.make_async_copy(ut_hbm.at[pl.ds(0, NF), pl.ds(0, L * 128)],
                          stage, sem).wait()

  def wave(w, idx, tab_hbm, packed, sem):
    wb = pl.multiple_of(w * L, L)
    iv = idx[pl.ds(wb, L)]
    cvec = iv & 127
    for k in range(L):
      ab = pl.multiple_of((iv[k] >> 7) * 128, 128)
      pltpu.async_copy(tab_hbm.at[pl.ds(0, NF), pl.ds(ab, 128)],
                       stage.at[k], sem)
    drain(sem)
    for f in range(NF):
      vals = plsc.load_gather(stage, [iota, jnp.full((L,), f, jnp.int32),
                                      cvec])
      packed[f, pl.ds(wb, L)] = vals

  def wave_body(w, _):
    wave(w, idx_u, ut_hbm, packed_u, sem_u)
    wave(w, idx_i, it_hbm, packed_i, sem_i)
    return 0

  lax.fori_loop(0, NWAVE, wave_body, 0)

  bias = par_v[pl.ds(NF, L)]
  wv0 = par_v[pl.ds(0, L)]
  wv1 = par_v[pl.ds(L, L)]
  w_s = [wv0[k] for k in range(L)] + [wv1[k] for k in range(L)]

  def group_body(g, _):
    col = pl.multiple_of(g * L, L)
    acc = jnp.zeros((L,), jnp.float32)
    for f in range(NF):
      uv = packed_u[f, pl.ds(col, L)]
      iv = packed_i[f, pl.ds(col, L)]
      acc = acc + uv * iv * w_s[f]
    x = acc + bias
    res = 5.0 / (1.0 + jnp.exp(-x))
    out_v[pl.ds(col, L)] = res
    return 0

  lax.fori_loop(0, NWAVE, group_body, 0)

  pltpu.sync_copy(out_v, out_hbm.at[pl.ds(base, BPW)])


@jax.jit
def _gmf(u_idx, i_idx, ut_t, it_t, params):
  mesh = plsc.VectorSubcoreMesh(core_axis_name="c", subcore_axis_name="s")
  run = pl.kernel(
      _gmf_body,
      out_type=jax.ShapeDtypeStruct((BATCH,), jnp.float32),
      mesh=mesh,
      compiler_params=pltpu.CompilerParams(needs_layout_passes=False),
      scratch_types=[
          pltpu.VMEM((BPW,), jnp.int32),
          pltpu.VMEM((BPW,), jnp.int32),
          pltpu.VMEM((L, NF, 128), jnp.float32),
          pltpu.VMEM((NF, BPW), jnp.float32),
          pltpu.VMEM((NF, BPW), jnp.float32),
          pltpu.VMEM((BPW,), jnp.float32),
          pltpu.VMEM((NF + L,), jnp.float32),
          pltpu.SemaphoreType.DMA,
          pltpu.SemaphoreType.DMA,
      ],
  )
  return run(u_idx, i_idx, ut_t, it_t, params)


def kernel(users, items, user_table, item_table, linear_w, linear_b):
  u_idx = (users - 1).astype(jnp.int32).reshape(NW, BPW)
  i_idx = (items - 1).astype(jnp.int32).reshape(NW, BPW)
  ut_t = user_table.T
  it_t = item_table.T
  params = jnp.concatenate(
      [linear_w.reshape(-1), jnp.broadcast_to(linear_b, (L,))]
  ).astype(jnp.float32)
  return _gmf(u_idx, i_idx, ut_t, it_t, params)

# --- scband reference (transcript-rebuilt; emitter-appended) ---
"""Pipeline reference for scband-gmf-2757369004062 (READ-ONLY COPY).

The authoritative reference and input builder live on the scoring server;
editing this copy changes nothing except your own understanding.
"""

import jax, jax.numpy as jnp
import numpy as np

N_USERS = 1000000
N_ITEMS = 1000000
N_FACTORS = 32
BATCH = 16384


def setup_inputs(seed: int = 0) -> dict:
    key = jax.random.key(seed)
    k1, k2, k3, k4, k5 = jax.random.split(key, 5)
    # module subtracts 1 from ids (1-based input), so sample in [1, vocab]
    users = jax.random.randint(k1, (BATCH,), 1, N_USERS + 1, dtype=jnp.int64 if jax.config.read('jax_enable_x64') else jnp.int32)
    items = jax.random.randint(k2, (BATCH,), 1, N_ITEMS + 1, dtype=jnp.int64 if jax.config.read('jax_enable_x64') else jnp.int32)
    user_table = jax.random.normal(k3, (N_USERS, N_FACTORS), dtype=jnp.float32) * 0.01
    item_table = jax.random.normal(k4, (N_ITEMS, N_FACTORS), dtype=jnp.float32) * 0.01
    # xavier_normal_ with sigmoid gain (=1.0): std = sqrt(2/(fan_in+fan_out))
    std = float(np.sqrt(2.0 / (N_FACTORS + 1)))
    linear_w = jax.random.normal(k5, (1, N_FACTORS), dtype=jnp.float32) * std
    linear_b = jnp.zeros((1,), dtype=jnp.float32)
    return {"users": users, "items": items, "user_table": user_table, "item_table": item_table, "linear_w": linear_w, "linear_b": linear_b}


def reference(users, items, user_table, item_table, linear_w, linear_b):
    u_idx = users - 1
    i_idx = items - 1
    user_embeds = jnp.take(user_table, u_idx, axis=0)
    item_embeds = jnp.take(item_table, i_idx, axis=0)
    out = user_embeds * item_embeds
    out = out @ linear_w.T + linear_b
    out = jax.nn.sigmoid(out) * 5.0
    return out.reshape(-1)

if __name__ == "__main__":
    import jax
    _d = setup_inputs()
    print(jax.jit(kernel)(*tuple(_d.values())))

</pallas_src>

<mosaic_0001>
#map = affine_map<(d0, d1) -> (0, 0)>
#map1 = affine_map<(d0, d1) -> (0)>
module attributes {stable_mosaic.version = 14 : i64} {
  func.func @_gmf_body(%arg0: i32, %arg1: i32, %arg2: memref<32x512xi32, #tpu.memory_space<hbm>>, %arg3: memref<32x512xi32, #tpu.memory_space<hbm>>, %arg4: memref<32x1000000xf32, #tpu.memory_space<hbm>>, %arg5: memref<32x1000000xf32, #tpu.memory_space<hbm>>, %arg6: memref<48xf32, #tpu.memory_space<hbm>>, %arg7: memref<16384xf32, #tpu.memory_space<hbm>>, %arg8: memref<512xi32, #tpu.memory_space<vmem>>, %arg9: memref<512xi32, #tpu.memory_space<vmem>>, %arg10: memref<16x32x128xf32, #tpu.memory_space<vmem>>, %arg11: memref<32x512xf32, #tpu.memory_space<vmem>>, %arg12: memref<32x512xf32, #tpu.memory_space<vmem>>, %arg13: memref<512xf32, #tpu.memory_space<vmem>>, %arg14: memref<48xf32, #tpu.memory_space<vmem>>, %arg15: memref<!tpu.dma_semaphore, #tpu.memory_space<semaphore_mem>>, %arg16: memref<!tpu.dma_semaphore, #tpu.memory_space<semaphore_mem>>) attributes {dimension_semantics = [#tpu.dimension_semantics<core_parallel>, #tpu.dimension_semantics<subcore_parallel>], iteration_bounds = array<i64: 2, 16>, scalar_prefetch = 0 : i64, scratch_operands = 9 : i64, tpu.core_type = #tpu.core_type<sc_vector_subcore>, window_params = [{transform_indices = #map}, {transform_indices = #map}, {transform_indices = #map}, {transform_indices = #map}, {transform_indices = #map1}, {transform_indices = #map1}]} {
    %mul3A = arith.constant 2 : i32
    %mul3A_0 = arith.muli %arg1, %mul3A : i32
    %add3A = arith.addi %mul3A_0, %arg0 : i32
    %mul3A_1 = arith.constant 512 : i32
    %mul3A_2 = arith.muli %add3A, %mul3A_1 : i32
    %multiple_of3A = tpu.assume_multiple %mul3A_2, 512 : i32
    "tpu.region"() ({
      %run_scoped3A = tpu.sem_alloc : memref<!tpu.dma_semaphore, #tpu.memory_space<semaphore_mem>>
      %dma_start3A = arith.constant 0 : i32
      %dma_start3A_83 = tpu.memref_slice %arg2[%add3A, %dma_start3A] : memref<32x512xi32, #tpu.memory_space<hbm>> -> memref<1x512xi32, #tpu.memory_space<hbm>>
      %dma_start3A_84 = tpu.memref_squeeze %dma_start3A_83 : memref<1x512xi32, #tpu.memory_space<hbm>> -> memref<512xi32, #tpu.memory_space<hbm>>
      %dma_start3A_85 = arith.constant 0 : i32
      %dma_start3A_86 = tpu.memref_slice %arg2[%add3A, %dma_start3A_85] : memref<32x512xi32, #tpu.memory_space<hbm>> -> memref<1x512xi32, #tpu.memory_space<hbm>>
      %dma_start3A_87 = tpu.memref_squeeze %dma_start3A_86 : memref<1x512xi32, #tpu.memory_space<hbm>> -> memref<512xi32, #tpu.memory_space<hbm>>
      tpu.enqueue_dma source(%dma_start3A_87 : memref<512xi32, #tpu.memory_space<hbm>>) target(%arg8 : memref<512xi32, #tpu.memory_space<vmem>>) target_semaphore(%run_scoped3A : memref<!tpu.dma_semaphore, #tpu.memory_space<semaphore_mem>>)
      %dma_wait3A = arith.constant 0 : i32
      %dma_wait3A_88 = tpu.memref_slice %arg2[%add3A, %dma_wait3A] : memref<32x512xi32, #tpu.memory_space<hbm>> -> memref<1x512xi32, #tpu.memory_space<hbm>>
      %dma_wait3A_89 = tpu.memref_squeeze %dma_wait3A_88 : memref<1x512xi32, #tpu.memory_space<hbm>> -> memref<512xi32, #tpu.memory_space<hbm>>
      %dma_wait3A_90 = arith.constant 0 : i32
      %dma_wait3A_91 = tpu.memref_slice %arg2[%add3A, %dma_wait3A_90] : memref<32x512xi32, #tpu.memory_space<hbm>> -> memref<1x512xi32, #tpu.memory_space<hbm>>
      %dma_wait3A_92 = tpu.memref_squeeze %dma_wait3A_91 : memref<1x512xi32, #tpu.memory_space<hbm>> -> memref<512xi32, #tpu.memory_space<hbm>>
      tpu.wait_dma2 semaphore(%run_scoped3A : memref<!tpu.dma_semaphore, #tpu.memory_space<semaphore_mem>>) src(%dma_wait3A_92 : memref<512xi32, #tpu.memory_space<hbm>>) dst(%arg8 : memref<512xi32, #tpu.memory_space<vmem>>)
      tpu.yield
    }) : () -> ()
    "tpu.region"() ({
      %run_scoped3A = tpu.sem_alloc : memref<!tpu.dma_semaphore, #tpu.memory_space<semaphore_mem>>
      %dma_start3A = arith.constant 0 : i32
      %dma_start3A_83 = tpu.memref_slice %arg3[%add3A, %dma_start3A] : memref<32x512xi32, #tpu.memory_space<hbm>> -> memref<1x512xi32, #tpu.memory_space<hbm>>
      %dma_start3A_84 = tpu.memref_squeeze %dma_start3A_83 : memref<1x512xi32, #tpu.memory_space<hbm>> -> memref<512xi32, #tpu.memory_space<hbm>>
      %dma_start3A_85 = arith.constant 0 : i32
      %dma_start3A_86 = tpu.memref_slice %arg3[%add3A, %dma_start3A_85] : memref<32x512xi32, #tpu.memory_space<hbm>> -> memref<1x512xi32, #tpu.memory_space<hbm>>
      %dma_start3A_87 = tpu.memref_squeeze %dma_start3A_86 : memref<1x512xi32, #tpu.memory_space<hbm>> -> memref<512xi32, #tpu.memory_space<hbm>>
      tpu.enqueue_dma source(%dma_start3A_87 : memref<512xi32, #tpu.memory_space<hbm>>) target(%arg9 : memref<512xi32, #tpu.memory_space<vmem>>) target_semaphore(%run_scoped3A : memref<!tpu.dma_semaphore, #tpu.memory_space<semaphore_mem>>)
      %dma_wait3A = arith.constant 0 : i32
      %dma_wait3A_88 = tpu.memref_slice %arg3[%add3A, %dma_wait3A] : memref<32x512xi32, #tpu.memory_space<hbm>> -> memref<1x512xi32, #tpu.memory_space<hbm>>
      %dma_wait3A_89 = tpu.memref_squeeze %dma_wait3A_88 : memref<1x512xi32, #tpu.memory_space<hbm>> -> memref<512xi32, #tpu.memory_space<hbm>>
      %dma_wait3A_90 = arith.constant 0 : i32
      %dma_wait3A_91 = tpu.memref_slice %arg3[%add3A, %dma_wait3A_90] : memref<32x512xi32, #tpu.memory_space<hbm>> -> memref<1x512xi32, #tpu.memory_space<hbm>>
      %dma_wait3A_92 = tpu.memref_squeeze %dma_wait3A_91 : memref<1x512xi32, #tpu.memory_space<hbm>> -> memref<512xi32, #tpu.memory_space<hbm>>
      tpu.wait_dma2 semaphore(%run_scoped3A : memref<!tpu.dma_semaphore, #tpu.memory_space<semaphore_mem>>) src(%dma_wait3A_92 : memref<512xi32, #tpu.memory_space<hbm>>) dst(%arg9 : memref<512xi32, #tpu.memory_space<vmem>>)
      tpu.yield
    }) : () -> ()
    "tpu.region"() ({
      %run_scoped3A = tpu.sem_alloc : memref<!tpu.dma_semaphore, #tpu.memory_space<semaphore_mem>>
      tpu.enqueue_dma source(%arg6 : memref<48xf32, #tpu.memory_space<hbm>>) target(%arg14 : memref<48xf32, #tpu.memory_space<vmem>>) target_semaphore(%run_scoped3A : memref<!tpu.dma_semaphore, #tpu.memory_space<semaphore_mem>>)
      tpu.wait_dma2 semaphore(%run_scoped3A : memref<!tpu.dma_semaphore, #tpu.memory_space<semaphore_mem>>) src(%arg6 : memref<48xf32, #tpu.memory_space<hbm>>) dst(%arg14 : memref<48xf32, #tpu.memory_space<vmem>>)
      tpu.yield
    }) : () -> ()
    %iota3A = tpu.iota {dimensions = array<i32: 0>} : vector<16xi32>
    %scan3A = arith.constant 0 : i32
    %scan3A_3 = arith.constant 0 : i32
    %scan3A_4 = arith.constant 32 : i32
    %scan3A_5 = arith.addi %scan3A_3, %scan3A_4 : i32
    %scan3A_6 = arith.constant 1 : i32
    %scan3A_7 = scf.for %scan3A_83 = %scan3A_3 to %scan3A_5 step %scan3A_6 iter_args(%scan3A_84 = %scan3A) -> (i32)  : i32 {
      %mul3A_85 = arith.constant 16 : i32
      %mul3A_86 = arith.muli %scan3A_83, %mul3A_85 : i32
      %multiple_of3A_87 = tpu.assume_multiple %mul3A_86, 16 : i32
      %get3A_88 = arith.index_cast %multiple_of3A_87 : i32 to index
      %get3A_89 = tpu.vector_load %arg8[%get3A_88] {strides = array<i32>} : memref<512xi32, #tpu.memory_space<vmem>>, vector<16xi32>,
      %and3A = arith.constant 127 : i32
      %and3A_90 = vector.broadcast %and3A : i32 to vector<16xi32>
      %and3A_91 = arith.andi %get3A_89, %and3A_90 : vector<16xi32>
      %slice3A_92 = vector.extract_strided_slice %get3A_89 {offsets = [0], sizes = [1], strides = [1]} : vector<16xi32> to vector<1xi32>
      %squeeze3A_93 = vector.extract %slice3A_92[0] : i32 from vector<1xi32>
      %shift_right_arithmetic3A = arith.constant 7 : i32
      %shift_right_arithmetic3A_94 = arith.shrsi %squeeze3A_93, %shift_right_arithmetic3A : i32
      %mul3A_95 = arith.constant 128 : i32
      %mul3A_96 = arith.muli %shift_right_arithmetic3A_94, %mul3A_95 : i32
      %multiple_of3A_97 = tpu.assume_multiple %mul3A_96, 128 : i32
      %dma_start3A = arith.constant 0 : i32
      %dma_start3A_98 = arith.constant 0 : i32
      %dma_start3A_99 = arith.constant 0 : i32
      %dma_start3A_100 = tpu.memref_slice %arg10[%dma_start3A, %dma_start3A_98, %dma_start3A_99] : memref<16x32x128xf32, #tpu.memory_space<vmem>> -> memref<1x32x128xf32, #tpu.memory_space<vmem>>
      %dma_start3A_101 = tpu.memref_squeeze %dma_start3A_100 : memref<1x32x128xf32, #tpu.memory_space<vmem>> -> memref<32x128xf32, #tpu.memory_space<vmem>>
      %dma_start3A_102 = arith.constant 0 : i32
      %dma_start3A_103 = tpu.memref_slice %arg4[%dma_start3A_102, %multiple_of3A_97] : memref<32x1000000xf32, #tpu.memory_space<hbm>> -> memref<32x128xf32, #tpu.memory_space<hbm>>
      %dma_start3A_104 = arith.constant 0 : i32
      %dma_start3A_105 = arith.constant 0 : i32
      %dma_start3A_106 = tpu.memref_slice %arg10[%dma_start3A, %dma_start3A_104, %dma_start3A_105] : memref<16x32x128xf32, #tpu.memory_space<vmem>> -> memref<1x32x128xf32, #tpu.memory_space<vmem>>
      %dma_start3A_107 = tpu.memref_squeeze %dma_start3A_106 : memref<1x32x128xf32, #tpu.memory_space<vmem>> -> memref<32x128xf32, #tpu.memory_space<vmem>>
      %dma_start3A_108 = arith.constant 0 : i32
      %dma_start3A_109 = tpu.memref_slice %arg4[%dma_start3A_108, %multiple_of3A_97] : memref<32x1000000xf32, #tpu.memory_space<hbm>> -> memref<32x128xf32, #tpu.memory_space<hbm>>
      tpu.enqueue_dma source(%dma_start3A_109 : memref<32x128xf32, #tpu.memory_space<hbm>>) target(%dma_start3A_107 : memref<32x128xf32, #tpu.memory_space<vmem>>) target_semaphore(%arg15 : memref<!tpu.dma_semaphore, #tpu.memory_space<semaphore_mem>>)
      %slice3A_110 = vector.extract_strided_slice %get3A_89 {offsets = [1], sizes = [1], strides = [1]} : vector<16xi32> to vector<1xi32>
      %squeeze3A_111 = vector.extract %slice3A_110[0] : i32 from vector<1xi32>
      %shift_right_arithmetic3A_112 = arith.constant 7 : i32
      %shift_right_arithmetic3A_113 = arith.shrsi %squeeze3A_111, %shift_right_arithmetic3A_112 : i32
      %mul3A_114 = arith.constant 128 : i32
      %mul3A_115 = arith.muli %shift_right_arithmetic3A_113, %mul3A_114 : i32
      %multiple_of3A_116 = tpu.assume_multiple %mul3A_115, 128 : i32
      %dma_start3A_117 = arith.constant 1 : i32
      %dma_start3A_118 = arith.constant 0 : i32
      %dma_start3A_119 = arith.constant 0 : i32
      %dma_start3A_120 = tpu.memref_slice %arg10[%dma_start3A_117, %dma_start3A_118, %dma_start3A_119] : memref<16x32x128xf32, #tpu.memory_space<vmem>> -> memref<1x32x128xf32, #tpu.memory_space<vmem>>
      %dma_start3A_121 = tpu.memref_squeeze %dma_start3A_120 : memref<1x32x128xf32, #tpu.memory_space<vmem>> -> memref<32x128xf32, #tpu.memory_space<vmem>>
      %dma_start3A_122 = arith.constant 0 : i32
      %dma_start3A_123 = tpu.memref_slice %arg4[%dma_start3A_122, %multiple_of3A_116] : memref<32x1000000xf32, #tpu.memory_space<hbm>> -> memref<32x128xf32, #tpu.memory_space<hbm>>
      %dma_start3A_124 = arith.constant 0 : i32
      %dma_start3A_125 = arith.constant 0 : i32
      %dma_start3A_126 = tpu.memref_slice %arg10[%dma_start3A_117, %dma_start3A_124, %dma_start3A_125] : memref<16x32x128xf32, #tpu.memory_space<vmem>> -> memref<1x32x128xf32, #tpu.memory_space<vmem>>
      %dma_start3A_127 = tpu.memref_squeeze %dma_start3A_126 : memref<1x32x128xf32, #tpu.memory_space<vmem>> -> memref<32x128xf32, #tpu.memory_space<vmem>>
      %dma_start3A_128 = arith.constant 0 : i32
      %dma_start3A_129 = tpu.memref_slice %arg4[%dma_start3A_128, %multiple_of3A_116] : memref<32x1000000xf32, #tpu.memory_space<hbm>> -> memref<32x128xf32, #tpu.memory_space<hbm>>
      tpu.enqueue_dma source(%dma_start3A_129 : memref<32x128xf32, #tpu.memory_space<hbm>>) target(%dma_start3A_127 : memref<32x128xf32, #tpu.memory_space<vmem>>) target_semaphore(%arg15 : memref<!tpu.dma_semaphore, #tpu.memory_space<semaphore_mem>>)
      %slice3A_130 = vector.extract_strided_slice %get3A_89 {offsets = [2], sizes = [1], strides = [1]} : vector<16xi32> to vector<1xi32>
      %squeeze3A_131 = vector.extract %slice3A_130[0] : i32 from vector<1xi32>
      %shift_right_arithmetic3A_132 = arith.constant 7 : i32
      %shift_right_arithmetic3A_133 = arith.shrsi %squeeze3A_131, %shift_right_arithmetic3A_132 : i32
      %mul3A_134 = arith.constant 128 : i32
      %mul3A_135 = arith.muli %shift_right_arithmetic3A_133, %mul3A_134 : i32
      %multiple_of3A_136 = tpu.assume_multiple %mul3A_135, 128 : i32
      %dma_start3A_137 = arith.constant 2 : i32
      %dma_start3A_138 = arith.constant 0 : i32
      %dma_start3A_139 = arith.constant 0 : i32
      %dma_start3A_140 = tpu.memref_slice %arg10[%dma_start3A_137, %dma_start3A_138, %dma_start3A_139] : memref<16x32x128xf32, #tpu.memory_space<vmem>> -> memref<1x32x128xf32, #tpu.memory_space<vmem>>
      %dma_start3A_141 = tpu.memref_squeeze %dma_start3A_140 : memref<1x32x128xf32, #tpu.memory_space<vmem>> -> memref<32x128xf32, #tpu.memory_space<vmem>>
      %dma_start3A_142 = arith.constant 0 : i32
      %dma_start3A_143 = tpu.memref_slice %arg4[%dma_start3A_142, %multiple_of3A_136] : memref<32x1000000xf32, #tpu.memory_space<hbm>> -> memref<32x128xf32, #tpu.memory_space<hbm>>
      %dma_start3A_144 = arith.constant 0 : i32
      %dma_start3A_145 = arith.constant 0 : i32
      %dma_start3A_146 = tpu.memref_slice %arg10[%dma_start3A_137, %dma_start3A_144, %dma_start3A_145] : memref<16x32x128xf32, #tpu.memory_space<vmem>> -> memref<1x32x128xf32, #tpu.memory_space<vmem>>
      %dma_start3A_147 = tpu.memref_squeeze %dma_start3A_146 : memref<1x32x128xf32, #tpu.memory_space<vmem>> -> memref<32x128xf32, #tpu.memory_space<vmem>>
      %dma_start3A_148 = arith.constant 0 : i32
      %dma_start3A_149 = tpu.memref_slice %arg4[%dma_start3A_148, %multiple_of3A_136] : memref<32x1000000xf32, #tpu.memory_space<hbm>> -> memref<32x128xf32, #tpu.memory_space<hbm>>
      tpu.enqueue_dma source(%dma_start3A_149 : memref<32x128xf32, #tpu.memory_space<hbm>>) target(%dma_start3A_147 : memref<32x128xf32, #tpu.memory_space<vmem>>) target_semaphore(%arg15 : memref<!tpu.dma_semaphore, #tpu.memory_space<semaphore_mem>>)
      %slice3A_150 = vector.extract_strided_slice %get3A_89 {offsets = [3], sizes = [1], strides = [1]} : vector<16xi32> to vector<1xi32>
      %squeeze3A_151 = vector.extract %slice3A_150[0] : i32 from vector<1xi32>
      %shift_right_arithmetic3A_152 = arith.constant 7 : i32
      %shift_right_arithmetic3A_153 = arith.shrsi %squeeze3A_151, %shift_right_arithmetic3A_152 : i32
      %mul3A_154 = arith.constant 128 : i32
      %mul3A_155 = arith.muli %shift_right_arithmetic3A_153, %mul3A_154 : i32
      %multiple_of3A_156 = tpu.assume_multiple %mul3A_155, 128 : i32
      %dma_start3A_157 = arith.constant 3 : i32
      %dma_start3A_158 = arith.constant 0 : i32
      %dma_start3A_159 = arith.constant 0 : i32
      %dma_start3A_160 = tpu.memref_slice %arg10[%dma_start3A_157, %dma_start3A_158, %dma_start3A_159] : memref<16x32x128xf32, #tpu.memory_space<vmem>> -> memref<1x32x128xf32, #tpu.memory_space<vmem>>
      %dma_start3A_161 = tpu.memref_squeeze %dma_start3A_160 : memref<1x32x128xf32, #tpu.memory_space<vmem>> -> memref<32x128xf32, #tpu.memory_space<vmem>>
      %dma_start3A_162 = arith.constant 0 : i32
      %dma_start3A_163 = tpu.memref_slice %arg4[%dma_start3A_162, %multiple_of3A_156] : memref<32x1000000xf32, #tpu.memory_space<hbm>> -> memref<32x128xf32, #tpu.memory_space<hbm>>
      %dma_start3A_164 = arith.constant 0 : i32
      %dma_start3A_165 = arith.constant 0 : i32
      %dma_start3A_166 = tpu.memref_slice %arg10[%dma_start3A_157, %dma_start3A_164, %dma_start3A_165] : memref<16x32x128xf32, #tpu.memory_space<vmem>> -> memref<1x32x128xf32, #tpu.memory_space<vmem>>
      %dma_start3A_167 = tpu.memref_squeeze %dma_start3A_166 : memref<1x32x128xf32, #tpu.memory_space<vmem>> -> memref<32x128xf32, #tpu.memory_space<vmem>>
      %dma_start3A_168 = arith.constant 0 : i32
      %dma_start3A_169 = tpu.memref_slice %arg4[%dma_start3A_168, %multiple_of3A_156] : memref<32x1000000xf32, #tpu.memory_space<hbm>> -> memref<32x128xf32, #tpu.memory_space<hbm>>
      tpu.enqueue_dma source(%dma_start3A_169 : memref<32x128xf32, #tpu.memory_space<hbm>>) target(%dma_start3A_167 : memref<32x128xf32, #tpu.memory_space<vmem>>) target_semaphore(%arg15 : memref<!tpu.dma_semaphore, #tpu.memory_space<semaphore_mem>>)
      %slice3A_170 = vector.extract_strided_slice %get3A_89 {offsets = [4], sizes = [1], strides = [1]} : vector<16xi32> to vector<1xi32>
      %squeeze3A_171 = vector.extract %slice3A_170[0] : i32 from vector<1xi32>
      %shift_right_arithmetic3A_172 = arith.constant 7 : i32
      %shift_right_arithmetic3A_173 = arith.shrsi %squeeze3A_171, %shift_right_arithmetic3A_172 : i32
      %mul3A_174 = arith.constant 128 : i32
      %mul3A_175 = arith.muli %shift_right_arithmetic3A_173, %mul3A_174 : i32
      %multiple_of3A_176 = tpu.assume_multiple %mul3A_175, 128 : i32
      %dma_start3A_177 = arith.constant 4 : i32
      %dma_start3A_178 = arith.constant 0 : i32
      %dma_start3A_179 = arith.constant 0 : i32
      %dma_start3A_180 = tpu.memref_slice %arg10[%dma_start3A_177, %dma_start3A_178, %dma_start3A_179] : memref<16x32x128xf32, #tpu.memory_space<vmem>> -> memref<1x32x128xf32, #tpu.memory_space<vmem>>
      %dma_start3A_181 = tpu.memref_squeeze %dma_start3A_180 : memref<1x32x128xf32, #tpu.memory_space<vmem>> -> memref<32x128xf32, #tpu.memory_space<vmem>>
      %dma_start3A_182 = arith.constant 0 : i32
      %dma_start3A_183 = tpu.memref_slice %arg4[%dma_start3A_182, %multiple_of3A_176] : memref<32x1000000xf32, #tpu.memory_space<hbm>> -> memref<32x128xf32, #tpu.memory_space<hbm>>
      %dma_start3A_184 = arith.constant 0 : i32
      %dma_start3A_185 = arith.constant 0 : i32
      %dma_start3A_186 = tpu.memref_slice %arg10[%dma_start3A_177, %dma_start3A_184, %dma_start3A_185] : memref<16x32x128xf32, #tpu.memory_space<vmem>> -> memref<1x32x128xf32, #tpu.memory_space<vmem>>
      %dma_start3A_187 = tpu.memref_squeeze %dma_start3A_186 : memref<1x32x128xf32, #tpu.memory_space<vmem>> -> memref<32x128xf32, #tpu.memory_space<vmem>>
      %dma_start3A_188 = arith.constant 0 : i32
      %dma_start3A_189 = tpu.memref_slice %arg4[%dma_start3A_188, %multiple_of3A_176] : memref<32x1000000xf32, #tpu.memory_space<hbm>> -> memref<32x128xf32, #tpu.memory_space<hbm>>
      tpu.enqueue_dma source(%dma_start3A_189 : memref<32x128xf32, #tpu.memory_space<hbm>>) target(%dma_start3A_187 : memref<32x128xf32, #tpu.memory_space<vmem>>) target_semaphore(%arg15 : memref<!tpu.dma_semaphore, #tpu.memory_space<semaphore_mem>>)
      %slice3A_190 = vector.extract_strided_slice %get3A_89 {offsets = [5], sizes = [1], strides = [1]} : vector<16xi32> to vector<1xi32>
      %squeeze3A_191 = vector.extract %slice3A_190[0] : i32 from vector<1xi32>
      %shift_right_arithmetic3A_192 = arith.constant 7 : i32
      %shift_right_arithmetic3A_193 = arith.shrsi %squeeze3A_191, %shift_right_arithmetic3A_192 : i32
      %mul3A_194 = arith.constant 128 : i32
      %mul3A_195 = arith.muli %shift_right_arithmetic3A_193, %mul3A_194 : i32
      %multiple_of3A_196 = tpu.assume_multiple %mul3A_195, 128 : i32
      %dma_start3A_197 = arith.constant 5 : i32
      %dma_start3A_198 = arith.constant 0 : i32
      %dma_start3A_199 = arith.constant 0 : i32
      %dma_start3A_200 = tpu.memref_slice %arg10[%dma_start3A_197, %dma_start3A_198, %dma_start3A_199] : memref<16x32x128xf32, #tpu.memory_space<vmem>> -> memref<1x32x128xf32, #tpu.memory_space<vmem>>
      %dma_start3A_201 = tpu.memref_squeeze %dma_start3A_200 : memref<1x32x128xf32, #tpu.memory_space<vmem>> -> memref<32x128xf32, #tpu.memory_space<vmem>>
      %dma_start3A_202 = arith.constant 0 : i32
      %dma_start3A_203 = tpu.memref_slice %arg4[%dma_start3A_202, %multiple_of3A_196] : memref<32x1000000xf32, #tpu.memory_space<hbm>> -> memref<32x128xf32, #tpu.memory_space<hbm>>
      %dma_start3A_204 = arith.constant 0 : i32
      %dma_start3A_205 = arith.constant 0 : i32
      %dma_start3A_206 = tpu.memref_slice %arg10[%dma_start3A_197, %dma_start3A_204, %dma_start3A_205] : memref<16x32x128xf32, #tpu.memory_space<vmem>> -> memref<1x32x128xf32, #tpu.memory_space<vmem>>
      %dma_start3A_207 = tpu.memref_squeeze %dma_start3A_206 : memref<1x32x128xf32, #tpu.memory_space<vmem>> -> memref<32x128xf32, #tpu.memory_space<vmem>>
      %dma_start3A_208 = arith.constant 0 : i32
      %dma_start3A_209 = tpu.memref_slice %arg4[%dma_start3A_208, %multiple_of3A_196] : memref<32x1000000xf32, #tpu.memory_space<hbm>> -> memref<32x128xf32, #tpu.memory_space<hbm>>
      tpu.enqueue_dma source(%dma_start3A_209 : memref<32x128xf32, #tpu.memory_space<hbm>>) target(%dma_start3A_207 : memref<32x128xf32, #tpu.memory_space<vmem>>) target_semaphore(%arg15 : memref<!tpu.dma_semaphore, #tpu.memory_space<semaphore_mem>>)
      %slice3A_210 = vector.extract_strided_slice %get3A_89 {offsets = [6], sizes = [1], strides = [1]} : vector<16xi32> to vector<1xi32>
      %squeeze3A_211 = vector.extract %slice3A_210[0] : i32 from vector<1xi32>
      %shift_right_arithmetic3A_212 = arith.constant 7 : i32
      %shift_right_arithmetic3A_213 = arith.shrsi %squeeze3A_211, %shift_right_arithmetic3A_212 : i32
      %mul3A_214 = arith.constant 128 : i32
      %mul3A_215 = arith.muli %shift_right_arithmetic3A_213, %mul3A_214 : i32
      %multiple_of3A_216 = tpu.assume_multiple %mul3A_215, 128 : i32
      %dma_start3A_217 = arith.constant 6 : i32
      %dma_start3A_218 = arith.constant 0 : i32
      %dma_start3A_219 = arith.constant 0 : i32
      %dma_start3A_220 = tpu.memref_slice %arg10[%dma_start3A_217, %dma_start3A_218, %dma_start3A_219] : memref<16x32x128xf32, #tpu.memory_space<vmem>> -> memref<1x32x128xf32, #tpu.memory_space<vmem>>
      %dma_start3A_221 = tpu.memref_squeeze %dma_start3A_220 : memref<1x32x128xf32, #tpu.memory_space<vmem>> -> memref<32x128xf32, #tpu.memory_space<vmem>>
      %dma_start3A_222 = arith.constant 0 : i32
      %dma_start3A_223 = tpu.memref_slice %arg4[%dma_start3A_222, %multiple_of3A_216] : memref<32x1000000xf32, #tpu.memory_space<hbm>> -> memref<32x128xf32, #tpu.memory_space<hbm>>
      %dma_start3A_224 = arith.constant 0 : i32
      %dma_start3A_225 = arith.constant 0 : i32
      %dma_start3A_226 = tpu.memref_slice %arg10[%dma_start3A_217, %dma_start3A_224, %dma_start3A_225] : memref<16x32x128xf32, #tpu.memory_space<vmem>> -> memref<1x32x128xf32, #tpu.memory_space<vmem>>
      %dma_start3A_227 = tpu.memref_squeeze %dma_start3A_226 : memref<1x32x128xf32, #tpu.memory_space<vmem>> -> memref<32x128xf32, #tpu.memory_space<vmem>>
      %dma_start3A_228 = arith.constant 0 : i32
      %dma_start3A_229 = tpu.memref_slice %arg4[%dma_start3A_228, %multiple_of3A_216] : memref<32x1000000xf32, #tpu.memory_space<hbm>> -> memref<32x128xf32, #tpu.memory_space<hbm>>
      tpu.enqueue_dma source(%dma_start3A_229 : memref<32x128xf32, #tpu.memory_space<hbm>>) target(%dma_start3A_227 : memref<32x128xf32, #tpu.memory_space<vmem>>) target_semaphore(%arg15 : memref<!tpu.dma_semaphore, #tpu.memory_space<semaphore_mem>>)
      %slice3A_230 = vector.extract_strided_slice %get3A_89 {offsets = [7], sizes = [1], strides = [1]} : vector<16xi32> to vector<1xi32>
      %squeeze3A_231 = vector.extract %slice3A_230[0] : i32 from vector<1xi32>
      %shift_right_arithmetic3A_232 = arith.constant 7 : i32
      %shift_right_arithmetic3A_233 = arith.shrsi %squeeze3A_231, %shift_right_arithmetic3A_232 : i32
      %mul3A_234 = arith.constant 128 : i32
      %mul3A_235 = arith.muli %shift_right_arithmetic3A_233, %mul3A_234 : i32
      %multiple_of3A_236 = tpu.assume_multiple %mul3A_235, 128 : i32
      %dma_start3A_237 = arith.constant 7 : i32
      %dma_start3A_238 = arith.constant 0 : i32
      %dma_start3A_239 = arith.constant 0 : i32
      %dma_start3A_240 = tpu.memref_slice %arg10[%dma_start3A_237, %dma_start3A_238, %dma_start3A_239] : memref<16x32x128xf32, #tpu.memory_space<vmem>> -> memref<1x32x128xf32, #tpu.memory_space<vmem>>
      %dma_start3A_241 = tpu.memref_squeeze %dma_start3A_240 : memref<1x32x128xf32, #tpu.memory_space<vmem>> -> memref<32x128xf32, #tpu.memory_space<vmem>>
      %dma_start3A_242 = arith.constant 0 : i32
      %dma_start3A_243 = tpu.memref_slice %arg4[%dma_start3A_242, %multiple_of3A_236] : memref<32x1000000xf32, #tpu.memory_space<hbm>> -> memref<32x128xf32, #tpu.memory_space<hbm>>
      %dma_start3A_244 = arith.constant 0 : i32
      %dma_start3A_245 = arith.constant 0 : i32
      %dma_start3A_246 = tpu.memref_slice %arg10[%dma_start3A_237, %dma_start3A_244, %dma_start3A_245] : memref<16x32x128xf32, #tpu.memory_space<vmem>> -> memref<1x32x128xf32, #tpu.memory_space<vmem>>
      %dma_start3A_247 = tpu.memref_squeeze %dma_start3A_246 : memref<1x32x128xf32, #tpu.memory_space<vmem>> -> memref<32x128xf32, #tpu.memory_space<vmem>>
      %dma_start3A_248 = arith.constant 0 : i32
      %dma_start3A_249 = tpu.memref_slice %arg4[%dma_start3A_248, %multiple_of3A_236] : memref<32x1000000xf32, #tpu.memory_space<hbm>> -> memref<32x128xf32, #tpu.memory_space<hbm>>
      tpu.enqueue_dma source(%dma_start3A_249 : memref<32x128xf32, #tpu.memory_space<hbm>>) target(%dma_start3A_247 : memref<32x128xf32, #tpu.memory_space<vmem>>) target_semaphore(%arg15 : memref<!tpu.dma_semaphore, #tpu.memory_space<semaphore_mem>>)
      %slice3A_250 = vector.extract_strided_slice %get3A_89 {offsets = [8], sizes = [1], strides = [1]} : vector<16xi32> to vector<1xi32>
      %squeeze3A_251 = vector.extract %slice3A_250[0] : i32 from vector<1xi32>
      %shift_right_arithmetic3A_252 = arith.constant 7 : i32
      %shift_right_arithmetic3A_253 = arith.shrsi %squeeze3A_251, %shift_right_arithmetic3A_252 : i32
      %mul3A_254 = arith.constant 128 : i32
      %mul3A_255 = arith.muli %shift_right_arithmetic3A_253, %mul3A_254 : i32
      %multiple_of3A_256 = tpu.assume_multiple %mul3A_255, 128 : i32
      %dma_start3A_257 = arith.constant 8 : i32
      %dma_start3A_258 = arith.constant 0 : i32
      %dma_start3A_259 = arith.constant 0 : i32
      %dma_start3A_260 = tpu.memref_slice %arg10[%dma_start3A_257, %dma_start3A_258, %dma_start3A_259] : memref<16x32x128xf32, #tpu.memory_space<vmem>> -> memref<1x32x128xf32, #tpu.memory_space<vmem>>
      %dma_start3A_261 = tpu.memref_squeeze %dma_start3A_260 : memref<1x32x128xf32, #tpu.memory_space<vmem>> -> memref<32x128xf32, #tpu.memory_space<vmem>>
      %dma_start3A_262 = arith.constant 0 : i32
      %dma_start3A_263 = tpu.memref_slice %arg4[%dma_start3A_262, %multiple_of3A_256] : memref<32x1000000xf32, #tpu.memory_space<hbm>> -> memref<32x128xf32, #tpu.memory_space<hbm>>
      %dma_start3A_264 = arith.constant 0 : i32
      %dma_start3A_265 = arith.constant 0 : i32
      %dma_start3A_266 = tpu.memref_slice %arg10[%dma_start3A_257, %dma_start3A_264, %dma_start3A_265] : memref<16x32x128xf32, #tpu.memory_space<vmem>> -> memref<1x32x128xf32, #tpu.memory_space<vmem>>
      %dma_start3A_267 = tpu.memref_squeeze %dma_start3A_266 : memref<1x32x128xf32, #tpu.memory_space<vmem>> -> memref<32x128xf32, #tpu.memory_space<vmem>>
      %dma_start3A_268 = arith.constant 0 : i32
      %dma_start3A_269 = tpu.memref_slice %arg4[%dma_start3A_268, %multiple_of3A_256] : memref<32x1000000xf32, #tpu.memory_space<hbm>> -> memref<32x128xf32, #tpu.memory_space<hbm>>
      tpu.enqueue_dma source(%dma_start3A_269 : memref<32x128xf32, #tpu.memory_space<hbm>>) target(%dma_start3A_267 : memref<32x128xf32, #tpu.memory_space<vmem>>) target_semaphore(%arg15 : memref<!tpu.dma_semaphore, #tpu.memory_space<semaphore_mem>>)
      %slice3A_270 = vector.extract_strided_slice %get3A_89 {offsets = [9], sizes = [1], strides = [1]} : vector<16xi32> to vector<1xi32>
      %squeeze3A_271 = vector.extract %slice3A_270[0] : i32 from vector<1xi32>
      %shift_right_arithmetic3A_272 = arith.constant 7 : i32
      %shift_right_arithmetic3A_273 = arith.shrsi %squeeze3A_271, %shift_right_arithmetic3A_272 : i32
      %mul3A_274 = arith.constant 128 : i32
      %mul3A_275 = arith.muli %shift_right_arithmetic3A_273, %mul3A_274 : i32
      %multiple_of3A_276 = tpu.assume_multiple %mul3A_275, 128 : i32
      %dma_start3A_277 = arith.constant 9 : i32
      %dma_start3A_278 = arith.constant 0 : i32
      %dma_start3A_279 = arith.constant 0 : i32
      %dma_start3A_280 = tpu.memref_slice %arg10[%dma_start3A_277, %dma_start3A_278, %dma_start3A_279] : memref<16x32x128xf32, #tpu.memory_space<vmem>> -> memref<1x32x128xf32, #tpu.memory_space<vmem>>
      %dma_start3A_281 = tpu.memref_squeeze %dma_start3A_280 : memref<1x32x128xf32, #tpu.memory_space<vmem>> -> memref<32x128xf32, #tpu.memory_space<vmem>>
      %dma_start3A_282 = arith.constant 0 : i32
      %dma_start3A_283 = tpu.memref_slice %arg4[%dma_start3A_282, %multiple_of3A_276] : memref<32x1000000xf32, #tpu.memory_space<hbm>> -> memref<32x128xf32, #tpu.memory_space<hbm>>
      %dma_start3A_284 = arith.constant 0 : i32
      %dma_start3A_285 = arith.constant 0 : i32
      %dma_start3A_286 = tpu.memref_slice %arg10[%dma_start3A_277, %dma_start3A_284, %dma_start3A_285] : memref<16x32x128xf32, #tpu.memory_space<vmem>> -> memref<1x32x128xf32, #tpu.memory_space<vmem>>
      %dma_start3A_287 = tpu.memref_squeeze %dma_start3A_286 : memref<1x32x128xf32, #tpu.memory_space<vmem>> -> memref<32x128xf32, #tpu.memory_space<vmem>>
      %dma_start3A_288 = arith.constant 0 : i32
      %dma_start3A_289 = tpu.memref_slice %arg4[%dma_start3A_288, %multiple_of3A_276] : memref<32x1000000xf32, #tpu.memory_space<hbm>> -> memref<32x128xf32, #tpu.memory_space<hbm>>
      tpu.enqueue_dma source(%dma_start3A_289 : memref<32x128xf32, #tpu.memory_space<hbm>>) target(%dma_start3A_287 : memref<32x128xf32, #tpu.memory_space<vmem>>) target_semaphore(%arg15 : memref<!tpu.dma_semaphore, #tpu.memory_space<semaphore_mem>>)
      %slice3A_290 = vector.extract_strided_slice %get3A_89 {offsets = [10], sizes = [1], strides = [1]} : vector<16xi32> to vector<1xi32>
      %squeeze3A_291 = vector.extract %slice3A_290[0] : i32 from vector<1xi32>
      %shift_right_arithmetic3A_292 = arith.constant 7 : i32
      %shift_right_arithmetic3A_293 = arith.shrsi %squeeze3A_291, %shift_right_arithmetic3A_292 : i32
      %mul3A_294 = arith.constant 128 : i32
      %mul3A_295 = arith.muli %shift_right_arithmetic3A_293, %mul3A_294 : i32
      %multiple_of3A_296 = tpu.assume_multiple %mul3A_295, 128 : i32
      %dma_start3A_297 = arith.constant 10 : i32
      %dma_start3A_298 = arith.constant 0 : i32
      %dma_start3A_299 = arith.constant 0 : i32
      %dma_start3A_300 = tpu.memref_slice %arg10[%dma_start3A_297, %dma_start3A_298, %dma_start3A_299] : memref<16x32x128xf32, #tpu.memory_space<vmem>> -> memref<1x32x128xf32, #tpu.memory_space<vmem>>
      %dma_start3A_301 = tpu.memref_squeeze %dma_start3A_300 : memref<1x32x128xf32, #tpu.memory_space<vmem>> -> memref<32x128xf32, #tpu.memory_space<vmem>>
      %dma_start3A_302 = arith.constant 0 : i32
      %dma_start3A_303 = tpu.memref_slice %arg4[%dma_start3A_302, %multiple_of3A_296] : memref<32x1000000xf32, #tpu.memory_space<hbm>> -> memref<32x128xf32, #tpu.memory_space<hbm>>
      %dma_start3A_304 = arith.constant 0 : i32
      %dma_start3A_305 = arith.constant 0 : i32
      %dma_start3A_306 = tpu.memref_slice %arg10[%dma_start3A_297, %dma_start3A_304, %dma_start3A_305] : memref<16x32x128xf32, #tpu.memory_space<vmem>> -> memref<1x32x128xf32, #tpu.memory_space<vmem>>
      %dma_start3A_307 = tpu.memref_squeeze %dma_start3A_306 : memref<1x32x128xf32, #tpu.memory_space<vmem>> -> memref<32x128xf32, #tpu.memory_space<vmem>>
      %dma_start3A_308 = arith.constant 0 : i32
      %dma_start3A_309 = tpu.memref_slice %arg4[%dma_start3A_308, %multiple_of3A_296] : memref<32x1000000xf32, #tpu.memory_space<hbm>> -> memref<32x128xf32, #tpu.memory_space<hbm>>
      tpu.enqueue_dma source(%dma_start3A_309 : memref<32x128xf32, #tpu.memory_space<hbm>>) target(%dma_start3A_307 : memref<32x128xf32, #tpu.memory_space<vmem>>) target_semaphore(%arg15 : memref<!tpu.dma_semaphore, #tpu.memory_space<semaphore_mem>>)
      %slice3A_310 = vector.extract_strided_slice %get3A_89 {offsets = [11], sizes = [1], strides = [1]} : vector<16xi32> to vector<1xi32>
      %squeeze3A_311 = vector.extract %slice3A_310[0] : i32 from vector<1xi32>
      %shift_right_arithmetic3A_312 = arith.constant 7 : i32
      %shift_right_arithmetic3A_313 = arith.shrsi %squeeze3A_311, %shift_right_arithmetic3A_312 : i32
      %mul3A_314 = arith.constant 128 : i32
      %mul3A_315 = arith.muli %shift_right_arithmetic3A_313, %mul3A_314 : i32
      %multiple_of3A_316 = tpu.assume_multiple %mul3A_315, 128 : i32
      %dma_start3A_317 = arith.constant 11 : i32
      %dma_start3A_318 = arith.constant 0 : i32
      %dma_start3A_319 = arith.constant 0 : i32
      %dma_start3A_320 = tpu.memref_slice %arg10[%dma_start3A_317, %dma_start3A_318, %dma_start3A_319] : memref<16x32x128xf32, #tpu.memory_space<vmem>> -> memref<1x32x128xf32, #tpu.memory_space<vmem>>
      %dma_start3A_321 = tpu.memref_squeeze %dma_start3A_320 : memref<1x32x128xf32, #tpu.memory_space<vmem>> -> memref<32x128xf32, #tpu.memory_space<vmem>>
      %dma_start3A_322 = arith.constant 0 : i32
      %dma_start3A_323 = tpu.memref_slice %arg4[%dma_start3A_322, %multiple_of3A_316] : memref<32x1000000xf32, #tpu.memory_space<hbm>> -> memref<32x128xf32, #tpu.memory_space<hbm>>
      %dma_start3A_324 = arith.constant 0 : i32
      %dma_start3A_325 = arith.constant 0 : i32
      %dma_start3A_326 = tpu.memref_slice %arg10[%dma_start3A_317, %dma_start3A_324, %dma_start3A_325] : memref<16x32x128xf32, #tpu.memory_space<vmem>> -> memref<1x32x128xf32, #tpu.memory_space<vmem>>
      %dma_start3A_327 = tpu.memref_squeeze %dma_start3A_326 : memref<1x32x128xf32, #tpu.memory_space<vmem>> -> memref<32x128xf32, #tpu.memory_space<vmem>>
      %dma_start3A_328 = arith.constant 0 : i32
      %dma_start3A_329 = tpu.memref_slice %arg4[%dma_start3A_328, %multiple_of3A_316] : memref<32x1000000xf32, #tpu.memory_space<hbm>> -> memref<32x128xf32, #tpu.memory_space<hbm>>
      tpu.enqueue_dma source(%dma_start3A_329 : memref<32x128xf32, #tpu.memory_space<hbm>>) target(%dma_start3A_327 : memref<32x128xf32, #tpu.memory_space<vmem>>) target_semaphore(%arg15 : memref<!tpu.dma_semaphore, #tpu.memory_space<semaphore_mem>>)
      %slice3A_330 = vector.extract_strided_slice %get3A_89 {offsets = [12], sizes = [1], strides = [1]} : vector<16xi32> to vector<1xi32>
      %squeeze3A_331 = vector.extract %slice3A_330[0] : i32 from vector<1xi32>
      %shift_right_arithmetic3A_332 = arith.constant 7 : i32
      %shift_right_arithmetic3A_333 = arith.shrsi %squeeze3A_331, %shift_right_arithmetic3A_332 : i32
      %mul3A_334 = arith.constant 128 : i32
      %mul3A_335 = arith.muli %shift_right_arithmetic3A_333, %mul3A_334 : i32
      %multiple_of3A_336 = tpu.assume_multiple %mul3A_335, 128 : i32
      %dma_start3A_337 = arith.constant 12 : i32
      %dma_start3A_338 = arith.constant 0 : i32
      %dma_start3A_339 = arith.constant 0 : i32
      %dma_start3A_340 = tpu.memref_slice %arg10[%dma_start3A_337, %dma_start3A_338, %dma_start3A_339] : memref<16x32x128xf32, #tpu.memory_space<vmem>> -> memref<1x32x128xf32, #tpu.memory_space<vmem>>
      %dma_start3A_341 = tpu.memref_squeeze %dma_start3A_340 : memref<1x32x128xf32, #tpu.memory_space<vmem>> -> memref<32x128xf32, #tpu.memory_space<vmem>>
      %dma_start3A_342 = arith.constant 0 : i32
      %dma_start3A_343 = tpu.memref_slice %arg4[%dma_start3A_342, %multiple_of3A_336] : memref<32x1000000xf32, #tpu.memory_space<hbm>> -> memref<32x128xf32, #tpu.memory_space<hbm>>
      %dma_start3A_344 = arith.constant 0 : i32
      %dma_start3A_345 = arith.constant 0 : i32
      %dma_start3A_346 = tpu.memref_slice %arg10[%dma_start3A_337, %dma_start3A_344, %dma_start3A_345] : memref<16x32x128xf32, #tpu.memory_space<vmem>> -> memref<1x32x128xf32, #tpu.memory_space<vmem>>
      %dma_start3A_347 = tpu.memref_squeeze %dma_start3A_346 : memref<1x32x128xf32, #tpu.memory_space<vmem>> -> memref<32x128xf32, #tpu.memory_space<vmem>>
      %dma_start3A_348 = arith.constant 0 : i32
      %dma_start3A_349 = tpu.memref_slice %arg4[%dma_start3A_348, %multiple_of3A_336] : memref<32x1000000xf32, #tpu.memory_space<hbm>> -> memref<32x128xf32, #tpu.memory_space<hbm>>
      tpu.enqueue_dma source(%dma_start3A_349 : memref<32x128xf32, #tpu.memory_space<hbm>>) target(%dma_start3A_347 : memref<32x128xf32, #tpu.memory_space<vmem>>) target_semaphore(%arg15 : memref<!tpu.dma_semaphore, #tpu.memory_space<semaphore_mem>>)
      %slice3A_350 = vector.extract_strided_slice %get3A_89 {offsets = [13], sizes = [1], strides = [1]} : vector<16xi32> to vector<1xi32>
      %squeeze3A_351 = vector.extract %slice3A_350[0] : i32 from vector<1xi32>
      %shift_right_arithmetic3A_352 = arith.constant 7 : i32
      %shift_right_arithmetic3A_353 = arith.shrsi %squeeze3A_351, %shift_right_arithmetic3A_352 : i32
      %mul3A_354 = arith.constant 128 : i32
      %mul3A_355 = arith.muli %shift_right_arithmetic3A_353, %mul3A_354 : i32
      %multiple_of3A_356 = tpu.assume_multiple %mul3A_355, 128 : i32
      %dma_start3A_357 = arith.constant 13 : i32
      %dma_start3A_358 = arith.constant 0 : i32
      %dma_start3A_359 = arith.constant 0 : i32
      %dma_start3A_360 = tpu.memref_slice %arg10[%dma_start3A_357, %dma_start3A_358, %dma_start3A_359] : memref<16x32x128xf32, #tpu.memory_space<vmem>> -> memref<1x32x128xf32, #tpu.memory_space<vmem>>
      %dma_start3A_361 = tpu.memref_squeeze %dma_start3A_360 : memref<1x32x128xf32, #tpu.memory_space<vmem>> -> memref<32x128xf32, #tpu.memory_space<vmem>>
      %dma_start3A_362 = arith.constant 0 : i32
      %dma_start3A_363 = tpu.memref_slice %arg4[%dma_start3A_362, %multiple_of3A_356] : memref<32x1000000xf32, #tpu.memory_space<hbm>> -> memref<32x128xf32, #tpu.memory_space<hbm>>
      %dma_start3A_364 = arith.constant 0 : i32
      %dma_start3A_365 = arith.constant 0 : i32
      %dma_start3A_366 = tpu.memref_slice %arg10[%dma_start3A_357, %dma_start3A_364, %dma_start3A_365] : memref<16x32x128xf32, #tpu.memory_space<vmem>> -> memref<1x32x128xf32, #tpu.memory_space<vmem>>
      %dma_start3A_367 = tpu.memref_squeeze %dma_start3A_366 : memref<1x32x128xf32, #tpu.memory_space<vmem>> -> memref<32x128xf32, #tpu.memory_space<vmem>>
      %dma_start3A_368 = arith.constant 0 : i32
      %dma_start3A_369 = tpu.memref_slice %arg4[%dma_start3A_368, %multiple_of3A_356] : memref<32x1000000xf32, #tpu.memory_space<hbm>> -> memref<32x128xf32, #tpu.memory_space<hbm>>
      tpu.enqueue_dma source(%dma_start3A_369 : memref<32x128xf32, #tpu.memory_space<hbm>>) target(%dma_start3A_367 : memref<32x128xf32, #tpu.memory_space<vmem>>) target_semaphore(%arg15 : memref<!tpu.dma_semaphore, #tpu.memory_space<semaphore_mem>>)
      %slice3A_370 = vector.extract_strided_slice %get3A_89 {offsets = [14], sizes = [1], strides = [1]} : vector<16xi32> to vector<1xi32>
      %squeeze3A_371 = vector.extract %slice3A_370[0] : i32 from vector<1xi32>
      %shift_right_arithmetic3A_372 = arith.constant 7 : i32
      %shift_right_arithmetic3A_373 = arith.shrsi %squeeze3A_371, %shift_right_arithmetic3A_372 : i32
      %mul3A_374 = arith.constant 128 : i32
      %mul3A_375 = arith.muli %shift_right_arithmetic3A_373, %mul3A_374 : i32
      %multiple_of3A_376 = tpu.assume_multiple %mul3A_375, 128 : i32
      %dma_start3A_377 = arith.constant 14 : i32
      %dma_start3A_378 = arith.constant 0 : i32
      %dma_start3A_379 = arith.constant 0 : i32
      %dma_start3A_380 = tpu.memref_slice %arg10[%dma_start3A_377, %dma_start3A_378, %dma_start3A_379] : memref<16x32x128xf32, #tpu.memory_space<vmem>> -> memref<1x32x128xf32, #tpu.memory_space<vmem>>
      %dma_start3A_381 = tpu.memref_squeeze %dma_start3A_380 : memref<1x32x128xf32, #tpu.memory_space<vmem>> -> memref<32x128xf32, #tpu.memory_space<vmem>>
      %dma_start3A_382 = arith.constant 0 : i32
      %dma_start3A_383 = tpu.memref_slice %arg4[%dma_start3A_382, %multiple_of3A_376] : memref<32x1000000xf32, #tpu.memory_space<hbm>> -> memref<32x128xf32, #tpu.memory_space<hbm>>
      %dma_start3A_384 = arith.constant 0 : i32
      %dma_start3A_385 = arith.constant 0 : i32
      %dma_start3A_386 = tpu.memref_slice %arg10[%dma_start3A_377, %dma_start3A_384, %dma_start3A_385] : memref<16x32x128xf32, #tpu.memory_space<vmem>> -> memref<1x32x128xf32, #tpu.memory_space<vmem>>
      %dma_start3A_387 = tpu.memref_squeeze %dma_start3A_386 : memref<1x32x128xf32, #tpu.memory_space<vmem>> -> memref<32x128xf32, #tpu.memory_space<vmem>>
      %dma_start3A_388 = arith.constant 0 : i32
      %dma_start3A_389 = tpu.memref_slice %arg4[%dma_start3A_388, %multiple_of3A_376] : memref<32x1000000xf32, #tpu.memory_space<hbm>> -> memref<32x128xf32, #tpu.memory_space<hbm>>
      tpu.enqueue_dma source(%dma_start3A_389 : memref<32x128xf32, #tpu.memory_space<hbm>>) target(%dma_start3A_387 : memref<32x128xf32, #tpu.memory_space<vmem>>) target_semaphore(%arg15 : memref<!tpu.dma_semaphore, #tpu.memory_space<semaphore_mem>>)
      %slice3A_390 = vector.extract_strided_slice %get3A_89 {offsets = [15], sizes = [1], strides = [1]} : vector<16xi32> to vector<1xi32>
      %squeeze3A_391 = vector.extract %slice3A_390[0] : i32 from vector<1xi32>
      %shift_right_arithmetic3A_392 = arith.constant 7 : i32
      %shift_right_arithmetic3A_393 = arith.shrsi %squeeze3A_391, %shift_right_arithmetic3A_392 : i32
      %mul3A_394 = arith.constant 128 : i32
      %mul3A_395 = arith.muli %shift_right_arithmetic3A_393, %mul3A_394 : i32
      %multiple_of3A_396 = tpu.assume_multiple %mul3A_395, 128 : i32
      %dma_start3A_397 = arith.constant 15 : i32
      %dma_start3A_398 = arith.constant 0 : i32
      %dma_start3A_399 = arith.constant 0 : i32
      %dma_start3A_400 = tpu.memref_slice %arg10[%dma_start3A_397, %dma_start3A_398, %dma_start3A_399] : memref<16x32x128xf32, #tpu.memory_space<vmem>> -> memref<1x32x128xf32, #tpu.memory_space<vmem>>
      %dma_start3A_401 = tpu.memref_squeeze %dma_start3A_400 : memref<1x32x128xf32, #tpu.memory_space<vmem>> -> memref<32x128xf32, #tpu.memory_space<vmem>>
      %dma_start3A_402 = arith.constant 0 : i32
      %dma_start3A_403 = tpu.memref_slice %arg4[%dma_start3A_402, %multiple_of3A_396] : memref<32x1000000xf32, #tpu.memory_space<hbm>> -> memref<32x128xf32, #tpu.memory_space<hbm>>
      %dma_start3A_404 = arith.constant 0 : i32
      %dma_start3A_405 = arith.constant 0 : i32
      %dma_start3A_406 = tpu.memref_slice %arg10[%dma_start3A_397, %dma_start3A_404, %dma_start3A_405] : memref<16x32x128xf32, #tpu.memory_space<vmem>> -> memref<1x32x128xf32, #tpu.memory_space<vmem>>
      %dma_start3A_407 = tpu.memref_squeeze %dma_start3A_406 : memref<1x32x128xf32, #tpu.memory_space<vmem>> -> memref<32x128xf32, #tpu.memory_space<vmem>>
      %dma_start3A_408 = arith.constant 0 : i32
      %dma_start3A_409 = tpu.memref_slice %arg4[%dma_start3A_408, %multiple_of3A_396] : memref<32x1000000xf32, #tpu.memory_space<hbm>> -> memref<32x128xf32, #tpu.memory_space<hbm>>
      tpu.enqueue_dma source(%dma_start3A_409 : memref<32x128xf32, #tpu.memory_space<hbm>>) target(%dma_start3A_407 : memref<32x128xf32, #tpu.memory_space<vmem>>) target_semaphore(%arg15 : memref<!tpu.dma_semaphore, #tpu.memory_space<semaphore_mem>>)
      %dma_wait3A = arith.constant 0 : i32
      %dma_wait3A_410 = arith.constant 0 : i32
      %dma_wait3A_411 = tpu.memref_slice %arg4[%dma_wait3A, %dma_wait3A_410] : memref<32x1000000xf32, #tpu.memory_space<hbm>> -> memref<32x2048xf32, #tpu.memory_space<hbm>>
      %dma_wait3A_412 = arith.constant 0 : i32
      %dma_wait3A_413 = arith.constant 0 : i32
      %dma_wait3A_414 = tpu.memref_slice %arg4[%dma_wait3A_412, %dma_wait3A_413] : memref<32x1000000xf32, #tpu.memory_space<hbm>> -> memref<32x2048xf32, #tpu.memory_space<hbm>>
      tpu.wait_dma2 semaphore(%arg15 : memref<!tpu.dma_semaphore, #tpu.memory_space<semaphore_mem>>) src(%dma_wait3A_414 : memref<32x2048xf32, #tpu.memory_space<hbm>>) dst(%arg10 : memref<16x32x128xf32, #tpu.memory_space<vmem>>)
      %broadcast_in_dim3A = arith.constant 0 : i32
      %broadcast_in_dim3A_415 = vector.broadcast %broadcast_in_dim3A : i32 to vector<16xi32>
      %gather3A = tpu.vector_load_idx %arg10[%iota3A, %broadcast_in_dim3A_415, %and3A_91] : memref<16x32x128xf32, #tpu.memory_space<vmem>>[vector<16xi32>, vector<16xi32>, vector<16xi32>], vector<16xf32>,
      %swap3A = arith.constant 0 : i32
      %swap3A_416 = arith.index_cast %swap3A : i32 to index
      %swap3A_417 = arith.index_cast %multiple_of3A_87 : i32 to index
      %swap3A_418 = tpu.vector_load %arg11[%swap3A_416, %swap3A_417] {strides = array<i32>} : memref<32x512xf32, #tpu.memory_space<vmem>>, vector<16xf32>,
      tpu.vector_store %arg11[%swap3A_416, %swap3A_417], %gather3A {strides = array<i32>} : memref<32x512xf32, #tpu.memory_space<vmem>>, vector<16xf32>,
      %broadcast_in_dim3A_419 = arith.constant 1 : i32
      %broadcast_in_dim3A_420 = vector.broadcast %broadcast_in_dim3A_419 : i32 to vector<16xi32>
      %gather3A_421 = tpu.vector_load_idx %arg10[%iota3A, %broadcast_in_dim3A_420, %and3A_91] : memref<16x32x128xf32, #tpu.memory_space<vmem>>[vector<16xi32>, vector<16xi32>, vector<16xi32>], vector<16xf32>,
      %swap3A_422 = arith.constant 1 : i32
      %swap3A_423 = arith.index_cast %swap3A_422 : i32 to index
      %swap3A_424 = arith.index_cast %multiple_of3A_87 : i32 to index
      %swap3A_425 = tpu.vector_load %arg11[%swap3A_423, %swap3A_424] {strides = array<i32>} : memref<32x512xf32, #tpu.memory_space<vmem>>, vector<16xf32>,
      tpu.vector_store %arg11[%swap3A_423, %swap3A_424], %gather3A_421 {strides = array<i32>} : memref<32x512xf32, #tpu.memory_space<vmem>>, vector<16xf32>,
      %broadcast_in_dim3A_426 = arith.constant 2 : i32
      %broadcast_in_dim3A_427 = vector.broadcast %broadcast_in_dim3A_426 : i32 to vector<16xi32>
      %gather3A_428 = tpu.vector_load_idx %arg10[%iota3A, %broadcast_in_dim3A_427, %and3A_91] : memref<16x32x128xf32, #tpu.memory_space<vmem>>[vector<16xi32>, vector<16xi32>, vector<16xi32>], vector<16xf32>,
      %swap3A_429 = arith.constant 2 : i32
      %swap3A_430 = arith.index_cast %swap3A_429 : i32 to index
      %swap3A_431 = arith.index_cast %multiple_of3A_87 : i32 to index
      %swap3A_432 = tpu.vector_load %arg11[%swap3A_430, %swap3A_431] {strides = array<i32>} : memref<32x512xf32, #tpu.memory_space<vmem>>, vector<16xf32>,
      tpu.vector_store %arg11[%swap3A_430, %swap3A_431], %gather3A_428 {strides = array<i32>} : memref<32x512xf32, #tpu.memory_space<vmem>>, vector<16xf32>,
      %broadcast_in_dim3A_433 = arith.constant 3 : i32
      %broadcast_in_dim3A_434 = vector.broadcast %broadcast_in_dim3A_433 : i32 to vector<16xi32>
      %gather3A_435 = tpu.vector_load_idx %arg10[%iota3A, %broadcast_in_dim3A_434, %and3A_91] : memref<16x32x128xf32, #tpu.memory_space<vmem>>[vector<16xi32>, vector<16xi32>, vector<16xi32>], vector<16xf32>,
      %swap3A_436 = arith.constant 3 : i32
      %swap3A_437 = arith.index_cast %swap3A_436 : i32 to index
      %swap3A_438 = arith.index_cast %multiple_of3A_87 : i32 to index
      %swap3A_439 = tpu.vector_load %arg11[%swap3A_437, %swap3A_438] {strides = array<i32>} : memref<32x512xf32, #tpu.memory_space<vmem>>, vector<16xf32>,
      tpu.vector_store %arg11[%swap3A_437, %swap3A_438], %gather3A_435 {strides = array<i32>} : memref<32x512xf32, #tpu.memory_space<vmem>>, vector<16xf32>,
      %broadcast_in_dim3A_440 = arith.constant 4 : i32
      %broadcast_in_dim3A_441 = vector.broadcast %broadcast_in_dim3A_440 : i32 to vector<16xi32>
      %gather3A_442 = tpu.vector_load_idx %arg10[%iota3A, %broadcast_in_dim3A_441, %and3A_91] : memref<16x32x128xf32, #tpu.memory_space<vmem>>[vector<16xi32>, vector<16xi32>, vector<16xi32>], vector<16xf32>,
      %swap3A_443 = arith.constant 4 : i32
      %swap3A_444 = arith.index_cast %swap3A_443 : i32 to index
      %swap3A_445 = arith.index_cast %multiple_of3A_87 : i32 to index
      %swap3A_446 = tpu.vector_load %arg11[%swap3A_444, %swap3A_445] {strides = array<i32>} : memref<32x512xf32, #tpu.memory_space<vmem>>, vector<16xf32>,
      tpu.vector_store %arg11[%swap3A_444, %swap3A_445], %gather3A_442 {strides = array<i32>} : memref<32x512xf32, #tpu.memory_space<vmem>>, vector<16xf32>,
      %broadcast_in_dim3A_447 = arith.constant 5 : i32
      %broadcast_in_dim3A_448 = vector.broadcast %broadcast_in_dim3A_447 : i32 to vector<16xi32>
      %gather3A_449 = tpu.vector_load_idx %arg10[%iota3A, %broadcast_in_dim3A_448, %and3A_91] : memref<16x32x128xf32, #tpu.memory_space<vmem>>[vector<16xi32>, vector<16xi32>, vector<16xi32>], vector<16xf32>,
      %swap3A_450 = arith.constant 5 : i32
      %swap3A_451 = arith.index_cast %swap3A_450 : i32 to index
      %swap3A_452 = arith.index_cast %multiple_of3A_87 : i32 to index
      %swap3A_453 = tpu.vector_load %arg11[%swap3A_451, %swap3A_452] {strides = array<i32>} : memref<32x512xf32, #tpu.memory_space<vmem>>, vector<16xf32>,
      tpu.vector_store %arg11[%swap3A_451, %swap3A_452], %gather3A_449 {strides = array<i32>} : memref<32x512xf32, #tpu.memory_space<vmem>>, vector<16xf32>,
      %broadcast_in_dim3A_454 = arith.constant 6 : i32
      %broadcast_in_dim3A_455 = vector.broadcast %broadcast_in_dim3A_454 : i32 to vector<16xi32>
      %gather3A_456 = tpu.vector_load_idx %arg10[%iota3A, %broadcast_in_dim3A_455, %and3A_91] : memref<16x32x128xf32, #tpu.memory_space<vmem>>[vector<16xi32>, vector<16xi32>, vector<16xi32>], vector<16xf32>,
      %swap3A_457 = arith.constant 6 : i32
      %swap3A_458 = arith.index_cast %swap3A_457 : i32 to index
      %swap3A_459 = arith.index_cast %multiple_of3A_87 : i32 to index
      %swap3A_460 = tpu.vector_load %arg11[%swap3A_458, %swap3A_459] {strides = array<i32>} : memref<32x512xf32, #tpu.memory_space<vmem>>, vector<16xf32>,
      tpu.vector_store %arg11[%swap3A_458, %swap3A_459], %gather3A_456 {strides = array<i32>} : memref<32x512xf32, #tpu.memory_space<vmem>>, vector<16xf32>,
      %broadcast_in_dim3A_461 = arith.constant 7 : i32
      %broadcast_in_dim3A_462 = vector.broadcast %broadcast_in_dim3A_461 : i32 to vector<16xi32>
      %gather3A_463 = tpu.vector_load_idx %arg10[%iota3A, %broadcast_in_dim3A_462, %and3A_91] : memref<16x32x128xf32, #tpu.memory_space<vmem>>[vector<16xi32>, vector<16xi32>, vector<16xi32>], vector<16xf32>,
      %swap3A_464 = arith.constant 7 : i32
      %swap3A_465 = arith.index_cast %swap3A_464 : i32 to index
      %swap3A_466 = arith.index_cast %multiple_of3A_87 : i32 to index
      %swap3A_467 = tpu.vector_load %arg11[%swap3A_465, %swap3A_466] {strides = array<i32>} : memref<32x512xf32, #tpu.memory_space<vmem>>, vector<16xf32>,
      tpu.vector_store %arg11[%swap3A_465, %swap3A_466], %gather3A_463 {strides = array<i32>} : memref<32x512xf32, #tpu.memory_space<vmem>>, vector<16xf32>,
      %broadcast_in_dim3A_468 = arith.constant 8 : i32
      %broadcast_in_dim3A_469 = vector.broadcast %broadcast_in_dim3A_468 : i32 to vector<16xi32>
      %gather3A_470 = tpu.vector_load_idx %arg10[%iota3A, %broadcast_in_dim3A_469, %and3A_91] : memref<16x32x128xf32, #tpu.memory_space<vmem>>[vector<16xi32>, vector<16xi32>, vector<16xi32>], vector<16xf32>,
      %swap3A_471 = arith.constant 8 : i32
      %swap3A_472 = arith.index_cast %swap3A_471 : i32 to index
      %swap3A_473 = arith.index_cast %multiple_of3A_87 : i32 to index
      %swap3A_474 = tpu.vector_load %arg11[%swap3A_472, %swap3A_473] {strides = array<i32>} : memref<32x512xf32, #tpu.memory_space<vmem>>, vector<16xf32>,
      tpu.vector_store %arg11[%swap3A_472, %swap3A_473], %gather3A_470 {strides = array<i32>} : memref<32x512xf32, #tpu.memory_space<vmem>>, vector<16xf32>,
      %broadcast_in_dim3A_475 = arith.constant 9 : i32
      %broadcast_in_dim3A_476 = vector.broadcast %broadcast_in_dim3A_475 : i32 to vector<16xi32>
      %gather3A_477 = tpu.vector_load_idx %arg10[%iota3A, %broadcast_in_dim3A_476, %and3A_91] : memref<16x32x128xf32, #tpu.memory_space<vmem>>[vector<16xi32>, vector<16xi32>, vector<16xi32>], vector<16xf32>,
      %swap3A_478 = arith.constant 9 : i32
      %swap3A_479 = arith.index_cast %swap3A_478 : i32 to index
      %swap3A_480 = arith.index_cast %multiple_of3A_87 : i32 to index
      %swap3A_481 = tpu.vector_load %arg11[%swap3A_479, %swap3A_480] {strides = array<i32>} : memref<32x512xf32, #tpu.memory_space<vmem>>, vector<16xf32>,
      tpu.vector_store %arg11[%swap3A_479, %swap3A_480], %gather3A_477 {strides = array<i32>} : memref<32x512xf32, #tpu.memory_space<vmem>>, vector<16xf32>,
      %broadcast_in_dim3A_482 = arith.constant 10 : i32
      %broadcast_in_dim3A_483 = vector.broadcast %broadcast_in_dim3A_482 : i32 to vector<16xi32>
      %gather3A_484 = tpu.vector_load_idx %arg10[%iota3A, %broadcast_in_dim3A_483, %and3A_91] : memref<16x32x128xf32, #tpu.memory_space<vmem>>[vector<16xi32>, vector<16xi32>, vector<16xi32>], vector<16xf32>,
      %swap3A_485 = arith.constant 10 : i32
      %swap3A_486 = arith.index_cast %swap3A_485 : i32 to index
      %swap3A_487 = arith.index_cast %multiple_of3A_87 : i32 to index
      %swap3A_488 = tpu.vector_load %arg11[%swap3A_486, %swap3A_487] {strides = array<i32>} : memref<32x512xf32, #tpu.memory_space<vmem>>, vector<16xf32>,
      tpu.vector_store %arg11[%swap3A_486, %swap3A_487], %gather3A_484 {strides = array<i32>} : memref<32x512xf32, #tpu.memory_space<vmem>>, vector<16xf32>,
      %broadcast_in_dim3A_489 = arith.constant 11 : i32
      %broadcast_in_dim3A_490 = vector.broadcast %broadcast_in_dim3A_489 : i32 to vector<16xi32>
      %gather3A_491 = tpu.vector_load_idx %arg10[%iota3A, %broadcast_in_dim3A_490, %and3A_91] : memref<16x32x128xf32, #tpu.memory_space<vmem>>[vector<16xi32>, vector<16xi32>, vector<16xi32>], vector<16xf32>,
      %swap3A_492 = arith.constant 11 : i32
      %swap3A_493 = arith.index_cast %swap3A_492 : i32 to index
      %swap3A_494 = arith.index_cast %multiple_of3A_87 : i32 to index
      %swap3A_495 = tpu.vector_load %arg11[%swap3A_493, %swap3A_494] {strides = array<i32>} : memref<32x512xf32, #tpu.memory_space<vmem>>, vector<16xf32>,
      tpu.vector_store %arg11[%swap3A_493, %swap3A_494], %gather3A_491 {strides = array<i32>} : memref<32x512xf32, #tpu.memory_space<vmem>>, vector<16xf32>,
      %broadcast_in_dim3A_496 = arith.constant 12 : i32
      %broadcast_in_dim3A_497 = vector.broadcast %broadcast_in_dim3A_496 : i32 to vector<16xi32>
      %gather3A_498 = tpu.vector_load_idx %arg10[%iota3A, %broadcast_in_dim3A_497, %and3A_91] : memref<16x32x128xf32, #tpu.memory_space<vmem>>[vector<16xi32>, vector<16xi32>, vector<16xi32>], vector<16xf32>,
      %swap3A_499 = arith.constant 12 : i32
      %swap3A_500 = arith.index_cast %swap3A_499 : i32 to index
      %swap3A_501 = arith.index_cast %multiple_of3A_87 : i32 to index
      %swap3A_502 = tpu.vector_load %arg11[%swap3A_500, %swap3A_501] {strides = array<i32>} : memref<32x512xf32, #tpu.memory_space<vmem>>, vector<16xf32>,
      tpu.vector_store %arg11[%swap3A_500, %swap3A_501], %gather3A_498 {strides = array<i32>} : memref<32x512xf32, #tpu.memory_space<vmem>>, vector<16xf32>,
      %broadcast_in_dim3A_503 = arith.constant 13 : i32
      %broadcast_in_dim3A_504 = vector.broadcast %broadcast_in_dim3A_503 : i32 to vector<16xi32>
      %gather3A_505 = tpu.vector_load_idx %arg10[%iota3A, %broadcast_in_dim3A_504, %and3A_91] : memref<16x32x128xf32, #tpu.memory_space<vmem>>[vector<16xi32>, vector<16xi32>, vector<16xi32>], vector<16xf32>,
      %swap3A_506 = arith.constant 13 : i32
      %swap3A_507 = arith.index_cast %swap3A_506 : i32 to index
      %swap3A_508 = arith.index_cast %multiple_of3A_87 : i32 to index
      %swap3A_509 = tpu.vector_load %arg11[%swap3A_507, %swap3A_508] {strides = array<i32>} : memref<32x512xf32, #tpu.memory_space<vmem>>, vector<16xf32>,
      tpu.vector_store %arg11[%swap3A_507, %swap3A_508], %gather3A_505 {strides = array<i32>} : memref<32x512xf32, #tpu.memory_space<vmem>>, vector<16xf32>,
      %broadcast_in_dim3A_510 = arith.constant 14 : i32
      %broadcast_in_dim3A_511 = vector.broadcast %broadcast_in_dim3A_510 : i32 to vector<16xi32>
      %gather3A_512 = tpu.vector_load_idx %arg10[%iota3A, %broadcast_in_dim3A_511, %and3A_91] : memref<16x32x128xf32, #tpu.memory_space<vmem>>[vector<16xi32>, vector<16xi32>, vector<16xi32>], vector<16xf32>,
      %swap3A_513 = arith.constant 14 : i32
      %swap3A_514 = arith.index_cast %swap3A_513 : i32 to index
      %swap3A_515 = arith.index_cast %multiple_of3A_87 : i32 to index
      %swap3A_516 = tpu.vector_load %arg11[%swap3A_514, %swap3A_515] {strides = array<i32>} : memref<32x512xf32, #tpu.memory_space<vmem>>, vector<16xf32>,
      tpu.vector_store %arg11[%swap3A_514, %swap3A_515], %gather3A_512 {strides = array<i32>} : memref<32x512xf32, #tpu.memory_space<vmem>>, vector<16xf32>,
      %broadcast_in_dim3A_517 = arith.constant 15 : i32
      %broadcast_in_dim3A_518 = vector.broadcast %broadcast_in_dim3A_517 : i32 to vector<16xi32>
      %gather3A_519 = tpu.vector_load_idx %arg10[%iota3A, %broadcast_in_dim3A_518, %and3A_91] : memref<16x32x128xf32, #tpu.memory_space<vmem>>[vector<16xi32>, vector<16xi32>, vector<16xi32>], vector<16xf32>,
      %swap3A_520 = arith.constant 15 : i32
      %swap3A_521 = arith.index_cast %swap3A_520 : i32 to index
      %swap3A_522 = arith.index_cast %multiple_of3A_87 : i32 to index
      %swap3A_523 = tpu.vector_load %arg11[%swap3A_521, %swap3A_522] {strides = array<i32>} : memref<32x512xf32, #tpu.memory_space<vmem>>, vector<16xf32>,
      tpu.vector_store %arg11[%swap3A_521, %swap3A_522], %gather3A_519 {strides = array<i32>} : memref<32x512xf32, #tpu.memory_space<vmem>>, vector<16xf32>,
      %broadcast_in_dim3A_524 = arith.constant 16 : i32
      %broadcast_in_dim3A_525 = vector.broadcast %broadcast_in_dim3A_524 : i32 to vector<16xi32>
      %gather3A_526 = tpu.vector_load_idx %arg10[%iota3A, %broadcast_in_dim3A_525, %and3A_91] : memref<16x32x128xf32, #tpu.memory_space<vmem>>[vector<16xi32>, vector<16xi32>, vector<16xi32>], vector<16xf32>,
      %swap3A_527 = arith.constant 16 : i32
      %swap3A_528 = arith.index_cast %swap3A_527 : i32 to index
      %swap3A_529 = arith.index_cast %multiple_of3A_87 : i32 to index
      %swap3A_530 = tpu.vector_load %arg11[%swap3A_528, %swap3A_529] {strides = array<i32>} : memref<32x512xf32, #tpu.memory_space<vmem>>, vector<16xf32>,
      tpu.vector_store %arg11[%swap3A_528, %swap3A_529], %gather3A_526 {strides = array<i32>} : memref<32x512xf32, #tpu.memory_space<vmem>>, vector<16xf32>,
      %broadcast_in_dim3A_531 = arith.constant 17 : i32
      %broadcast_in_dim3A_532 = vector.broadcast %broadcast_in_dim3A_531 : i32 to vector<16xi32>
      %gather3A_533 = tpu.vector_load_idx %arg10[%iota3A, %broadcast_in_dim3A_532, %and3A_91] : memref<16x32x128xf32, #tpu.memory_space<vmem>>[vector<16xi32>, vector<16xi32>, vector<16xi32>], vector<16xf32>,
      %swap3A_534 = arith.constant 17 : i32
      %swap3A_535 = arith.index_cast %swap3A_534 : i32 to index
      %swap3A_536 = arith.index_cast %multiple_of3A_87 : i32 to index
      %swap3A_537 = tpu.vector_load %arg11[%swap3A_535, %swap3A_536] {strides = array<i32>} : memref<32x512xf32, #tpu.memory_space<vmem>>, vector<16xf32>,
      tpu.vector_store %arg11[%swap3A_535, %swap3A_536], %gather3A_533 {strides = array<i32>} : memref<32x512xf32, #tpu.memory_space<vmem>>, vector<16xf32>,
      %broadcast_in_dim3A_538 = arith.constant 18 : i32
      %broadcast_in_dim3A_539 = vector.broadcast %broadcast_in_dim3A_538 : i32 to vector<16xi32>
      %gather3A_540 = tpu.vector_load_idx %arg10[%iota3A, %broadcast_in_dim3A_539, %and3A_91] : memref<16x32x128xf32, #tpu.memory_space<vmem>>[vector<16xi32>, vector<16xi32>, vector<16xi32>], vector<16xf32>,
      %swap3A_541 = arith.constant 18 : i32
      %swap3A_542 = arith.index_cast %swap3A_541 : i32 to index
      %swap3A_543 = arith.index_cast %multiple_of3A_87 : i32 to index
      %swap3A_544 = tpu.vector_load %arg11[%swap3A_542, %swap3A_543] {strides = array<i32>} : memref<32x512xf32, #tpu.memory_space<vmem>>, vector<16xf32>,
      tpu.vector_store %arg11[%swap3A_542, %swap3A_543], %gather3A_540 {strides = array<i32>} : memref<32x512xf32, #tpu.memory_space<vmem>>, vector<16xf32>,
      %broadcast_in_dim3A_545 = arith.constant 19 : i32
      %broadcast_in_dim3A_546 = vector.broadcast %broadcast_in_dim3A_545 : i32 to vector<16xi32>
      %gather3A_547 = tpu.vector_load_idx %arg10[%iota3A, %broadcast_in_dim3A_546, %and3A_91] : memref<16x32x128xf32, #tpu.memory_space<vmem>>[vector<16xi32>, vector<16xi32>, vector<16xi32>], vector<16xf32>,
      %swap3A_548 = arith.constant 19 : i32
      %swap3A_549 = arith.index_cast %swap3A_548 : i32 to index
      %swap3A_550 = arith.index_cast %multiple_of3A_87 : i32 to index
      %swap3A_551 = tpu.vector_load %arg11[%swap3A_549, %swap3A_550] {strides = array<i32>} : memref<32x512xf32, #tpu.memory_space<vmem>>, vector<16xf32>,
      tpu.vector_store %arg11[%swap3A_549, %swap3A_550], %gather3A_547 {strides = array<i32>} : memref<32x512xf32, #tpu.memory_space<vmem>>, vector<16xf32>,
      %broadcast_in_dim3A_552 = arith.constant 20 : i32
      %broadcast_in_dim3A_553 = vector.broadcast %broadcast_in_dim3A_552 : i32 to vector<16xi32>
      %gather3A_554 = tpu.vector_load_idx %arg10[%iota3A, %broadcast_in_dim3A_553, %and3A_91] : memref<16x32x128xf32, #tpu.memory_space<vmem>>[vector<16xi32>, vector<16xi32>, vector<16xi32>], vector<16xf32>,
      %swap3A_555 = arith.constant 20 : i32
      %swap3A_556 = arith.index_cast %swap3A_555 : i32 to index
      %swap3A_557 = arith.index_cast %multiple_of3A_87 : i32 to index
      %swap3A_558 = tpu.vector_load %arg11[%swap3A_556, %swap3A_557] {strides = array<i32>} : memref<32x512xf32, #tpu.memory_space<vmem>>, vector<16xf32>,
      tpu.vector_store %arg11[%swap3A_556, %swap3A_557], %gather3A_554 {strides = array<i32>} : memref<32x512xf32, #tpu.memory_space<vmem>>, vector<16xf32>,
      %broadcast_in_dim3A_559 = arith.constant 21 : i32
      %broadcast_in_dim3A_560 = vector.broadcast %broadcast_in_dim3A_559 : i32 to vector<16xi32>
      %gather3A_561 = tpu.vector_load_idx %arg10[%iota3A, %broadcast_in_dim3A_560, %and3A_91] : memref<16x32x128xf32, #tpu.memory_space<vmem>>[vector<16xi32>, vector<16xi32>, vector<16xi32>], vector<16xf32>,
      %swap3A_562 = arith.constant 21 : i32
      %swap3A_563 = arith.index_cast %swap3A_562 : i32 to index
      %swap3A_564 = arith.index_cast %multiple_of3A_87 : i32 to index
      %swap3A_565 = tpu.vector_load %arg11[%swap3A_563, %swap3A_564] {strides = array<i32>} : memref<32x512xf32, #tpu.memory_space<vmem>>, vector<16xf32>,
      tpu.vector_store %arg11[%swap3A_563, %swap3A_564], %gather3A_561 {strides = array<i32>} : memref<32x512xf32, #tpu.memory_space<vmem>>, vector<16xf32>,
      %broadcast_in_dim3A_566 = arith.constant 22 : i32
      %broadcast_in_dim3A_567 = vector.broadcast %broadcast_in_dim3A_566 : i32 to vector<16xi32>
      %gather3A_568 = tpu.vector_load_idx %arg10[%iota3A, %broadcast_in_dim3A_567, %and3A_91] : memref<16x32x128xf32, #tpu.memory_space<vmem>>[vector<16xi32>, vector<16xi32>, vector<16xi32>], vector<16xf32>,
      %swap3A_569 = arith.constant 22 : i32
      %swap3A_570 = arith.index_cast %swap3A_569 : i32 to index
      %swap3A_571 = arith.index_cast %multiple_of3A_87 : i32 to index
      %swap3A_572 = tpu.vector_load %arg11[%swap3A_570, %swap3A_571] {strides = array<i32>} : memref<32x512xf32, #tpu.memory_space<vmem>>, vector<16xf32>,
      tpu.vector_store %arg11[%swap3A_570, %swap3A_571], %gather3A_568 {strides = array<i32>} : memref<32x512xf32, #tpu.memory_space<vmem>>, vector<16xf32>,
      %broadcast_in_dim3A_573 = arith.constant 23 : i32
      %broadcast_in_dim3A_574 = vector.broadcast %broadcast_in_dim3A_573 : i32 to vector<16xi32>
      %gather3A_575 = tpu.vector_load_idx %arg10[%iota3A, %broadcast_in_dim3A_574, %and3A_91] : memref<16x32x128xf32, #tpu.memory_space<vmem>>[vector<16xi32>, vector<16xi32>, vector<16xi32>], vector<16xf32>,
      %swap3A_576 = arith.constant 23 : i32
      %swap3A_577 = arith.index_cast %swap3A_576 : i32 to index
      %swap3A_578 = arith.index_cast %multiple_of3A_87 : i32 to index
      %swap3A_579 = tpu.vector_load %arg11[%swap3A_577, %swap3A_578] {strides = array<i32>} : memref<32x512xf32, #tpu.memory_space<vmem>>, vector<16xf32>,
      tpu.vector_store %arg11[%swap3A_577, %swap3A_578], %gather3A_575 {strides = array<i32>} : memref<32x512xf32, #tpu.memory_space<vmem>>, vector<16xf32>,
      %broadcast_in_dim3A_580 = arith.constant 24 : i32
      %broadcast_in_dim3A_581 = vector.broadcast %broadcast_in_dim3A_580 : i32 to vector<16xi32>
      %gather3A_582 = tpu.vector_load_idx %arg10[%iota3A, %broadcast_in_dim3A_581, %and3A_91] : memref<16x32x128xf32, #tpu.memory_space<vmem>>[vector<16xi32>, vector<16xi32>, vector<16xi32>], vector<16xf32>,
      %swap3A_583 = arith.constant 24 : i32
      %swap3A_584 = arith.index_cast %swap3A_583 : i32 to index
      %swap3A_585 = arith.index_cast %multiple_of3A_87 : i32 to index
      %swap3A_586 = tpu.vector_load %arg11[%swap3A_584, %swap3A_585] {strides = array<i32>} : memref<32x512xf32, #tpu.memory_space<vmem>>, vector<16xf32>,
      tpu.vector_store %arg11[%swap3A_584, %swap3A_585], %gather3A_582 {strides = array<i32>} : memref<32x512xf32, #tpu.memory_space<vmem>>, vector<16xf32>,
      %broadcast_in_dim3A_587 = arith.constant 25 : i32
      %broadcast_in_dim3A_588 = vector.broadcast %broadcast_in_dim3A_587 : i32 to vector<16xi32>
      %gather3A_589 = tpu.vector_load_idx %arg10[%iota3A, %broadcast_in_dim3A_588, %and3A_91] : memref<16x32x128xf32, #tpu.memory_space<vmem>>[vector<16xi32>, vector<16xi32>, vector<16xi32>], vector<16xf32>,
      %swap3A_590 = arith.constant 25 : i32
      %swap3A_591 = arith.index_cast %swap3A_590 : i32 to index
      %swap3A_592 = arith.index_cast %multiple_of3A_87 : i32 to index
      %swap3A_593 = tpu.vector_load %arg11[%swap3A_591, %swap3A_592] {strides = array<i32>} : memref<32x512xf32, #tpu.memory_space<vmem>>, vector<16xf32>,
      tpu.vector_store %arg11[%swap3A_591, %swap3A_592], %gather3A_589 {strides = array<i32>} : memref<32x512xf32, #tpu.memory_space<vmem>>, vector<16xf32>,
      %broadcast_in_dim3A_594 = arith.constant 26 : i32
      %broadcast_in_dim3A_595 = vector.broadcast %broadcast_in_dim3A_594 : i32 to vector<16xi32>
      %gather3A_596 = tpu.vector_load_idx %arg10[%iota3A, %broadcast_in_dim3A_595, %and3A_91] : memref<16x32x128xf32, #tpu.memory_space<vmem>>[vector<16xi32>, vector<16xi32>, vector<16xi32>], vector<16xf32>,
      %swap3A_597 = arith.constant 26 : i32
      %swap3A_598 = arith.index_cast %swap3A_597 : i32 to index
      %swap3A_599 = arith.index_cast %multiple_of3A_87 : i32 to index
      %swap3A_600 = tpu.vector_load %arg11[%swap3A_598, %swap3A_599] {strides = array<i32>} : memref<32x512xf32, #tpu.memory_space<vmem>>, vector<16xf32>,
      tpu.vector_store %arg11[%swap3A_598, %swap3A_599], %gather3A_596 {strides = array<i32>} : memref<32x512xf32, #tpu.memory_space<vmem>>, vector<16xf32>,
      %broadcast_in_dim3A_601 = arith.constant 27 : i32
      %broadcast_in_dim3A_602 = vector.broadcast %broadcast_in_dim3A_601 : i32 to vector<16xi32>
      %gather3A_603 = tpu.vector_load_idx %arg10[%iota3A, %broadcast_in_dim3A_602, %and3A_91] : memref<16x32x128xf32, #tpu.memory_space<vmem>>[vector<16xi32>, vector<16xi32>, vector<16xi32>], vector<16xf32>,
      %swap3A_604 = arith.constant 27 : i32
      %swap3A_605 = arith.index_cast %swap3A_604 : i32 to index
      %swap3A_606 = arith.index_cast %multiple_of3A_87 : i32 to index
      %swap3A_607 = tpu.vector_load %arg11[%swap3A_605, %swap3A_606] {strides = array<i32>} : memref<32x512xf32, #tpu.memory_space<vmem>>, vector<16xf32>,
      tpu.vector_store %arg11[%swap3A_605, %swap3A_606], %gather3A_603 {strides = array<i32>} : memref<32x512xf32, #tpu.memory_space<vmem>>, vector<16xf32>,
      %broadcast_in_dim3A_608 = arith.constant 28 : i32
      %broadcast_in_dim3A_609 = vector.broadcast %broadcast_in_dim3A_608 : i32 to vector<16xi32>
      %gather3A_610 = tpu.vector_load_idx %arg10[%iota3A, %broadcast_in_dim3A_609, %and3A_91] : memref<16x32x128xf32, #tpu.memory_space<vmem>>[vector<16xi32>, vector<16xi32>, vector<16xi32>], vector<16xf32>,
      %swap3A_611 = arith.constant 28 : i32
      %swap3A_612 = arith.index_cast %swap3A_611 : i32 to index
      %swap3A_613 = arith.index_cast %multiple_of3A_87 : i32 to index
      %swap3A_614 = tpu.vector_load %arg11[%swap3A_612, %swap3A_613] {strides = array<i32>} : memref<32x512xf32, #tpu.memory_space<vmem>>, vector<16xf32>,
      tpu.vector_store %arg11[%swap3A_612, %swap3A_613], %gather3A_610 {strides = array<i32>} : memref<32x512xf32, #tpu.memory_space<vmem>>, vector<16xf32>,
      %broadcast_in_dim3A_615 = arith.constant 29 : i32
      %broadcast_in_dim3A_616 = vector.broadcast %broadcast_in_dim3A_615 : i32 to vector<16xi32>
      %gather3A_617 = tpu.vector_load_idx %arg10[%iota3A, %broadcast_in_dim3A_616, %and3A_91] : memref<16x32x128xf32, #tpu.memory_space<vmem>>[vector<16xi32>, vector<16xi32>, vector<16xi32>], vector<16xf32>,
      %swap3A_618 = arith.constant 29 : i32
      %swap3A_619 = arith.index_cast %swap3A_618 : i32 to index
      %swap3A_620 = arith.index_cast %multiple_of3A_87 : i32 to index
      %swap3A_621 = tpu.vector_load %arg11[%swap3A_619, %swap3A_620] {strides = array<i32>} : memref<32x512xf32, #tpu.memory_space<vmem>>, vector<16xf32>,
      tpu.vector_store %arg11[%swap3A_619, %swap3A_620], %gather3A_617 {strides = array<i32>} : memref<32x512xf32, #tpu.memory_space<vmem>>, vector<16xf32>,
      %broadcast_in_dim3A_622 = arith.constant 30 : i32
      %broadcast_in_dim3A_623 = vector.broadcast %broadcast_in_dim3A_622 : i32 to vector<16xi32>
      %gather3A_624 = tpu.vector_load_idx %arg10[%iota3A, %broadcast_in_dim3A_623, %and3A_91] : memref<16x32x128xf32, #tpu.memory_space<vmem>>[vector<16xi32>, vector<16xi32>, vector<16xi32>], vector<16xf32>,
      %swap3A_625 = arith.constant 30 : i32
      %swap3A_626 = arith.index_cast %swap3A_625 : i32 to index
      %swap3A_627 = arith.index_cast %multiple_of3A_87 : i32 to index
      %swap3A_628 = tpu.vector_load %arg11[%swap3A_626, %swap3A_627] {strides = array<i32>} : memref<32x512xf32, #tpu.memory_space<vmem>>, vector<16xf32>,
      tpu.vector_store %arg11[%swap3A_626, %swap3A_627], %gather3A_624 {strides = array<i32>} : memref<32x512xf32, #tpu.memory_space<vmem>>, vector<16xf32>,
      %broadcast_in_dim3A_629 = arith.constant 31 : i32
      %broadcast_in_dim3A_630 = vector.broadcast %broadcast_in_dim3A_629 : i32 to vector<16xi32>
      %gather3A_631 = tpu.vector_load_idx %arg10[%iota3A, %broadcast_in_dim3A_630, %and3A_91] : memref<16x32x128xf32, #tpu.memory_space<vmem>>[vector<16xi32>, vector<16xi32>, vector<16xi32>], vector<16xf32>,
      %swap3A_632 = arith.constant 31 : i32
      %swap3A_633 = arith.index_cast %swap3A_632 : i32 to index
      %swap3A_634 = arith.index_cast %multiple_of3A_87 : i32 to index
      %swap3A_635 = tpu.vector_load %arg11[%swap3A_633, %swap3A_634] {strides = array<i32>} : memref<32x512xf32, #tpu.memory_space<vmem>>, vector<16xf32>,
      tpu.vector_store %arg11[%swap3A_633, %swap3A_634], %gather3A_631 {strides = array<i32>} : memref<32x512xf32, #tpu.memory_space<vmem>>, vector<16xf32>,
      %mul3A_636 = arith.constant 16 : i32
      %mul3A_637 = arith.muli %scan3A_83, %mul3A_636 : i32
      %multiple_of3A_638 = tpu.assume_multiple %mul3A_637, 16 : i32
      %get3A_639 = arith.index_cast %multiple_of3A_638 : i32 to index
      %get3A_640 = tpu.vector_load %arg9[%get3A_639] {strides = array<i32>} : memref<512xi32, #tpu.memory_space<vmem>>, vector<16xi32>,
      %and3A_641 = arith.constant 127 : i32
      %and3A_642 = vector.broadcast %and3A_641 : i32 to vector<16xi32>
      %and3A_643 = arith.andi %get3A_640, %and3A_642 : vector<16xi32>
      %slice3A_644 = vector.extract_strided_slice %get3A_640 {offsets = [0], sizes = [1], strides = [1]} : vector<16xi32> to vector<1xi32>
      %squeeze3A_645 = vector.extract %slice3A_644[0] : i32 from vector<1xi32>
      %shift_right_arithmetic3A_646 = arith.constant 7 : i32
      %shift_right_arithmetic3A_647 = arith.shrsi %squeeze3A_645, %shift_right_arithmetic3A_646 : i32
      %mul3A_648 = arith.constant 128 : i32
      %mul3A_649 = arith.muli %shift_right_arithmetic3A_647, %mul3A_648 : i32
      %multiple_of3A_650 = tpu.assume_multiple %mul3A_649, 128 : i32
      %dma_start3A_651 = arith.constant 0 : i32
      %dma_start3A_652 = arith.constant 0 : i32
      %dma_start3A_653 = arith.constant 0 : i32
      %dma_start3A_654 = tpu.memref_slice %arg10[%dma_start3A_651, %dma_start3A_652, %dma_start3A_653] : memref<16x32x128xf32, #tpu.memory_space<vmem>> -> memref<1x32x128xf32, #tpu.memory_space<vmem>>
      %dma_start3A_655 = tpu.memref_squeeze %dma_start3A_654 : memref<1x32x128xf32, #tpu.memory_space<vmem>> -> memref<32x128xf32, #tpu.memory_space<vmem>>
      %dma_start3A_656 = arith.constant 0 : i32
      %dma_start3A_657 = tpu.memref_slice %arg5[%dma_start3A_656, %multiple_of3A_650] : memref<32x1000000xf32, #tpu.memory_space<hbm>> -> memref<32x128xf32, #tpu.memory_space<hbm>>
      %dma_start3A_658 = arith.constant 0 : i32
      %dma_start3A_659 = arith.constant 0 : i32
      %dma_start3A_660 = tpu.memref_slice %arg10[%dma_start3A_651, %dma_start3A_658, %dma_start3A_659] : memref<16x32x128xf32, #tpu.memory_space<vmem>> -> memref<1x32x128xf32, #tpu.memory_space<vmem>>
      %dma_start3A_661 = tpu.memref_squeeze %dma_start3A_660 : memref<1x32x128xf32, #tpu.memory_space<vmem>> -> memref<32x128xf32, #tpu.memory_space<vmem>>
      %dma_start3A_662 = arith.constant 0 : i32
      %dma_start3A_663 = tpu.memref_slice %arg5[%dma_start3A_662, %multiple_of3A_650] : memref<32x1000000xf32, #tpu.memory_space<hbm>> -> memref<32x128xf32, #tpu.memory_space<hbm>>
      tpu.enqueue_dma source(%dma_start3A_663 : memref<32x128xf32, #tpu.memory_space<hbm>>) target(%dma_start3A_661 : memref<32x128xf32, #tpu.memory_space<vmem>>) target_semaphore(%arg16 : memref<!tpu.dma_semaphore, #tpu.memory_space<semaphore_mem>>)
      %slice3A_664 = vector.extract_strided_slice %get3A_640 {offsets = [1], sizes = [1], strides = [1]} : vector<16xi32> to vector<1xi32>
      %squeeze3A_665 = vector.extract %slice3A_664[0] : i32 from vector<1xi32>
      %shift_right_arithmetic3A_666 = arith.constant 7 : i32
      %shift_right_arithmetic3A_667 = arith.shrsi %squeeze3A_665, %shift_right_arithmetic3A_666 : i32
      %mul3A_668 = arith.constant 128 : i32
      %mul3A_669 = arith.muli %shift_right_arithmetic3A_667, %mul3A_668 : i32
      %multiple_of3A_670 = tpu.assume_multiple %mul3A_669, 128 : i32
      %dma_start3A_671 = arith.constant 1 : i32
      %dma_start3A_672 = arith.constant 0 : i32
      %dma_start3A_673 = arith.constant 0 : i32
      %dma_start3A_674 = tpu.memref_slice %arg10[%dma_start3A_671, %dma_start3A_672, %dma_start3A_673] : memref<16x32x128xf32, #tpu.memory_space<vmem>> -> memref<1x32x128xf32, #tpu.memory_space<vmem>>
      %dma_start3A_675 = tpu.memref_squeeze %dma_start3A_674 : memref<1x32x128xf32, #tpu.memory_space<vmem>> -> memref<32x128xf32, #tpu.memory_space<vmem>>
      %dma_start3A_676 = arith.constant 0 : i32
      %dma_start3A_677 = tpu.memref_slice %arg5[%dma_start3A_676, %multiple_of3A_670] : memref<32x1000000xf32, #tpu.memory_space<hbm>> -> memref<32x128xf32, #tpu.memory_space<hbm>>
      %dma_start3A_678 = arith.constant 0 : i32
      %dma_start3A_679 = arith.constant 0 : i32
      %dma_start3A_680 = tpu.memref_slice %arg10[%dma_start3A_671, %dma_start3A_678, %dma_start3A_679] : memref<16x32x128xf32, #tpu.memory_space<vmem>> -> memref<1x32x128xf32, #tpu.memory_space<vmem>>
      %dma_start3A_681 = tpu.memref_squeeze %dma_start3A_680 : memref<1x32x128xf32, #tpu.memory_space<vmem>> -> memref<32x128xf32, #tpu.memory_space<vmem>>
      %dma_start3A_682 = arith.constant 0 : i32
      %dma_start3A_683 = tpu.memref_slice %arg5[%dma_start3A_682, %multiple_of3A_670] : memref<32x1000000xf32, #tpu.memory_space<hbm>> -> memref<32x128xf32, #tpu.memory_space<hbm>>
      tpu.enqueue_dma source(%dma_start3A_683 : memref<32x128xf32, #tpu.memory_space<hbm>>) target(%dma_start3A_681 : memref<32x128xf32, #tpu.memory_space<vmem>>) target_semaphore(%arg16 : memref<!tpu.dma_semaphore, #tpu.memory_space<semaphore_mem>>)
      %slice3A_684 = vector.extract_strided_slice %get3A_640 {offsets = [2], sizes = [1], strides = [1]} : vector<16xi32> to vector<1xi32>
      %squeeze3A_685 = vector.extract %slice3A_684[0] : i32 from vector<1xi32>
      %shift_right_arithmetic3A_686 = arith.constant 7 : i32
      %shift_right_arithmetic3A_687 = arith.shrsi %squeeze3A_685, %shift_right_arithmetic3A_686 : i32
      %mul3A_688 = arith.constant 128 : i32
      %mul3A_689 = arith.muli %shift_right_arithmetic3A_687, %mul3A_688 : i32
      %multiple_of3A_690 = tpu.assume_multiple %mul3A_689, 128 : i32
      %dma_start3A_691 = arith.constant 2 : i32
      %dma_start3A_692 = arith.constant 0 : i32
      %dma_start3A_693 = arith.constant 0 : i32
      %dma_start3A_694 = tpu.memref_slice %arg10[%dma_start3A_691, %dma_start3A_692, %dma_start3A_693] : memref<16x32x128xf32, #tpu.memory_space<vmem>> -> memref<1x32x128xf32, #tpu.memory_space<vmem>>
      %dma_start3A_695 = tpu.memref_squeeze %dma_start3A_694 : memref<1x32x128xf32, #tpu.memory_space<vmem>> -> memref<32x128xf32, #tpu.memory_space<vmem>>
      %dma_start3A_696 = arith.constant 0 : i32
      %dma_start3A_697 = tpu.memref_slice %arg5[%dma_start3A_696, %multiple_of3A_690] : memref<32x1000000xf32, #tpu.memory_space<hbm>> -> memref<32x128xf32, #tpu.memory_space<hbm>>
      %dma_start3A_698 = arith.constant 0 : i32
      %dma_start3A_699 = arith.constant 0 : i32
      %dma_start3A_700 = tpu.memref_slice %arg10[%dma_start3A_691, %dma_start3A_698, %dma_start3A_699] : memref<16x32x128xf32, #tpu.memory_space<vmem>> -> memref<1x32x128xf32, #tpu.memory_space<vmem>>
      %dma_start3A_701 = tpu.memref_squeeze %dma_start3A_700 : memref<1x32x128xf32, #tpu.memory_space<vmem>> -> memref<32x128xf32, #tpu.memory_space<vmem>>
      %dma_start3A_702 = arith.constant 0 : i32
      %dma_start3A_703 = tpu.memref_slice %arg5[%dma_start3A_702, %multiple_of3A_690] : memref<32x1000000xf32, #tpu.memory_space<hbm>> -> memref<32x128xf32, #tpu.memory_space<hbm>>
      tpu.enqueue_dma source(%dma_start3A_703 : memref<32x128xf32, #tpu.memory_space<hbm>>) target(%dma_start3A_701 : memref<32x128xf32, #tpu.memory_space<vmem>>) target_semaphore(%arg16 : memref<!tpu.dma_semaphore, #tpu.memory_space<semaphore_mem>>)
      %slice3A_704 = vector.extract_strided_slice %get3A_640 {offsets = [3], sizes = [1], strides = [1]} : vector<16xi32> to vector<1xi32>
      %squeeze3A_705 = vector.extract %slice3A_704[0] : i32 from vector<1xi32>
      %shift_right_arithmetic3A_706 = arith.constant 7 : i32
      %shift_right_arithmetic3A_707 = arith.shrsi %squeeze3A_705, %shift_right_arithmetic3A_706 : i32
      %mul3A_708 = arith.constant 128 : i32
      %mul3A_709 = arith.muli %shift_right_arithmetic3A_707, %mul3A_708 : i32
      %multiple_of3A_710 = tpu.assume_multiple %mul3A_709, 128 : i32
      %dma_start3A_711 = arith.constant 3 : i32
      %dma_start3A_712 = arith.constant 0 : i32
      %dma_start3A_713 = arith.constant 0 : i32
      %dma_start3A_714 = tpu.memref_slice %arg10[%dma_start3A_711, %dma_start3A_712, %dma_start3A_713] : memref<16x32x128xf32, #tpu.memory_space<vmem>> -> memref<1x32x128xf32, #tpu.memory_space<vmem>>
      %dma_start3A_715 = tpu.memref_squeeze %dma_start3A_714 : memref<1x32x128xf32, #tpu.memory_space<vmem>> -> memref<32x128xf32, #tpu.memory_space<vmem>>
      %dma_start3A_716 = arith.constant 0 : i32
      %dma_start3A_717 = tpu.memref_slice %arg5[%dma_start3A_716, %multiple_of3A_710] : memref<32x1000000xf32, #tpu.memory_space<hbm>> -> memref<32x128xf32, #tpu.memory_space<hbm>>
      %dma_start3A_718 = arith.constant 0 : i32
      %dma_start3A_719 = arith.constant 0 : i32
      %dma_start3A_720 = tpu.memref_slice %arg10[%dma_start3A_711, %dma_start3A_718, %dma_start3A_719] : memref<16x32x128xf32, #tpu.memory_space<vmem>> -> memref<1x32x128xf32, #tpu.memory_space<vmem>>
      %dma_start3A_721 = tpu.memref_squeeze %dma_start3A_720 : memref<1x32x128xf32, #tpu.memory_space<vmem>> -> memref<32x128xf32, #tpu.memory_space<vmem>>
      %dma_start3A_722 = arith.constant 0 : i32
      %dma_start3A_723 = tpu.memref_slice %arg5[%dma_start3A_722, %multiple_of3A_710] : memref<32x1000000xf32, #tpu.memory_space<hbm>> -> memref<32x128xf32, #tpu.memory_space<hbm>>
      tpu.enqueue_dma source(%dma_start3A_723 : memref<32x128xf32, #tpu.memory_space<hbm>>) target(%dma_start3A_721 : memref<32x128xf32, #tpu.memory_space<vmem>>) target_semaphore(%arg16 : memref<!tpu.dma_semaphore, #tpu.memory_space<semaphore_mem>>)
      %slice3A_724 = vector.extract_strided_slice %get3A_640 {offsets = [4], sizes = [1], strides = [1]} : vector<16xi32> to vector<1xi32>
      %squeeze3A_725 = vector.extract %slice3A_724[0] : i32 from vector<1xi32>
      %shift_right_arithmetic3A_726 = arith.constant 7 : i32
      %shift_right_arithmetic3A_727 = arith.shrsi %squeeze3A_725, %shift_right_arithmetic3A_726 : i32
      %mul3A_728 = arith.constant 128 : i32
      %mul3A_729 = arith.muli %shift_right_arithmetic3A_727, %mul3A_728 : i32
      %multiple_of3A_730 = tpu.assume_multiple %mul3A_729, 128 : i32
      %dma_start3A_731 = arith.constant 4 : i32
      %dma_start3A_732 = arith.constant 0 : i32
      %dma_start3A_733 = arith.constant 0 : i32
      %dma_start3A_734 = tpu.memref_slice %arg10[%dma_start3A_731, %dma_start3A_732, %dma_start3A_733] : memref<16x32x128xf32, #tpu.memory_space<vmem>> -> memref<1x32x128xf32, #tpu.memory_space<vmem>>
      %dma_start3A_735 = tpu.memref_squeeze %dma_start3A_734 : memref<1x32x128xf32, #tpu.memory_space<vmem>> -> memref<32x128xf32, #tpu.memory_space<vmem>>
      %dma_start3A_736 = arith.constant 0 : i32
      %dma_start3A_737 = tpu.memref_slice %arg5[%dma_start3A_736, %multiple_of3A_730] : memref<32x1000000xf32, #tpu.memory_space<hbm>> -> memref<32x128xf32, #tpu.memory_space<hbm>>
      %dma_start3A_738 = arith.constant 0 : i32
      %dma_start3A_739 = arith.constant 0 : i32
      %dma_start3A_740 = tpu.memref_slice %arg10[%dma_start3A_731, %dma_start3A_738, %dma_start3A_739] : memref<16x32x128xf32, #tpu.memory_space<vmem>> -> memref<1x32x128xf32, #tpu.memory_space<vmem>>
      %dma_start3A_741 = tpu.memref_squeeze %dma_start3A_740 : memref<1x32x128xf32, #tpu.memory_space<vmem>> -> memref<32x128xf32, #tpu.memory_space<vmem>>
      %dma_start3A_742 = arith.constant 0 : i32
      %dma_start3A_743 = tpu.memref_slice %arg5[%dma_start3A_742, %multiple_of3A_730] : memref<32x1000000xf32, #tpu.memory_space<hbm>> -> memref<32x128xf32, #tpu.memory_space<hbm>>
      tpu.enqueue_dma source(%dma_start3A_743 : memref<32x128xf32, #tpu.memory_space<hbm>>) target(%dma_start3A_741 : memref<32x128xf32, #tpu.memory_space<vmem>>) target_semaphore(%arg16 : memref<!tpu.dma_semaphore, #tpu.memory_space<semaphore_mem>>)
      %slice3A_744 = vector.extract_strided_slice %get3A_640 {offsets = [5], sizes = [1], strides = [1]} : vector<16xi32> to vector<1xi32>
      %squeeze3A_745 = vector.extract %slice3A_744[0] : i32 from vector<1xi32>
      %shift_right_arithmetic3A_746 = arith.constant 7 : i32
      %shift_right_arithmetic3A_747 = arith.shrsi %squeeze3A_745, %shift_right_arithmetic3A_746 : i32
      %mul3A_748 = arith.constant 128 : i32
      %mul3A_749 = arith.muli %shift_right_arithmetic3A_747, %mul3A_748 : i32
      %multiple_of3A_750 = tpu.assume_multiple %mul3A_749, 128 : i32
      %dma_start3A_751 = arith.constant 5 : i32
      %dma_start3A_752 = arith.constant 0 : i32
      %dma_start3A_753 = arith.constant 0 : i32
      %dma_start3A_754 = tpu.memref_slice %arg10[%dma_start3A_751, %dma_start3A_752, %dma_start3A_753] : memref<16x32x128xf32, #tpu.memory_space<vmem>> -> memref<1x32x128xf32, #tpu.memory_space<vmem>>
      %dma_start3A_755 = tpu.memref_squeeze %dma_start3A_754 : memref<1x32x128xf32, #tpu.memory_space<vmem>> -> memref<32x128xf32, #tpu.memory_space<vmem>>
      %dma_start3A_756 = arith.constant 0 : i32
      %dma_start3A_757 = tpu.memref_slice %arg5[%dma_start3A_756, %multiple_of3A_750] : memref<32x1000000xf32, #tpu.memory_space<hbm>> -> memref<32x128xf32, #tpu.memory_space<hbm>>
      %dma_start3A_758 = arith.constant 0 : i32
      %dma_start3A_759 = arith.constant 0 : i32
      %dma_start3A_760 = tpu.memref_slice %arg10[%dma_start3A_751, %dma_start3A_758, %dma_start3A_759] : memref<16x32x128xf32, #tpu.memory_space<vmem>> -> memref<1x32x128xf32, #tpu.memory_space<vmem>>
      %dma_start3A_761 = tpu.memref_squeeze %dma_start3A_760 : memref<1x32x128xf32, #tpu.memory_space<vmem>> -> memref<32x128xf32, #tpu.memory_space<vmem>>
      %dma_start3A_762 = arith.constant 0 : i32
      %dma_start3A_763 = tpu.memref_slice %arg5[%dma_start3A_762, %multiple_of3A_750] : memref<32x1000000xf32, #tpu.memory_space<hbm>> -> memref<32x128xf32, #tpu.memory_space<hbm>>
      tpu.enqueue_dma source(%dma_start3A_763 : memref<32x128xf32, #tpu.memory_space<hbm>>) target(%dma_start3A_761 : memref<32x128xf32, #tpu.memory_space<vmem>>) target_semaphore(%arg16 : memref<!tpu.dma_semaphore, #tpu.memory_space<semaphore_mem>>)
      %slice3A_764 = vector.extract_strided_slice %get3A_640 {offsets = [6], sizes = [1], strides = [1]} : vector<16xi32> to vector<1xi32>
      %squeeze3A_765 = vector.extract %slice3A_764[0] : i32 from vector<1xi32>
      %shift_right_arithmetic3A_766 = arith.constant 7 : i32
      %shift_right_arithmetic3A_767 = arith.shrsi %squeeze3A_765, %shift_right_arithmetic3A_766 : i32
      %mul3A_768 = arith.constant 128 : i32
      %mul3A_769 = arith.muli %shift_right_arithmetic3A_767, %mul3A_768 : i32
      %multiple_of3A_770 = tpu.assume_multiple %mul3A_769, 128 : i32
      %dma_start3A_771 = arith.constant 6 : i32
      %dma_start3A_772 = arith.constant 0 : i32
      %dma_start3A_773 = arith.constant 0 : i32
      %dma_start3A_774 = tpu.memref_slice %arg10[%dma_start3A_771, %dma_start3A_772, %dma_start3A_773] : memref<16x32x128xf32, #tpu.memory_space<vmem>> -> memref<1x32x128xf32, #tpu.memory_space<vmem>>
      %dma_start3A_775 = tpu.memref_squeeze %dma_start3A_774 : memref<1x32x128xf32, #tpu.memory_space<vmem>> -> memref<32x128xf32, #tpu.memory_space<vmem>>
      %dma_start3A_776 = arith.constant 0 : i32
      %dma_start3A_777 = tpu.memref_slice %arg5[%dma_start3A_776, %multiple_of3A_770] : memref<32x1000000xf32, #tpu.memory_space<hbm>> -> memref<32x128xf32, #tpu.memory_space<hbm>>
      %dma_start3A_778 = arith.constant 0 : i32
      %dma_start3A_779 = arith.constant 0 : i32
      %dma_start3A_780 = tpu.memref_slice %arg10[%dma_start3A_771, %dma_start3A_778, %dma_start3A_779] : memref<16x32x128xf32, #tpu.memory_space<vmem>> -> memref<1x32x128xf32, #tpu.memory_space<vmem>>
      %dma_start3A_781 = tpu.memref_squeeze %dma_start3A_780 : memref<1x32x128xf32, #tpu.memory_space<vmem>> -> memref<32x128xf32, #tpu.memory_space<vmem>>
      %dma_start3A_782 = arith.constant 0 : i32
      %dma_start3A_783 = tpu.memref_slice %arg5[%dma_start3A_782, %multiple_of3A_770] : memref<32x1000000xf32, #tpu.memory_space<hbm>> -> memref<32x128xf32, #tpu.memory_space<hbm>>
      tpu.enqueue_dma source(%dma_start3A_783 : memref<32x128xf32, #tpu.memory_space<hbm>>) target(%dma_start3A_781 : memref<32x128xf32, #tpu.memory_space<vmem>>) target_semaphore(%arg16 : memref<!tpu.dma_semaphore, #tpu.memory_space<semaphore_mem>>)
      %slice3A_784 = vector.extract_strided_slice %get3A_640 {offsets = [7], sizes = [1], strides = [1]} : vector<16xi32> to vector<1xi32>
      %squeeze3A_785 = vector.extract %slice3A_784[0] : i32 from vector<1xi32>
      %shift_right_arithmetic3A_786 = arith.constant 7 : i32
      %shift_right_arithmetic3A_787 = arith.shrsi %squeeze3A_785, %shift_right_arithmetic3A_786 : i32
      %mul3A_788 = arith.constant 128 : i32
      %mul3A_789 = arith.muli %shift_right_arithmetic3A_787, %mul3A_788 : i32
      %multiple_of3A_790 = tpu.assume_multiple %mul3A_789, 128 : i32
      %dma_start3A_791 = arith.constant 7 : i32
      %dma_start3A_792 = arith.constant 0 : i32
      %dma_start3A_793 = arith.constant 0 : i32
      %dma_start3A_794 = tpu.memref_slice %arg10[%dma_start3A_791, %dma_start3A_792, %dma_start3A_793] : memref<16x32x128xf32, #tpu.memory_space<vmem>> -> memref<1x32x128xf32, #tpu.memory_space<vmem>>
      %dma_start3A_795 = tpu.memref_squeeze %dma_start3A_794 : memref<1x32x128xf32, #tpu.memory_space<vmem>> -> memref<32x128xf32, #tpu.memory_space<vmem>>
      %dma_start3A_796 = arith.constant 0 : i32
      %dma_start3A_797 = tpu.memref_slice %arg5[%dma_start3A_796, %multiple_of3A_790] : memref<32x1000000xf32, #tpu.memory_space<hbm>> -> memref<32x128xf32, #tpu.memory_space<hbm>>
      %dma_start3A_798 = arith.constant 0 : i32
      %dma_start3A_799 = arith.constant 0 : i32
      %dma_start3A_800 = tpu.memref_slice %arg10[%dma_start3A_791, %dma_start3A_798, %dma_start3A_799] : memref<16x32x128xf32, #tpu.memory_space<vmem>> -> memref<1x32x128xf32, #tpu.memory_space<vmem>>
      %dma_start3A_801 = tpu.memref_squeeze %dma_start3A_800 : memref<1x32x128xf32, #tpu.memory_space<vmem>> -> memref<32x128xf32, #tpu.memory_space<vmem>>
      %dma_start3A_802 = arith.constant 0 : i32
      %dma_start3A_803 = tpu.memref_slice %arg5[%dma_start3A_802, %multiple_of3A_790] : memref<32x1000000xf32, #tpu.memory_space<hbm>> -> memref<32x128xf32, #tpu.memory_space<hbm>>
      tpu.enqueue_dma source(%dma_start3A_803 : memref<32x128xf32, #tpu.memory_space<hbm>>) target(%dma_start3A_801 : memref<32x128xf32, #tpu.memory_space<vmem>>) target_semaphore(%arg16 : memref<!tpu.dma_semaphore, #tpu.memory_space<semaphore_mem>>)
      %slice3A_804 = vector.extract_strided_slice %get3A_640 {offsets = [8], sizes = [1], strides = [1]} : vector<16xi32> to vector<1xi32>
      %squeeze3A_805 = vector.extract %slice3A_804[0] : i32 from vector<1xi32>
      %shift_right_arithmetic3A_806 = arith.constant 7 : i32
      %shift_right_arithmetic3A_807 = arith.shrsi %squeeze3A_805, %shift_right_arithmetic3A_806 : i32
      %mul3A_808 = arith.constant 128 : i32
      %mul3A_809 = arith.muli %shift_right_arithmetic3A_807, %mul3A_808 : i32
      %multiple_of3A_810 = tpu.assume_multiple %mul3A_809, 128 : i32
      %dma_start3A_811 = arith.constant 8 : i32
      %dma_start3A_812 = arith.constant 0 : i32
      %dma_start3A_813 = arith.constant 0 : i32
      %dma_start3A_814 = tpu.memref_slice %arg10[%dma_start3A_811, %dma_start3A_812, %dma_start3A_813] : memref<16x32x128xf32, #tpu.memory_space<vmem>> -> memref<1x32x128xf32, #tpu.memory_space<vmem>>
      %dma_start3A_815 = tpu.memref_squeeze %dma_start3A_814 : memref<1x32x128xf32, #tpu.memory_space<vmem>> -> memref<32x128xf32, #tpu.memory_space<vmem>>
      %dma_start3A_816 = arith.constant 0 : i32
      %dma_start3A_817 = tpu.memref_slice %arg5[%dma_start3A_816, %multiple_of3A_810] : memref<32x1000000xf32, #tpu.memory_space<hbm>> -> memref<32x128xf32, #tpu.memory_space<hbm>>
      %dma_start3A_818 = arith.constant 0 : i32
      %dma_start3A_819 = arith.constant 0 : i32
      %dma_start3A_820 = tpu.memref_slice %arg10[%dma_start3A_811, %dma_start3A_818, %dma_start3A_819] : memref<16x32x128xf32, #tpu.memory_space<vmem>> -> memref<1x32x128xf32, #tpu.memory_space<vmem>>
      %dma_start3A_821 = tpu.memref_squeeze %dma_start3A_820 : memref<1x32x128xf32, #tpu.memory_space<vmem>> -> memref<32x128xf32, #tpu.memory_space<vmem>>
      %dma_start3A_822 = arith.constant 0 : i32
      %dma_start3A_823 = tpu.memref_slice %arg5[%dma_start3A_822, %multiple_of3A_810] : memref<32x1000000xf32, #tpu.memory_space<hbm>> -> memref<32x128xf32, #tpu.memory_space<hbm>>
      tpu.enqueue_dma source(%dma_start3A_823 : memref<32x128xf32, #tpu.memory_space<hbm>>) target(%dma_start3A_821 : memref<32x128xf32, #tpu.memory_space<vmem>>) target_semaphore(%arg16 : memref<!tpu.dma_semaphore, #tpu.memory_space<semaphore_mem>>)
      %slice3A_824 = vector.extract_strided_slice %get3A_640 {offsets = [9], sizes = [1], strides = [1]} : vector<16xi32> to vector<1xi32>
      %squeeze3A_825 = vector.extract %slice3A_824[0] : i32 from vector<1xi32>
      %shift_right_arithmetic3A_826 = arith.constant 7 : i32
      %shift_right_arithmetic3A_827 = arith.shrsi %squeeze3A_825, %shift_right_arithmetic3A_826 : i32
      %mul3A_828 = arith.constant 128 : i32
      %mul3A_829 = arith.muli %shift_right_arithmetic3A_827, %mul3A_828 : i32
      %multiple_of3A_830 = tpu.assume_multiple %mul3A_829, 128 : i32
      %dma_start3A_831 = arith.constant 9 : i32
      %dma_start3A_832 = arith.constant 0 : i32
      %dma_start3A_833 = arith.constant 0 : i32
      %dma_start3A_834 = tpu.memref_slice %arg10[%dma_start3A_831, %dma_start3A_832, %dma_start3A_833] : memref<16x32x128xf32, #tpu.memory_space<vmem>> -> memref<1x32x128xf32, #tpu.memory_space<vmem>>
      %dma_start3A_835 = tpu.memref_squeeze %dma_start3A_834 : memref<1x32x128xf32, #tpu.memory_space<vmem>> -> memref<32x128xf32, #tpu.memory_space<vmem>>
      %dma_start3A_836 = arith.constant 0 : i32
      %dma_start3A_837 = tpu.memref_slice %arg5[%dma_start3A_836, %multiple_of3A_830] : memref<32x1000000xf32, #tpu.memory_space<hbm>> -> memref<32x128xf32, #tpu.memory_space<hbm>>
      %dma_start3A_838 = arith.constant 0 : i32
      %dma_start3A_839 = arith.constant 0 : i32
      %dma_start3A_840 = tpu.memref_slice %arg10[%dma_start3A_831, %dma_start3A_838, %dma_start3A_839] : memref<16x32x128xf32, #tpu.memory_space<vmem>> -> memref<1x32x128xf32, #tpu.memory_space<vmem>>
      %dma_start3A_841 = tpu.memref_squeeze %dma_start3A_840 : memref<1x32x128xf32, #tpu.memory_space<vmem>> -> memref<32x128xf32, #tpu.memory_space<vmem>>
      %dma_start3A_842 = arith.constant 0 : i32
      %dma_start3A_843 = tpu.memref_slice %arg5[%dma_start3A_842, %multiple_of3A_830] : memref<32x1000000xf32, #tpu.memory_space<hbm>> -> memref<32x128xf32, #tpu.memory_space<hbm>>
      tpu.enqueue_dma source(%dma_start3A_843 : memref<32x128xf32, #tpu.memory_space<hbm>>) target(%dma_start3A_841 : memref<32x128xf32, #tpu.memory_space<vmem>>) target_semaphore(%arg16 : memref<!tpu.dma_semaphore, #tpu.memory_space<semaphore_mem>>)
      %slice3A_844 = vector.extract_strided_slice %get3A_640 {offsets = [10], sizes = [1], strides = [1]} : vector<16xi32> to vector<1xi32>
      %squeeze3A_845 = vector.extract %slice3A_844[0] : i32 from vector<1xi32>
      %shift_right_arithmetic3A_846 = arith.constant 7 : i32
      %shift_right_arithmetic3A_847 = arith.shrsi %squeeze3A_845, %shift_right_arithmetic3A_846 : i32
      %mul3A_848 = arith.constant 128 : i32
      %mul3A_849 = arith.muli %shift_right_arithmetic3A_847, %mul3A_848 : i32
      %multiple_of3A_850 = tpu.assume_multiple %mul3A_849, 128 : i32
      %dma_start3A_851 = arith.constant 10 : i32
      %dma_start3A_852 = arith.constant 0 : i32
      %dma_start3A_853 = arith.constant 0 : i32
      %dma_start3A_854 = tpu.memref_slice %arg10[%dma_start3A_851, %dma_start3A_852, %dma_start3A_853] : memref<16x32x128xf32, #tpu.memory_space<vmem>> -> memref<1x32x128xf32, #tpu.memory_space<vmem>>
      %dma_start3A_855 = tpu.memref_squeeze %dma_start3A_854 : memref<1x32x128xf32, #tpu.memory_space<vmem>> -> memref<32x128xf32, #tpu.memory_space<vmem>>
      %dma_start3A_856 = arith.constant 0 : i32
      %dma_start3A_857 = tpu.memref_slice %arg5[%dma_start3A_856, %multiple_of3A_850] : memref<32x1000000xf32, #tpu.memory_space<hbm>> -> memref<32x128xf32, #tpu.memory_space<hbm>>
      %dma_start3A_858 = arith.constant 0 : i32
      %dma_start3A_859 = arith.constant 0 : i32
      %dma_start3A_860 = tpu.memref_slice %arg10[%dma_start3A_851, %dma_start3A_858, %dma_start3A_859] : memref<16x32x128xf32, #tpu.memory_space<vmem>> -> memref<1x32x128xf32, #tpu.memory_space<vmem>>
      %dma_start3A_861 = tpu.memref_squeeze %dma_start3A_860 : memref<1x32x128xf32, #tpu.memory_space<vmem>> -> memref<32x128xf32, #tpu.memory_space<vmem>>
      %dma_start3A_862 = arith.constant 0 : i32
      %dma_start3A_863 = tpu.memref_slice %arg5[%dma_start3A_862, %multiple_of3A_850] : memref<32x1000000xf32, #tpu.memory_space<hbm>> -> memref<32x128xf32, #tpu.memory_space<hbm>>
      tpu.enqueue_dma source(%dma_start3A_863 : memref<32x128xf32, #tpu.memory_space<hbm>>) target(%dma_start3A_861 : memref<32x128xf32, #tpu.memory_space<vmem>>) target_semaphore(%arg16 : memref<!tpu.dma_semaphore, #tpu.memory_space<semaphore_mem>>)
      %slice3A_864 = vector.extract_strided_slice %get3A_640 {offsets = [11], sizes = [1], strides = [1]} : vector<16xi32> to vector<1xi32>
      %squeeze3A_865 = vector.extract %slice3A_864[0] : i32 from vector<1xi32>
      %shift_right_arithmetic3A_866 = arith.constant 7 : i32
      %shift_right_arithmetic3A_867 = arith.shrsi %squeeze3A_865, %shift_right_arithmetic3A_866 : i32
      %mul3A_868 = arith.constant 128 : i32
      %mul3A_869 = arith.muli %shift_right_arithmetic3A_867, %mul3A_868 : i32
      %multiple_of3A_870 = tpu.assume_multiple %mul3A_869, 128 : i32
      %dma_start3A_871 = arith.constant 11 : i32
      %dma_start3A_872 = arith.constant 0 : i32
      %dma_start3A_873 = arith.constant 0 : i32
      %dma_start3A_874 = tpu.memref_slice %arg10[%dma_start3A_871, %dma_start3A_872, %dma_start3A_873] : memref<16x32x128xf32, #tpu.memory_space<vmem>> -> memref<1x32x128xf32, #tpu.memory_space<vmem>>
      %dma_start3A_875 = tpu.memref_squeeze %dma_start3A_874 : memref<1x32x128xf32, #tpu.memory_space<vmem>> -> memref<32x128xf32, #tpu.memory_space<vmem>>
      %dma_start3A_876 = arith.constant 0 : i32
      %dma_start3A_877 = tpu.memref_slice %arg5[%dma_start3A_876, %multiple_of3A_870] : memref<32x1000000xf32, #tpu.memory_space<hbm>> -> memref<32x128xf32, #tpu.memory_space<hbm>>
      %dma_start3A_878 = arith.constant 0 : i32
      %dma_start3A_879 = arith.constant 0 : i32
      %dma_start3A_880 = tpu.memref_slice %arg10[%dma_start3A_871, %dma_start3A_878, %dma_start3A_879] : memref<16x32x128xf32, #tpu.memory_space<vmem>> -> memref<1x32x128xf32, #tpu.memory_space<vmem>>
      %dma_start3A_881 = tpu.memref_squeeze %dma_start3A_880 : memref<1x32x128xf32, #tpu.memory_space<vmem>> -> memref<32x128xf32, #tpu.memory_space<vmem>>
      %dma_start3A_882 = arith.constant 0 : i32
      %dma_start3A_883 = tpu.memref_slice %arg5[%dma_start3A_882, %multiple_of3A_870] : memref<32x1000000xf32, #tpu.memory_space<hbm>> -> memref<32x128xf32, #tpu.memory_space<hbm>>
      tpu.enqueue_dma source(%dma_start3A_883 : memref<32x128xf32, #tpu.memory_space<hbm>>) target(%dma_start3A_881 : memref<32x128xf32, #tpu.memory_space<vmem>>) target_semaphore(%arg16 : memref<!tpu.dma_semaphore, #tpu.memory_space<semaphore_mem>>)
      %slice3A_884 = vector.extract_strided_slice %get3A_640 {offsets = [12], sizes = [1], strides = [1]} : vector<16xi32> to vector<1xi32>
      %squeeze3A_885 = vector.extract %slice3A_884[0] : i32 from vector<1xi32>
      %shift_right_arithmetic3A_886 = arith.constant 7 : i32
      %shift_right_arithmetic3A_887 = arith.shrsi %squeeze3A_885, %shift_right_arithmetic3A_886 : i32
      %mul3A_888 = arith.constant 128 : i32
      %mul3A_889 = arith.muli %shift_right_arithmetic3A_887, %mul3A_888 : i32
      %multiple_of3A_890 = tpu.assume_multiple %mul3A_889, 128 : i32
      %dma_start3A_891 = arith.constant 12 : i32
      %dma_start3A_892 = arith.constant 0 : i32
      %dma_start3A_893 = arith.constant 0 : i32
      %dma_start3A_894 = tpu.memref_slice %arg10[%dma_start3A_891, %dma_start3A_892, %dma_start3A_893] : memref<16x32x128xf32, #tpu.memory_space<vmem>> -> memref<1x32x128xf32, #tpu.memory_space<vmem>>
      %dma_start3A_895 = tpu.memref_squeeze %dma_start3A_894 : memref<1x32x128xf32, #tpu.memory_space<vmem>> -> memref<32x128xf32, #tpu.memory_space<vmem>>
      %dma_start3A_896 = arith.constant 0 : i32
      %dma_start3A_897 = tpu.memref_slice %arg5[%dma_start3A_896, %multiple_of3A_890] : memref<32x1000000xf32, #tpu.memory_space<hbm>> -> memref<32x128xf32, #tpu.memory_space<hbm>>
      %dma_start3A_898 = arith.constant 0 : i32
      %dma_start3A_899 = arith.constant 0 : i32
      %dma_start3A_900 = tpu.memref_slice %arg10[%dma_start3A_891, %dma_start3A_898, %dma_start3A_899] : memref<16x32x128xf32, #tpu.memory_space<vmem>> -> memref<1x32x128xf32, #tpu.memory_space<vmem>>
      %dma_start3A_901 = tpu.memref_squeeze %dma_start3A_900 : memref<1x32x128xf32, #tpu.memory_space<vmem>> -> memref<32x128xf32, #tpu.memory_space<vmem>>
      %dma_start3A_902 = arith.constant 0 : i32
      %dma_start3A_903 = tpu.memref_slice %arg5[%dma_start3A_902, %multiple_of3A_890] : memref<32x1000000xf32, #tpu.memory_space<hbm>> -> memref<32x128xf32, #tpu.memory_space<hbm>>
      tpu.enqueue_dma source(%dma_start3A_903 : memref<32x128xf32, #tpu.memory_space<hbm>>) target(%dma_start3A_901 : memref<32x128xf32, #tpu.memory_space<vmem>>) target_semaphore(%arg16 : memref<!tpu.dma_semaphore, #tpu.memory_space<semaphore_mem>>)
      %slice3A_904 = vector.extract_strided_slice %get3A_640 {offsets = [13], sizes = [1], strides = [1]} : vector<16xi32> to vector<1xi32>
      %squeeze3A_905 = vector.extract %slice3A_904[0] : i32 from vector<1xi32>
      %shift_right_arithmetic3A_906 = arith.constant 7 : i32
      %shift_right_arithmetic3A_907 = arith.shrsi %squeeze3A_905, %shift_right_arithmetic3A_906 : i32
      %mul3A_908 = arith.constant 128 : i32
      %mul3A_909 = arith.muli %shift_right_arithmetic3A_907, %mul3A_908 : i32
      %multiple_of3A_910 = tpu.assume_multiple %mul3A_909, 128 : i32
      %dma_start3A_911 = arith.constant 13 : i32
      %dma_start3A_912 = arith.constant 0 : i32
      %dma_start3A_913 = arith.constant 0 : i32
      %dma_start3A_914 = tpu.memref_slice %arg10[%dma_start3A_911, %dma_start3A_912, %dma_start3A_913] : memref<16x32x128xf32, #tpu.memory_space<vmem>> -> memref<1x32x128xf32, #tpu.memory_space<vmem>>
      %dma_start3A_915 = tpu.memref_squeeze %dma_start3A_914 : memref<1x32x128xf32, #tpu.memory_space<vmem>> -> memref<32x128xf32, #tpu.memory_space<vmem>>
      %dma_start3A_916 = arith.constant 0 : i32
      %dma_start3A_917 = tpu.memref_slice %arg5[%dma_start3A_916, %multiple_of3A_910] : memref<32x1000000xf32, #tpu.memory_space<hbm>> -> memref<32x128xf32, #tpu.memory_space<hbm>>
      %dma_start3A_918 = arith.constant 0 : i32
      %dma_start3A_919 = arith.constant 0 : i32
      %dma_start3A_920 = tpu.memref_slice %arg10[%dma_start3A_911, %dma_start3A_918, %dma_start3A_919] : memref<16x32x128xf32, #tpu.memory_space<vmem>> -> memref<1x32x128xf32, #tpu.memory_space<vmem>>
      %dma_start3A_921 = tpu.memref_squeeze %dma_start3A_920 : memref<1x32x128xf32, #tpu.memory_space<vmem>> -> memref<32x128xf32, #tpu.memory_space<vmem>>
      %dma_start3A_922 = arith.constant 0 : i32
      %dma_start3A_923 = tpu.memref_slice %arg5[%dma_start3A_922, %multiple_of3A_910] : memref<32x1000000xf32, #tpu.memory_space<hbm>> -> memref<32x128xf32, #tpu.memory_space<hbm>>
      tpu.enqueue_dma source(%dma_start3A_923 : memref<32x128xf32, #tpu.memory_space<hbm>>) target(%dma_start3A_921 : memref<32x128xf32, #tpu.memory_space<vmem>>) target_semaphore(%arg16 : memref<!tpu.dma_semaphore, #tpu.memory_space<semaphore_mem>>)
      %slice3A_924 = vector.extract_strided_slice %get3A_640 {offsets = [14], sizes = [1], strides = [1]} : vector<16xi32> to vector<1xi32>
      %squeeze3A_925 = vector.extract %slice3A_924[0] : i32 from vector<1xi32>
      %shift_right_arithmetic3A_926 = arith.constant 7 : i32
      %shift_right_arithmetic3A_927 = arith.shrsi %squeeze3A_925, %shift_right_arithmetic3A_926 : i32
      %mul3A_928 = arith.constant 128 : i32
      %mul3A_929 = arith.muli %shift_right_arithmetic3A_927, %mul3A_928 : i32
      %multiple_of3A_930 = tpu.assume_multiple %mul3A_929, 128 : i32
      %dma_start3A_931 = arith.constant 14 : i32
      %dma_start3A_932 = arith.constant 0 : i32
      %dma_start3A_933 = arith.constant 0 : i32
      %dma_start3A_934 = tpu.memref_slice %arg10[%dma_start3A_931, %dma_start3A_932, %dma_start3A_933] : memref<16x32x128xf32, #tpu.memory_space<vmem>> -> memref<1x32x128xf32, #tpu.memory_space<vmem>>
      %dma_start3A_935 = tpu.memref_squeeze %dma_start3A_934 : memref<1x32x128xf32, #tpu.memory_space<vmem>> -> memref<32x128xf32, #tpu.memory_space<vmem>>
      %dma_start3A_936 = arith.constant 0 : i32
      %dma_start3A_937 = tpu.memref_slice %arg5[%dma_start3A_936, %multiple_of3A_930] : memref<32x1000000xf32, #tpu.memory_space<hbm>> -> memref<32x128xf32, #tpu.memory_space<hbm>>
      %dma_start3A_938 = arith.constant 0 : i32
      %dma_start3A_939 = arith.constant 0 : i32
      %dma_start3A_940 = tpu.memref_slice %arg10[%dma_start3A_931, %dma_start3A_938, %dma_start3A_939] : memref<16x32x128xf32, #tpu.memory_space<vmem>> -> memref<1x32x128xf32, #tpu.memory_space<vmem>>
      %dma_start3A_941 = tpu.memref_squeeze %dma_start3A_940 : memref<1x32x128xf32, #tpu.memory_space<vmem>> -> memref<32x128xf32, #tpu.memory_space<vmem>>
      %dma_start3A_942 = arith.constant 0 : i32
      %dma_start3A_943 = tpu.memref_slice %arg5[%dma_start3A_942, %multiple_of3A_930] : memref<32x1000000xf32, #tpu.memory_space<hbm>> -> memref<32x128xf32, #tpu.memory_space<hbm>>
      tpu.enqueue_dma source(%dma_start3A_943 : memref<32x128xf32, #tpu.memory_space<hbm>>) target(%dma_start3A_941 : memref<32x128xf32, #tpu.memory_space<vmem>>) target_semaphore(%arg16 : memref<!tpu.dma_semaphore, #tpu.memory_space<semaphore_mem>>)
      %slice3A_944 = vector.extract_strided_slice %get3A_640 {offsets = [15], sizes = [1], strides = [1]} : vector<16xi32> to vector<1xi32>
      %squeeze3A_945 = vector.extract %slice3A_944[0] : i32 from vector<1xi32>
      %shift_right_arithmetic3A_946 = arith.constant 7 : i32
      %shift_right_arithmetic3A_947 = arith.shrsi %squeeze3A_945, %shift_right_arithmetic3A_946 : i32
      %mul3A_948 = arith.constant 128 : i32
      %mul3A_949 = arith.muli %shift_right_arithmetic3A_947, %mul3A_948 : i32
      %multiple_of3A_950 = tpu.assume_multiple %mul3A_949, 128 : i32
      %dma_start3A_951 = arith.constant 15 : i32
      %dma_start3A_952 = arith.constant 0 : i32
      %dma_start3A_953 = arith.constant 0 : i32
      %dma_start3A_954 = tpu.memref_slice %arg10[%dma_start3A_951, %dma_start3A_952, %dma_start3A_953] : memref<16x32x128xf32, #tpu.memory_space<vmem>> -> memref<1x32x128xf32, #tpu.memory_space<vmem>>
      %dma_start3A_955 = tpu.memref_squeeze %dma_start3A_954 : memref<1x32x128xf32, #tpu.memory_space<vmem>> -> memref<32x128xf32, #tpu.memory_space<vmem>>
      %dma_start3A_956 = arith.constant 0 : i32
      %dma_start3A_957 = tpu.memref_slice %arg5[%dma_start3A_956, %multiple_of3A_950] : memref<32x1000000xf32, #tpu.memory_space<hbm>> -> memref<32x128xf32, #tpu.memory_space<hbm>>
      %dma_start3A_958 = arith.constant 0 : i32
      %dma_start3A_959 = arith.constant 0 : i32
      %dma_start3A_960 = tpu.memref_slice %arg10[%dma_start3A_951, %dma_start3A_958, %dma_start3A_959] : memref<16x32x128xf32, #tpu.memory_space<vmem>> -> memref<1x32x128xf32, #tpu.memory_space<vmem>>
      %dma_start3A_961 = tpu.memref_squeeze %dma_start3A_960 : memref<1x32x128xf32, #tpu.memory_space<vmem>> -> memref<32x128xf32, #tpu.memory_space<vmem>>
      %dma_start3A_962 = arith.constant 0 : i32
      %dma_start3A_963 = tpu.memref_slice %arg5[%dma_start3A_962, %multiple_of3A_950] : memref<32x1000000xf32, #tpu.memory_space<hbm>> -> memref<32x128xf32, #tpu.memory_space<hbm>>
      tpu.enqueue_dma source(%dma_start3A_963 : memref<32x128xf32, #tpu.memory_space<hbm>>) target(%dma_start3A_961 : memref<32x128xf32, #tpu.memory_space<vmem>>) target_semaphore(%arg16 : memref<!tpu.dma_semaphore, #tpu.memory_space<semaphore_mem>>)
      %dma_wait3A_964 = arith.constant 0 : i32
      %dma_wait3A_965 = arith.constant 0 : i32
      %dma_wait3A_966 = tpu.memref_slice %arg4[%dma_wait3A_964, %dma_wait3A_965] : memref<32x1000000xf32, #tpu.memory_space<hbm>> -> memref<32x2048xf32, #tpu.memory_space<hbm>>
      %dma_wait3A_967 = arith.constant 0 : i32
      %dma_wait3A_968 = arith.constant 0 : i32
      %dma_wait3A_969 = tpu.memref_slice %arg4[%dma_wait3A_967, %dma_wait3A_968] : memref<32x1000000xf32, #tpu.memory_space<hbm>> -> memref<32x2048xf32, #tpu.memory_space<hbm>>
      tpu.wait_dma2 semaphore(%arg16 : memref<!tpu.dma_semaphore, #tpu.memory_space<semaphore_mem>>) src(%dma_wait3A_969 : memref<32x2048xf32, #tpu.memory_space<hbm>>) dst(%arg10 : memref<16x32x128xf32, #tpu.memory_space<vmem>>)
      %broadcast_in_dim3A_970 = arith.constant 0 : i32
      %broadcast_in_dim3A_971 = vector.broadcast %broadcast_in_dim3A_970 : i32 to vector<16xi32>
      %gather3A_972 = tpu.vector_load_idx %arg10[%iota3A, %broadcast_in_dim3A_971, %and3A_643] : memref<16x32x128xf32, #tpu.memory_space<vmem>>[vector<16xi32>, vector<16xi32>, vector<16xi32>], vector<16xf32>,
      %swap3A_973 = arith.constant 0 : i32
      %swap3A_974 = arith.index_cast %swap3A_973 : i32 to index
      %swap3A_975 = arith.index_cast %multiple_of3A_638 : i32 to index
      %swap3A_976 = tpu.vector_load %arg12[%swap3A_974, %swap3A_975] {strides = array<i32>} : memref<32x512xf32, #tpu.memory_space<vmem>>, vector<16xf32>,
      tpu.vector_store %arg12[%swap3A_974, %swap3A_975], %gather3A_972 {strides = array<i32>} : memref<32x512xf32, #tpu.memory_space<vmem>>, vector<16xf32>,
      %broadcast_in_dim3A_977 = arith.constant 1 : i32
      %broadcast_in_dim3A_978 = vector.broadcast %broadcast_in_dim3A_977 : i32 to vector<16xi32>
      %gather3A_979 = tpu.vector_load_idx %arg10[%iota3A, %broadcast_in_dim3A_978, %and3A_643] : memref<16x32x128xf32, #tpu.memory_space<vmem>>[vector<16xi32>, vector<16xi32>, vector<16xi32>], vector<16xf32>,
      %swap3A_980 = arith.constant 1 : i32
      %swap3A_981 = arith.index_cast %swap3A_980 : i32 to index
      %swap3A_982 = arith.index_cast %multiple_of3A_638 : i32 to index
      %swap3A_983 = tpu.vector_load %arg12[%swap3A_981, %swap3A_982] {strides = array<i32>} : memref<32x512xf32, #tpu.memory_space<vmem>>, vector<16xf32>,
      tpu.vector_store %arg12[%swap3A_981, %swap3A_982], %gather3A_979 {strides = array<i32>} : memref<32x512xf32, #tpu.memory_space<vmem>>, vector<16xf32>,
      %broadcast_in_dim3A_984 = arith.constant 2 : i32
      %broadcast_in_dim3A_985 = vector.broadcast %broadcast_in_dim3A_984 : i32 to vector<16xi32>
      %gather3A_986 = tpu.vector_load_idx %arg10[%iota3A, %broadcast_in_dim3A_985, %and3A_643] : memref<16x32x128xf32, #tpu.memory_space<vmem>>[vector<16xi32>, vector<16xi32>, vector<16xi32>], vector<16xf32>,
      %swap3A_987 = arith.constant 2 : i32
      %swap3A_988 = arith.index_cast %swap3A_987 : i32 to index
      %swap3A_989 = arith.index_cast %multiple_of3A_638 : i32 to index
      %swap3A_990 = tpu.vector_load %arg12[%swap3A_988, %swap3A_989] {strides = array<i32>} : memref<32x512xf32, #tpu.memory_space<vmem>>, vector<16xf32>,
      tpu.vector_store %arg12[%swap3A_988, %swap3A_989], %gather3A_986 {strides = array<i32>} : memref<32x512xf32, #tpu.memory_space<vmem>>, vector<16xf32>,
      %broadcast_in_dim3A_991 = arith.constant 3 : i32
      %broadcast_in_dim3A_992 = vector.broadcast %broadcast_in_dim3A_991 : i32 to vector<16xi32>
      %gather3A_993 = tpu.vector_load_idx %arg10[%iota3A, %broadcast_in_dim3A_992, %and3A_643] : memref<16x32x128xf32, #tpu.memory_space<vmem>>[vector<16xi32>, vector<16xi32>, vector<16xi32>], vector<16xf32>,
      %swap3A_994 = arith.constant 3 : i32
      %swap3A_995 = arith.index_cast %swap3A_994 : i32 to index
      %swap3A_996 = arith.index_cast %multiple_of3A_638 : i32 to index
      %swap3A_997 = tpu.vector_load %arg12[%swap3A_995, %swap3A_996] {strides = array<i32>} : memref<32x512xf32, #tpu.memory_space<vmem>>, vector<16xf32>,
      tpu.vector_store %arg12[%swap3A_995, %swap3A_996], %gather3A_993 {strides = array<i32>} : memref<32x512xf32, #tpu.memory_space<vmem>>, vector<16xf32>,
      %broadcast_in_dim3A_998 = arith.constant 4 : i32
      %broadcast_in_dim3A_999 = vector.broadcast %broadcast_in_dim3A_998 : i32 to vector<16xi32>
      %gather3A_1000 = tpu.vector_load_idx %arg10[%iota3A, %broadcast_in_dim3A_999, %and3A_643] : memref<16x32x128xf32, #tpu.memory_space<vmem>>[vector<16xi32>, vector<16xi32>, vector<16xi32>], vector<16xf32>,
      %swap3A_1001 = arith.constant 4 : i32
      %swap3A_1002 = arith.index_cast %swap3A_1001 : i32 to index
      %swap3A_1003 = arith.index_cast %multiple_of3A_638 : i32 to index
      %swap3A_1004 = tpu.vector_load %arg12[%swap3A_1002, %swap3A_1003] {strides = array<i32>} : memref<32x512xf32, #tpu.memory_space<vmem>>, vector<16xf32>,
      tpu.vector_store %arg12[%swap3A_1002, %swap3A_1003], %gather3A_1000 {strides = array<i32>} : memref<32x512xf32, #tpu.memory_space<vmem>>, vector<16xf32>,
      %broadcast_in_dim3A_1005 = arith.constant 5 : i32
      %broadcast_in_dim3A_1006 = vector.broadcast %broadcast_in_dim3A_1005 : i32 to vector<16xi32>
      %gather3A_1007 = tpu.vector_load_idx %arg10[%iota3A, %broadcast_in_dim3A_1006, %and3A_643] : memref<16x32x128xf32, #tpu.memory_space<vmem>>[vector<16xi32>, vector<16xi32>, vector<16xi32>], vector<16xf32>,
      %swap3A_1008 = arith.constant 5 : i32
      %swap3A_1009 = arith.index_cast %swap3A_1008 : i32 to index
      %swap3A_1010 = arith.index_cast %multiple_of3A_638 : i32 to index
      %swap3A_1011 = tpu.vector_load %arg12[%swap3A_1009, %swap3A_1010] {strides = array<i32>} : memref<32x512xf32, #tpu.memory_space<vmem>>, vector<16xf32>,
      tpu.vector_store %arg12[%swap3A_1009, %swap3A_1010], %gather3A_1007 {strides = array<i32>} : memref<32x512xf32, #tpu.memory_space<vmem>>, vector<16xf32>,
      %broadcast_in_dim3A_1012 = arith.constant 6 : i32
      %broadcast_in_dim3A_1013 = vector.broadcast %broadcast_in_dim3A_1012 : i32 to vector<16xi32>
      %gather3A_1014 = tpu.vector_load_idx %arg10[%iota3A, %broadcast_in_dim3A_1013, %and3A_643] : memref<16x32x128xf32, #tpu.memory_space<vmem>>[vector<16xi32>, vector<16xi32>, vector<16xi32>], vector<16xf32>,
      %swap3A_1015 = arith.constant 6 : i32
      %swap3A_1016 = arith.index_cast %swap3A_1015 : i32 to index
      %swap3A_1017 = arith.index_cast %multiple_of3A_638 : i32 to index
      %swap3A_1018 = tpu.vector_load %arg12[%swap3A_1016, %swap3A_1017] {strides = array<i32>} : memref<32x512xf32, #tpu.memory_space<vmem>>, vector<16xf32>,
      tpu.vector_store %arg12[%swap3A_1016, %swap3A_1017], %gather3A_1014 {strides = array<i32>} : memref<32x512xf32, #tpu.memory_space<vmem>>, vector<16xf32>,
      %broadcast_in_dim3A_1019 = arith.constant 7 : i32
      %broadcast_in_dim3A_1020 = vector.broadcast %broadcast_in_dim3A_1019 : i32 to vector<16xi32>
      %gather3A_1021 = tpu.vector_load_idx %arg10[%iota3A, %broadcast_in_dim3A_1020, %and3A_643] : memref<16x32x128xf32, #tpu.memory_space<vmem>>[vector<16xi32>, vector<16xi32>, vector<16xi32>], vector<16xf32>,
      %swap3A_1022 = arith.constant 7 : i32
      %swap3A_1023 = arith.index_cast %swap3A_1022 : i32 to index
      %swap3A_1024 = arith.index_cast %multiple_of3A_638 : i32 to index
      %swap3A_1025 = tpu.vector_load %arg12[%swap3A_1023, %swap3A_1024] {strides = array<i32>} : memref<32x512xf32, #tpu.memory_space<vmem>>, vector<16xf32>,
      tpu.vector_store %arg12[%swap3A_1023, %swap3A_1024], %gather3A_1021 {strides = array<i32>} : memref<32x512xf32, #tpu.memory_space<vmem>>, vector<16xf32>,
      %broadcast_in_dim3A_1026 = arith.constant 8 : i32
      %broadcast_in_dim3A_1027 = vector.broadcast %broadcast_in_dim3A_1026 : i32 to vector<16xi32>
      %gather3A_1028 = tpu.vector_load_idx %arg10[%iota3A, %broadcast_in_dim3A_1027, %and3A_643] : memref<16x32x128xf32, #tpu.memory_space<vmem>>[vector<16xi32>, vector<16xi32>, vector<16xi32>], vector<16xf32>,
      %swap3A_1029 = arith.constant 8 : i32
      %swap3A_1030 = arith.index_cast %swap3A_1029 : i32 to index
      %swap3A_1031 = arith.index_cast %multiple_of3A_638 : i32 to index
      %swap3A_1032 = tpu.vector_load %arg12[%swap3A_1030, %swap3A_1031] {strides = array<i32>} : memref<32x512xf32, #tpu.memory_space<vmem>>, vector<16xf32>,
      tpu.vector_store %arg12[%swap3A_1030, %swap3A_1031], %gather3A_1028 {strides = array<i32>} : memref<32x512xf32, #tpu.memory_space<vmem>>, vector<16xf32>,
      %broadcast_in_dim3A_1033 = arith.constant 9 : i32
      %broadcast_in_dim3A_1034 = vector.broadcast %broadcast_in_dim3A_1033 : i32 to vector<16xi32>
      %gather3A_1035 = tpu.vector_load_idx %arg10[%iota3A, %broadcast_in_dim3A_1034, %and3A_643] : memref<16x32x128xf32, #tpu.memory_space<vmem>>[vector<16xi32>, vector<16xi32>, vector<16xi32>], vector<16xf32>,
      %swap3A_1036 = arith.constant 9 : i32
      %swap3A_1037 = arith.index_cast %swap3A_1036 : i32 to index
      %swap3A_1038 = arith.index_cast %multiple_of3A_638 : i32 to index
      %swap3A_1039 = tpu.vector_load %arg12[%swap3A_1037, %swap3A_1038] {strides = array<i32>} : memref<32x512xf32, #tpu.memory_space<vmem>>, vector<16xf32>,
      tpu.vector_store %arg12[%swap3A_1037, %swap3A_1038], %gather3A_1035 {strides = array<i32>} : memref<32x512xf32, #tpu.memory_space<vmem>>, vector<16xf32>,
      %broadcast_in_dim3A_1040 = arith.constant 10 : i32
      %broadcast_in_dim3A_1041 = vector.broadcast %broadcast_in_dim3A_1040 : i32 to vector<16xi32>
      %gather3A_1042 = tpu.vector_load_idx %arg10[%iota3A, %broadcast_in_dim3A_1041, %and3A_643] : memref<16x32x128xf32, #tpu.memory_space<vmem>>[vector<16xi32>, vector<16xi32>, vector<16xi32>], vector<16xf32>,
      %swap3A_1043 = arith.constant 10 : i32
      %swap3A_1044 = arith.index_cast %swap3A_1043 : i32 to index
      %swap3A_1045 = arith.index_cast %multiple_of3A_638 : i32 to index
      %swap3A_1046 = tpu.vector_load %arg12[%swap3A_1044, %swap3A_1045] {strides = array<i32>} : memref<32x512xf32, #tpu.memory_space<vmem>>, vector<16xf32>,
      tpu.vector_store %arg12[%swap3A_1044, %swap3A_1045], %gather3A_1042 {strides = array<i32>} : memref<32x512xf32, #tpu.memory_space<vmem>>, vector<16xf32>,
      %broadcast_in_dim3A_1047 = arith.constant 11 : i32
      %broadcast_in_dim3A_1048 = vector.broadcast %broadcast_in_dim3A_1047 : i32 to vector<16xi32>
      %gather3A_1049 = tpu.vector_load_idx %arg10[%iota3A, %broadcast_in_dim3A_1048, %and3A_643] : memref<16x32x128xf32, #tpu.memory_space<vmem>>[vector<16xi32>, vector<16xi32>, vector<16xi32>], vector<16xf32>,
      %swap3A_1050 = arith.constant 11 : i32
      %swap3A_1051 = arith.index_cast %swap3A_1050 : i32 to index
      %swap3A_1052 = arith.index_cast %multiple_of3A_638 : i32 to index
      %swap3A_1053 = tpu.vector_load %arg12[%swap3A_1051, %swap3A_1052] {strides = array<i32>} : memref<32x512xf32, #tpu.memory_space<vmem>>, vector<16xf32>,
      tpu.vector_store %arg12[%swap3A_1051, %swap3A_1052], %gather3A_1049 {strides = array<i32>} : memref<32x512xf32, #tpu.memory_space<vmem>>, vector<16xf32>,
      %broadcast_in_dim3A_1054 = arith.constant 12 : i32
      %broadcast_in_dim3A_1055 = vector.broadcast %broadcast_in_dim3A_1054 : i32 to vector<16xi32>
      %gather3A_1056 = tpu.vector_load_idx %arg10[%iota3A, %broadcast_in_dim3A_1055, %and3A_643] : memref<16x32x128xf32, #tpu.memory_space<vmem>>[vector<16xi32>, vector<16xi32>, vector<16xi32>], vector<16xf32>,
      %swap3A_1057 = arith.constant 12 : i32
      %swap3A_1058 = arith.index_cast %swap3A_1057 : i32 to index
      %swap3A_1059 = arith.index_cast %multiple_of3A_638 : i32 to index
      %swap3A_1060 = tpu.vector_load %arg12[%swap3A_1058, %swap3A_1059] {strides = array<i32>} : memref<32x512xf32, #tpu.memory_space<vmem>>, vector<16xf32>,
      tpu.vector_store %arg12[%swap3A_1058, %swap3A_1059], %gather3A_1056 {strides = array<i32>} : memref<32x512xf32, #tpu.memory_space<vmem>>, vector<16xf32>,
      %broadcast_in_dim3A_1061 = arith.constant 13 : i32
      %broadcast_in_dim3A_1062 = vector.broadcast %broadcast_in_dim3A_1061 : i32 to vector<16xi32>
      %gather3A_1063 = tpu.vector_load_idx %arg10[%iota3A, %broadcast_in_dim3A_1062, %and3A_643] : memref<16x32x128xf32, #tpu.memory_space<vmem>>[vector<16xi32>, vector<16xi32>, vector<16xi32>], vector<16xf32>,
      %swap3A_1064 = arith.constant 13 : i32
      %swap3A_1065 = arith.index_cast %swap3A_1064 : i32 to index
      %swap3A_1066 = arith.index_cast %multiple_of3A_638 : i32 to index
      %swap3A_1067 = tpu.vector_load %arg12[%swap3A_1065, %swap3A_1066] {strides = array<i32>} : memref<32x512xf32, #tpu.memory_space<vmem>>, vector<16xf32>,
      tpu.vector_store %arg12[%swap3A_1065, %swap3A_1066], %gather3A_1063 {strides = array<i32>} : memref<32x512xf32, #tpu.memory_space<vmem>>, vector<16xf32>,
      %broadcast_in_dim3A_1068 = arith.constant 14 : i32
      %broadcast_in_dim3A_1069 = vector.broadcast %broadcast_in_dim3A_1068 : i32 to vector<16xi32>
      %gather3A_1070 = tpu.vector_load_idx %arg10[%iota3A, %broadcast_in_dim3A_1069, %and3A_643] : memref<16x32x128xf32, #tpu.memory_space<vmem>>[vector<16xi32>, vector<16xi32>, vector<16xi32>], vector<16xf32>,
      %swap3A_1071 = arith.constant 14 : i32
      %swap3A_1072 = arith.index_cast %swap3A_1071 : i32 to index
      %swap3A_1073 = arith.index_cast %multiple_of3A_638 : i32 to index
      %swap3A_1074 = tpu.vector_load %arg12[%swap3A_1072, %swap3A_1073] {strides = array<i32>} : memref<32x512xf32, #tpu.memory_space<vmem>>, vector<16xf32>,
      tpu.vector_store %arg12[%swap3A_1072, %swap3A_1073], %gather3A_1070 {strides = array<i32>} : memref<32x512xf32, #tpu.memory_space<vmem>>, vector<16xf32>,
      %broadcast_in_dim3A_1075 = arith.constant 15 : i32
      %broadcast_in_dim3A_1076 = vector.broadcast %broadcast_in_dim3A_1075 : i32 to vector<16xi32>
      %gather3A_1077 = tpu.vector_load_idx %arg10[%iota3A, %broadcast_in_dim3A_1076, %and3A_643] : memref<16x32x128xf32, #tpu.memory_space<vmem>>[vector<16xi32>, vector<16xi32>, vector<16xi32>], vector<16xf32>,
      %swap3A_1078 = arith.constant 15 : i32
      %swap3A_1079 = arith.index_cast %swap3A_1078 : i32 to index
      %swap3A_1080 = arith.index_cast %multiple_of3A_638 : i32 to index
      %swap3A_1081 = tpu.vector_load %arg12[%swap3A_1079, %swap3A_1080] {strides = array<i32>} : memref<32x512xf32, #tpu.memory_space<vmem>>, vector<16xf32>,
      tpu.vector_store %arg12[%swap3A_1079, %swap3A_1080], %gather3A_1077 {strides = array<i32>} : memref<32x512xf32, #tpu.memory_space<vmem>>, vector<16xf32>,
      %broadcast_in_dim3A_1082 = arith.constant 16 : i32
      %broadcast_in_dim3A_1083 = vector.broadcast %broadcast_in_dim3A_1082 : i32 to vector<16xi32>
      %gather3A_1084 = tpu.vector_load_idx %arg10[%iota3A, %broadcast_in_dim3A_1083, %and3A_643] : memref<16x32x128xf32, #tpu.memory_space<vmem>>[vector<16xi32>, vector<16xi32>, vector<16xi32>], vector<16xf32>,
      %swap3A_1085 = arith.constant 16 : i32
      %swap3A_1086 = arith.index_cast %swap3A_1085 : i32 to index
      %swap3A_1087 = arith.index_cast %multiple_of3A_638 : i32 to index
      %swap3A_1088 = tpu.vector_load %arg12[%swap3A_1086, %swap3A_1087] {strides = array<i32>} : memref<32x512xf32, #tpu.memory_space<vmem>>, vector<16xf32>,
      tpu.vector_store %arg12[%swap3A_1086, %swap3A_1087], %gather3A_1084 {strides = array<i32>} : memref<32x512xf32, #tpu.memory_space<vmem>>, vector<16xf32>,
      %broadcast_in_dim3A_1089 = arith.constant 17 : i32
      %broadcast_in_dim3A_1090 = vector.broadcast %broadcast_in_dim3A_1089 : i32 to vector<16xi32>
      %gather3A_1091 = tpu.vector_load_idx %arg10[%iota3A, %broadcast_in_dim3A_1090, %and3A_643] : memref<16x32x128xf32, #tpu.memory_space<vmem>>[vector<16xi32>, vector<16xi32>, vector<16xi32>], vector<16xf32>,
      %swap3A_1092 = arith.constant 17 : i32
      %swap3A_1093 = arith.index_cast %swap3A_1092 : i32 to index
      %swap3A_1094 = arith.index_cast %multiple_of3A_638 : i32 to index
      %swap3A_1095 = tpu.vector_load %arg12[%swap3A_1093, %swap3A_1094] {strides = array<i32>} : memref<32x512xf32, #tpu.memory_space<vmem>>, vector<16xf32>,
      tpu.vector_store %arg12[%swap3A_1093, %swap3A_1094], %gather3A_1091 {strides = array<i32>} : memref<32x512xf32, #tpu.memory_space<vmem>>, vector<16xf32>,
      %broadcast_in_dim3A_1096 = arith.constant 18 : i32
      %broadcast_in_dim3A_1097 = vector.broadcast %broadcast_in_dim3A_1096 : i32 to vector<16xi32>
      %gather3A_1098 = tpu.vector_load_idx %arg10[%iota3A, %broadcast_in_dim3A_1097, %and3A_643] : memref<16x32x128xf32, #tpu.memory_space<vmem>>[vector<16xi32>, vector<16xi32>, vector<16xi32>], vector<16xf32>,
      %swap3A_1099 = arith.constant 18 : i32
      %swap3A_1100 = arith.index_cast %swap3A_1099 : i32 to index
      %swap3A_1101 = arith.index_cast %multiple_of3A_638 : i32 to index
      %swap3A_1102 = tpu.vector_load %arg12[%swap3A_1100, %swap3A_1101] {strides = array<i32>} : memref<32x512xf32, #tpu.memory_space<vmem>>, vector<16xf32>,
      tpu.vector_store %arg12[%swap3A_1100, %swap3A_1101], %gather3A_1098 {strides = array<i32>} : memref<32x512xf32, #tpu.memory_space<vmem>>, vector<16xf32>,
      %broadcast_in_dim3A_1103 = arith.constant 19 : i32
      %broadcast_in_dim3A_1104 = vector.broadcast %broadcast_in_dim3A_1103 : i32 to vector<16xi32>
      %gather3A_1105 = tpu.vector_load_idx %arg10[%iota3A, %broadcast_in_dim3A_1104, %and3A_643] : memref<16x32x128xf32, #tpu.memory_space<vmem>>[vector<16xi32>, vector<16xi32>, vector<16xi32>], vector<16xf32>,
      %swap3A_1106 = arith.constant 19 : i32
      %swap3A_1107 = arith.index_cast %swap3A_1106 : i32 to index
      %swap3A_1108 = arith.index_cast %multiple_of3A_638 : i32 to index
      %swap3A_1109 = tpu.vector_load %arg12[%swap3A_1107, %swap3A_1108] {strides = array<i32>} : memref<32x512xf32, #tpu.memory_space<vmem>>, vector<16xf32>,
      tpu.vector_store %arg12[%swap3A_1107, %swap3A_1108], %gather3A_1105 {strides = array<i32>} : memref<32x512xf32, #tpu.memory_space<vmem>>, vector<16xf32>,
      %broadcast_in_dim3A_1110 = arith.constant 20 : i32
      %broadcast_in_dim3A_1111 = vector.broadcast %broadcast_in_dim3A_1110 : i32 to vector<16xi32>
      %gather3A_1112 = tpu.vector_load_idx %arg10[%iota3A, %broadcast_in_dim3A_1111, %and3A_643] : memref<16x32x128xf32, #tpu.memory_space<vmem>>[vector<16xi32>, vector<16xi32>, vector<16xi32>], vector<16xf32>,
      %swap3A_1113 = arith.constant 20 : i32
      %swap3A_1114 = arith.index_cast %swap3A_1113 : i32 to index
      %swap3A_1115 = arith.index_cast %multiple_of3A_638 : i32 to index
      %swap3A_1116 = tpu.vector_load %arg12[%swap3A_1114, %swap3A_1115] {strides = array<i32>} : memref<32x512xf32, #tpu.memory_space<vmem>>, vector<16xf32>,
      tpu.vector_store %arg12[%swap3A_1114, %swap3A_1115], %gather3A_1112 {strides = array<i32>} : memref<32x512xf32, #tpu.memory_space<vmem>>, vector<16xf32>,
      %broadcast_in_dim3A_1117 = arith.constant 21 : i32
      %broadcast_in_dim3A_1118 = vector.broadcast %broadcast_in_dim3A_1117 : i32 to vector<16xi32>
      %gather3A_1119 = tpu.vector_load_idx %arg10[%iota3A, %broadcast_in_dim3A_1118, %and3A_643] : memref<16x32x128xf32, #tpu.memory_space<vmem>>[vector<16xi32>, vector<16xi32>, vector<16xi32>], vector<16xf32>,
      %swap3A_1120 = arith.constant 21 : i32
      %swap3A_1121 = arith.index_cast %swap3A_1120 : i32 to index
      %swap3A_1122 = arith.index_cast %multiple_of3A_638 : i32 to index
      %swap3A_1123 = tpu.vector_load %arg12[%swap3A_1121, %swap3A_1122] {strides = array<i32>} : memref<32x512xf32, #tpu.memory_space<vmem>>, vector<16xf32>,
      tpu.vector_store %arg12[%swap3A_1121, %swap3A_1122], %gather3A_1119 {strides = array<i32>} : memref<32x512xf32, #tpu.memory_space<vmem>>, vector<16xf32>,
      %broadcast_in_dim3A_1124 = arith.constant 22 : i32
      %broadcast_in_dim3A_1125 = vector.broadcast %broadcast_in_dim3A_1124 : i32 to vector<16xi32>
      %gather3A_1126 = tpu.vector_load_idx %arg10[%iota3A, %broadcast_in_dim3A_1125, %and3A_643] : memref<16x32x128xf32, #tpu.memory_space<vmem>>[vector<16xi32>, vector<16xi32>, vector<16xi32>], vector<16xf32>,
      %swap3A_1127 = arith.constant 22 : i32
      %swap3A_1128 = arith.index_cast %swap3A_1127 : i32 to index
      %swap3A_1129 = arith.index_cast %multiple_of3A_638 : i32 to index
      %swap3A_1130 = tpu.vector_load %arg12[%swap3A_1128, %swap3A_1129] {strides = array<i32>} : memref<32x512xf32, #tpu.memory_space<vmem>>, vector<16xf32>,
      tpu.vector_store %arg12[%swap3A_1128, %swap3A_1129], %gather3A_1126 {strides = array<i32>} : memref<32x512xf32, #tpu.memory_space<vmem>>, vector<16xf32>,
      %broadcast_in_dim3A_1131 = arith.constant 23 : i32
      %broadcast_in_dim3A_1132 = vector.broadcast %broadcast_in_dim3A_1131 : i32 to vector<16xi32>
      %gather3A_1133 = tpu.vector_load_idx %arg10[%iota3A, %broadcast_in_dim3A_1132, %and3A_643] : memref<16x32x128xf32, #tpu.memory_space<vmem>>[vector<16xi32>, vector<16xi32>, vector<16xi32>], vector<16xf32>,
      %swap3A_1134 = arith.constant 23 : i32
      %swap3A_1135 = arith.index_cast %swap3A_1134 : i32 to index
      %swap3A_1136 = arith.index_cast %multiple_of3A_638 : i32 to index
      %swap3A_1137 = tpu.vector_load %arg12[%swap3A_1135, %swap3A_1136] {strides = array<i32>} : memref<32x512xf32, #tpu.memory_space<vmem>>, vector<16xf32>,
      tpu.vector_store %arg12[%swap3A_1135, %swap3A_1136], %gather3A_1133 {strides = array<i32>} : memref<32x512xf32, #tpu.memory_space<vmem>>, vector<16xf32>,
      %broadcast_in_dim3A_1138 = arith.constant 24 : i32
      %broadcast_in_dim3A_1139 = vector.broadcast %broadcast_in_dim3A_1138 : i32 to vector<16xi32>
      %gather3A_1140 = tpu.vector_load_idx %arg10[%iota3A, %broadcast_in_dim3A_1139, %and3A_643] : memref<16x32x128xf32, #tpu.memory_space<vmem>>[vector<16xi32>, vector<16xi32>, vector<16xi32>], vector<16xf32>,
      %swap3A_1141 = arith.constant 24 : i32
      %swap3A_1142 = arith.index_cast %swap3A_1141 : i32 to index
      %swap3A_1143 = arith.index_cast %multiple_of3A_638 : i32 to index
      %swap3A_1144 = tpu.vector_load %arg12[%swap3A_1142, %swap3A_1143] {strides = array<i32>} : memref<32x512xf32, #tpu.memory_space<vmem>>, vector<16xf32>,
      tpu.vector_store %arg12[%swap3A_1142, %swap3A_1143], %gather3A_1140 {strides = array<i32>} : memref<32x512xf32, #tpu.memory_space<vmem>>, vector<16xf32>,
      %broadcast_in_dim3A_1145 = arith.constant 25 : i32
      %broadcast_in_dim3A_1146 = vector.broadcast %broadcast_in_dim3A_1145 : i32 to vector<16xi32>
      %gather3A_1147 = tpu.vector_load_idx %arg10[%iota3A, %broadcast_in_dim3A_1146, %and3A_643] : memref<16x32x128xf32, #tpu.memory_space<vmem>>[vector<16xi32>, vector<16xi32>, vector<16xi32>], vector<16xf32>,
      %swap3A_1148 = arith.constant 25 : i32
      %swap3A_1149 = arith.index_cast %swap3A_1148 : i32 to index
      %swap3A_1150 = arith.index_cast %multiple_of3A_638 : i32 to index
      %swap3A_1151 = tpu.vector_load %arg12[%swap3A_1149, %swap3A_1150] {strides = array<i32>} : memref<32x512xf32, #tpu.memory_space<vmem>>, vector<16xf32>,
      tpu.vector_store %arg12[%swap3A_1149, %swap3A_1150], %gather3A_1147 {strides = array<i32>} : memref<32x512xf32, #tpu.memory_space<vmem>>, vector<16xf32>,
      %broadcast_in_dim3A_1152 = arith.constant 26 : i32
      %broadcast_in_dim3A_1153 = vector.broadcast %broadcast_in_dim3A_1152 : i32 to vector<16xi32>
      %gather3A_1154 = tpu.vector_load_idx %arg10[%iota3A, %broadcast_in_dim3A_1153, %and3A_643] : memref<16x32x128xf32, #tpu.memory_space<vmem>>[vector<16xi32>, vector<16xi32>, vector<16xi32>], vector<16xf32>,
      %swap3A_1155 = arith.constant 26 : i32
      %swap3A_1156 = arith.index_cast %swap3A_1155 : i32 to index
      %swap3A_1157 = arith.index_cast %multiple_of3A_638 : i32 to index
      %swap3A_1158 = tpu.vector_load %arg12[%swap3A_1156, %swap3A_1157] {strides = array<i32>} : memref<32x512xf32, #tpu.memory_space<vmem>>, vector<16xf32>,
      tpu.vector_store %arg12[%swap3A_1156, %swap3A_1157], %gather3A_1154 {strides = array<i32>} : memref<32x512xf32, #tpu.memory_space<vmem>>, vector<16xf32>,
      %broadcast_in_dim3A_1159 = arith.constant 27 : i32
      %broadcast_in_dim3A_1160 = vector.broadcast %broadcast_in_dim3A_1159 : i32 to vector<16xi32>
      %gather3A_1161 = tpu.vector_load_idx %arg10[%iota3A, %broadcast_in_dim3A_1160, %and3A_643] : memref<16x32x128xf32, #tpu.memory_space<vmem>>[vector<16xi32>, vector<16xi32>, vector<16xi32>], vector<16xf32>,
      %swap3A_1162 = arith.constant 27 : i32
      %swap3A_1163 = arith.index_cast %swap3A_1162 : i32 to index
      %swap3A_1164 = arith.index_cast %multiple_of3A_638 : i32 to index
      %swap3A_1165 = tpu.vector_load %arg12[%swap3A_1163, %swap3A_1164] {strides = array<i32>} : memref<32x512xf32, #tpu.memory_space<vmem>>, vector<16xf32>,
      tpu.vector_store %arg12[%swap3A_1163, %swap3A_1164], %gather3A_1161 {strides = array<i32>} : memref<32x512xf32, #tpu.memory_space<vmem>>, vector<16xf32>,
      %broadcast_in_dim3A_1166 = arith.constant 28 : i32
      %broadcast_in_dim3A_1167 = vector.broadcast %broadcast_in_dim3A_1166 : i32 to vector<16xi32>
      %gather3A_1168 = tpu.vector_load_idx %arg10[%iota3A, %broadcast_in_dim3A_1167, %and3A_643] : memref<16x32x128xf32, #tpu.memory_space<vmem>>[vector<16xi32>, vector<16xi32>, vector<16xi32>], vector<16xf32>,
      %swap3A_1169 = arith.constant 28 : i32
      %swap3A_1170 = arith.index_cast %swap3A_1169 : i32 to index
      %swap3A_1171 = arith.index_cast %multiple_of3A_638 : i32 to index
      %swap3A_1172 = tpu.vector_load %arg12[%swap3A_1170, %swap3A_1171] {strides = array<i32>} : memref<32x512xf32, #tpu.memory_space<vmem>>, vector<16xf32>,
      tpu.vector_store %arg12[%swap3A_1170, %swap3A_1171], %gather3A_1168 {strides = array<i32>} : memref<32x512xf32, #tpu.memory_space<vmem>>, vector<16xf32>,
      %broadcast_in_dim3A_1173 = arith.constant 29 : i32
      %broadcast_in_dim3A_1174 = vector.broadcast %broadcast_in_dim3A_1173 : i32 to vector<16xi32>
      %gather3A_1175 = tpu.vector_load_idx %arg10[%iota3A, %broadcast_in_dim3A_1174, %and3A_643] : memref<16x32x128xf32, #tpu.memory_space<vmem>>[vector<16xi32>, vector<16xi32>, vector<16xi32>], vector<16xf32>,
      %swap3A_1176 = arith.constant 29 : i32
      %swap3A_1177 = arith.index_cast %swap3A_1176 : i32 to index
      %swap3A_1178 = arith.index_cast %multiple_of3A_638 : i32 to index
      %swap3A_1179 = tpu.vector_load %arg12[%swap3A_1177, %swap3A_1178] {strides = array<i32>} : memref<32x512xf32, #tpu.memory_space<vmem>>, vector<16xf32>,
      tpu.vector_store %arg12[%swap3A_1177, %swap3A_1178], %gather3A_1175 {strides = array<i32>} : memref<32x512xf32, #tpu.memory_space<vmem>>, vector<16xf32>,
      %broadcast_in_dim3A_1180 = arith.constant 30 : i32
      %broadcast_in_dim3A_1181 = vector.broadcast %broadcast_in_dim3A_1180 : i32 to vector<16xi32>
      %gather3A_1182 = tpu.vector_load_idx %arg10[%iota3A, %broadcast_in_dim3A_1181, %and3A_643] : memref<16x32x128xf32, #tpu.memory_space<vmem>>[vector<16xi32>, vector<16xi32>, vector<16xi32>], vector<16xf32>,
      %swap3A_1183 = arith.constant 30 : i32
      %swap3A_1184 = arith.index_cast %swap3A_1183 : i32 to index
      %swap3A_1185 = arith.index_cast %multiple_of3A_638 : i32 to index
      %swap3A_1186 = tpu.vector_load %arg12[%swap3A_1184, %swap3A_1185] {strides = array<i32>} : memref<32x512xf32, #tpu.memory_space<vmem>>, vector<16xf32>,
      tpu.vector_store %arg12[%swap3A_1184, %swap3A_1185], %gather3A_1182 {strides = array<i32>} : memref<32x512xf32, #tpu.memory_space<vmem>>, vector<16xf32>,
      %broadcast_in_dim3A_1187 = arith.constant 31 : i32
      %broadcast_in_dim3A_1188 = vector.broadcast %broadcast_in_dim3A_1187 : i32 to vector<16xi32>
      %gather3A_1189 = tpu.vector_load_idx %arg10[%iota3A, %broadcast_in_dim3A_1188, %and3A_643] : memref<16x32x128xf32, #tpu.memory_space<vmem>>[vector<16xi32>, vector<16xi32>, vector<16xi32>], vector<16xf32>,
      %swap3A_1190 = arith.constant 31 : i32
      %swap3A_1191 = arith.index_cast %swap3A_1190 : i32 to index
      %swap3A_1192 = arith.index_cast %multiple_of3A_638 : i32 to index
      %swap3A_1193 = tpu.vector_load %arg12[%swap3A_1191, %swap3A_1192] {strides = array<i32>} : memref<32x512xf32, #tpu.memory_space<vmem>>, vector<16xf32>,
      tpu.vector_store %arg12[%swap3A_1191, %swap3A_1192], %gather3A_1189 {strides = array<i32>} : memref<32x512xf32, #tpu.memory_space<vmem>>, vector<16xf32>,
      %scan3A_1194 = arith.constant 0 : i32
      scf.yield %scan3A_1194 : i32
    }
    %scan3A_8 = arith.constant 32 : i32
    %get3A = arith.constant 32 : index
    %get3A_9 = tpu.vector_load %arg14[%get3A] {strides = array<i32>} : memref<48xf32, #tpu.memory_space<vmem>>, vector<16xf32>,
    %get3A_10 = arith.constant 0 : index
    %get3A_11 = tpu.vector_load %arg14[%get3A_10] {strides = array<i32>} : memref<48xf32, #tpu.memory_space<vmem>>, vector<16xf32>,
    %get3A_12 = arith.constant 16 : index
    %get3A_13 = tpu.vector_load %arg14[%get3A_12] {strides = array<i32>} : memref<48xf32, #tpu.memory_space<vmem>>, vector<16xf32>,
    %slice3A = vector.extract_strided_slice %get3A_11 {offsets = [0], sizes = [1], strides = [1]} : vector<16xf32> to vector<1xf32>
    %squeeze3A = vector.extract %slice3A[0] : f32 from vector<1xf32>
    %slice3A_14 = vector.extract_strided_slice %get3A_11 {offsets = [1], sizes = [1], strides = [1]} : vector<16xf32> to vector<1xf32>
    %squeeze3A_15 = vector.extract %slice3A_14[0] : f32 from vector<1xf32>
    %slice3A_16 = vector.extract_strided_slice %get3A_11 {offsets = [2], sizes = [1], strides = [1]} : vector<16xf32> to vector<1xf32>
    %squeeze3A_17 = vector.extract %slice3A_16[0] : f32 from vector<1xf32>
    %slice3A_18 = vector.extract_strided_slice %get3A_11 {offsets = [3], sizes = [1], strides = [1]} : vector<16xf32> to vector<1xf32>
    %squeeze3A_19 = vector.extract %slice3A_18[0] : f32 from vector<1xf32>
    %slice3A_20 = vector.extract_strided_slice %get3A_11 {offsets = [4], sizes = [1], strides = [1]} : vector<16xf32> to vector<1xf32>
    %squeeze3A_21 = vector.extract %slice3A_20[0] : f32 from vector<1xf32>
    %slice3A_22 = vector.extract_strided_slice %get3A_11 {offsets = [5], sizes = [1], strides = [1]} : vector<16xf32> to vector<1xf32>
    %squeeze3A_23 = vector.extract %slice3A_22[0] : f32 from vector<1xf32>
    %slice3A_24 = vector.extract_strided_slice %get3A_11 {offsets = [6], sizes = [1], strides = [1]} : vector<16xf32> to vector<1xf32>
    %squeeze3A_25 = vector.extract %slice3A_24[0] : f32 from vector<1xf32>
    %slice3A_26 = vector.extract_strided_slice %get3A_11 {offsets = [7], sizes = [1], strides = [1]} : vector<16xf32> to vector<1xf32>
    %squeeze3A_27 = vector.extract %slice3A_26[0] : f32 from vector<1xf32>
    %slice3A_28 = vector.extract_strided_slice %get3A_11 {offsets = [8], sizes = [1], strides = [1]} : vector<16xf32> to vector<1xf32>
    %squeeze3A_29 = vector.extract %slice3A_28[0] : f32 from vector<1xf32>
    %slice3A_30 = vector.extract_strided_slice %get3A_11 {offsets = [9], sizes = [1], strides = [1]} : vector<16xf32> to vector<1xf32>
    %squeeze3A_31 = vector.extract %slice3A_30[0] : f32 from vector<1xf32>
    %slice3A_32 = vector.extract_strided_slice %get3A_11 {offsets = [10], sizes = [1], strides = [1]} : vector<16xf32> to vector<1xf32>
    %squeeze3A_33 = vector.extract %slice3A_32[0] : f32 from vector<1xf32>
    %slice3A_34 = vector.extract_strided_slice %get3A_11 {offsets = [11], sizes = [1], strides = [1]} : vector<16xf32> to vector<1xf32>
    %squeeze3A_35 = vector.extract %slice3A_34[0] : f32 from vector<1xf32>
    %slice3A_36 = vector.extract_strided_slice %get3A_11 {offsets = [12], sizes = [1], strides = [1]} : vector<16xf32> to vector<1xf32>
    %squeeze3A_37 = vector.extract %slice3A_36[0] : f32 from vector<1xf32>
    %slice3A_38 = vector.extract_strided_slice %get3A_11 {offsets = [13], sizes = [1], strides = [1]} : vector<16xf32> to vector<1xf32>
    %squeeze3A_39 = vector.extract %slice3A_38[0] : f32 from vector<1xf32>
    %slice3A_40 = vector.extract_strided_slice %get3A_11 {offsets = [14], sizes = [1], strides = [1]} : vector<16xf32> to vector<1xf32>
    %squeeze3A_41 = vector.extract %slice3A_40[0] : f32 from vector<1xf32>
    %slice3A_42 = vector.extract_strided_slice %get3A_11 {offsets = [15], sizes = [1], strides = [1]} : vector<16xf32> to vector<1xf32>
    %squeeze3A_43 = vector.extract %slice3A_42[0] : f32 from vector<1xf32>
    %slice3A_44 = vector.extract_strided_slice %get3A_13 {offsets = [0], sizes = [1], strides = [1]} : vector<16xf32> to vector<1xf32>
    %squeeze3A_45 = vector.extract %slice3A_44[0] : f32 from vector<1xf32>
    %slice3A_46 = vector.extract_strided_slice %get3A_13 {offsets = [1], sizes = [1], strides = [1]} : vector<16xf32> to vector<1xf32>
    %squeeze3A_47 = vector.extract %slice3A_46[0] : f32 from vector<1xf32>
    %slice3A_48 = vector.extract_strided_slice %get3A_13 {offsets = [2], sizes = [1], strides = [1]} : vector<16xf32> to vector<1xf32>
    %squeeze3A_49 = vector.extract %slice3A_48[0] : f32 from vector<1xf32>
    %slice3A_50 = vector.extract_strided_slice %get3A_13 {offsets = [3], sizes = [1], strides = [1]} : vector<16xf32> to vector<1xf32>
    %squeeze3A_51 = vector.extract %slice3A_50[0] : f32 from vector<1xf32>
    %slice3A_52 = vector.extract_strided_slice %get3A_13 {offsets = [4], sizes = [1], strides = [1]} : vector<16xf32> to vector<1xf32>
    %squeeze3A_53 = vector.extract %slice3A_52[0] : f32 from vector<1xf32>
    %slice3A_54 = vector.extract_strided_slice %get3A_13 {offsets = [5], sizes = [1], strides = [1]} : vector<16xf32> to vector<1xf32>
    %squeeze3A_55 = vector.extract %slice3A_54[0] : f32 from vector<1xf32>
    %slice3A_56 = vector.extract_strided_slice %get3A_13 {offsets = [6], sizes = [1], strides = [1]} : vector<16xf32> to vector<1xf32>
    %squeeze3A_57 = vector.extract %slice3A_56[0] : f32 from vector<1xf32>
    %slice3A_58 = vector.extract_strided_slice %get3A_13 {offsets = [7], sizes = [1], strides = [1]} : vector<16xf32> to vector<1xf32>
    %squeeze3A_59 = vector.extract %slice3A_58[0] : f32 from vector<1xf32>
    %slice3A_60 = vector.extract_strided_slice %get3A_13 {offsets = [8], sizes = [1], strides = [1]} : vector<16xf32> to vector<1xf32>
    %squeeze3A_61 = vector.extract %slice3A_60[0] : f32 from vector<1xf32>
    %slice3A_62 = vector.extract_strided_slice %get3A_13 {offsets = [9], sizes = [1], strides = [1]} : vector<16xf32> to vector<1xf32>
    %squeeze3A_63 = vector.extract %slice3A_62[0] : f32 from vector<1xf32>
    %slice3A_64 = vector.extract_strided_slice %get3A_13 {offsets = [10], sizes = [1], strides = [1]} : vector<16xf32> to vector<1xf32>
    %squeeze3A_65 = vector.extract %slice3A_64[0] : f32 from vector<1xf32>
    %slice3A_66 = vector.extract_strided_slice %get3A_13 {offsets = [11], sizes = [1], strides = [1]} : vector<16xf32> to vector<1xf32>
    %squeeze3A_67 = vector.extract %slice3A_66[0] : f32 from vector<1xf32>
    %slice3A_68 = vector.extract_strided_slice %get3A_13 {offsets = [12], sizes = [1], strides = [1]} : vector<16xf32> to vector<1xf32>
    %squeeze3A_69 = vector.extract %slice3A_68[0] : f32 from vector<1xf32>
    %slice3A_70 = vector.extract_strided_slice %get3A_13 {offsets = [13], sizes = [1], strides = [1]} : vector<16xf32> to vector<1xf32>
    %squeeze3A_71 = vector.extract %slice3A_70[0] : f32 from vector<1xf32>
    %slice3A_72 = vector.extract_strided_slice %get3A_13 {offsets = [14], sizes = [1], strides = [1]} : vector<16xf32> to vector<1xf32>
    %squeeze3A_73 = vector.extract %slice3A_72[0] : f32 from vector<1xf32>
    %slice3A_74 = vector.extract_strided_slice %get3A_13 {offsets = [15], sizes = [1], strides = [1]} : vector<16xf32> to vector<1xf32>
    %squeeze3A_75 = vector.extract %slice3A_74[0] : f32 from vector<1xf32>
    %scan3A_76 = arith.constant 0 : i32
    %scan3A_77 = arith.constant 0 : i32
    %scan3A_78 = arith.constant 32 : i32
    %scan3A_79 = arith.addi %scan3A_77, %scan3A_78 : i32
    %scan3A_80 = arith.constant 1 : i32
    %scan3A_81 = scf.for %scan3A_83 = %scan3A_77 to %scan3A_79 step %scan3A_80 iter_args(%scan3A_84 = %scan3A_76) -> (i32)  : i32 {
      %mul3A_85 = arith.constant 16 : i32
      %mul3A_86 = arith.muli %scan3A_83, %mul3A_85 : i32
      %multiple_of3A_87 = tpu.assume_multiple %mul3A_86, 16 : i32
      %broadcast_in_dim3A = arith.constant 0.000000e+00 : f32
      %broadcast_in_dim3A_88 = vector.broadcast %broadcast_in_dim3A : f32 to vector<16xf32>
      %get3A_89 = arith.constant 0 : i32
      %get3A_90 = arith.index_cast %get3A_89 : i32 to index
      %get3A_91 = arith.index_cast %multiple_of3A_87 : i32 to index
      %get3A_92 = tpu.vector_load %arg11[%get3A_90, %get3A_91] {strides = array<i32>} : memref<32x512xf32, #tpu.memory_space<vmem>>, vector<16xf32>,
      %get3A_93 = arith.constant 0 : i32
      %get3A_94 = arith.index_cast %get3A_93 : i32 to index
      %get3A_95 = arith.index_cast %multiple_of3A_87 : i32 to index
      %get3A_96 = tpu.vector_load %arg12[%get3A_94, %get3A_95] {strides = array<i32>} : memref<32x512xf32, #tpu.memory_space<vmem>>, vector<16xf32>,
      %mul3A_97 = arith.mulf %get3A_92, %get3A_96 : vector<16xf32>
      %mul3A_98 = vector.broadcast %squeeze3A : f32 to vector<16xf32>
      %mul3A_99 = arith.mulf %mul3A_97, %mul3A_98 : vector<16xf32>
      %add3A_100 = arith.addf %broadcast_in_dim3A_88, %mul3A_99 : vector<16xf32>
      %get3A_101 = arith.constant 1 : i32
      %get3A_102 = arith.index_cast %get3A_101 : i32 to index
      %get3A_103 = arith.index_cast %multiple_of3A_87 : i32 to index
      %get3A_104 = tpu.vector_load %arg11[%get3A_102, %get3A_103] {strides = array<i32>} : memref<32x512xf32, #tpu.memory_space<vmem>>, vector<16xf32>,
      %get3A_105 = arith.constant 1 : i32
      %get3A_106 = arith.index_cast %get3A_105 : i32 to index
      %get3A_107 = arith.index_cast %multiple_of3A_87 : i32 to index
      %get3A_108 = tpu.vector_load %arg12[%get3A_106, %get3A_107] {strides = array<i32>} : memref<32x512xf32, #tpu.memory_space<vmem>>, vector<16xf32>,
      %mul3A_109 = arith.mulf %get3A_104, %get3A_108 : vector<16xf32>
      %mul3A_110 = vector.broadcast %squeeze3A_15 : f32 to vector<16xf32>
      %mul3A_111 = arith.mulf %mul3A_109, %mul3A_110 : vector<16xf32>
      %add3A_112 = arith.addf %add3A_100, %mul3A_111 : vector<16xf32>
      %get3A_113 = arith.constant 2 : i32
      %get3A_114 = arith.index_cast %get3A_113 : i32 to index
      %get3A_115 = arith.index_cast %multiple_of3A_87 : i32 to index
      %get3A_116 = tpu.vector_load %arg11[%get3A_114, %get3A_115] {strides = array<i32>} : memref<32x512xf32, #tpu.memory_space<vmem>>, vector<16xf32>,
      %get3A_117 = arith.constant 2 : i32
      %get3A_118 = arith.index_cast %get3A_117 : i32 to index
      %get3A_119 = arith.index_cast %multiple_of3A_87 : i32 to index
      %get3A_120 = tpu.vector_load %arg12[%get3A_118, %get3A_119] {strides = array<i32>} : memref<32x512xf32, #tpu.memory_space<vmem>>, vector<16xf32>,
      %mul3A_121 = arith.mulf %get3A_116, %get3A_120 : vector<16xf32>
      %mul3A_122 = vector.broadcast %squeeze3A_17 : f32 to vector<16xf32>
      %mul3A_123 = arith.mulf %mul3A_121, %mul3A_122 : vector<16xf32>
      %add3A_124 = arith.addf %add3A_112, %mul3A_123 : vector<16xf32>
      %get3A_125 = arith.constant 3 : i32
      %get3A_126 = arith.index_cast %get3A_125 : i32 to index
      %get3A_127 = arith.index_cast %multiple_of3A_87 : i32 to index
      %get3A_128 = tpu.vector_load %arg11[%get3A_126, %get3A_127] {strides = array<i32>} : memref<32x512xf32, #tpu.memory_space<vmem>>, vector<16xf32>,
      %get3A_129 = arith.constant 3 : i32
      %get3A_130 = arith.index_cast %get3A_129 : i32 to index
      %get3A_131 = arith.index_cast %multiple_of3A_87 : i32 to index
      %get3A_132 = tpu.vector_load %arg12[%get3A_130, %get3A_131] {strides = array<i32>} : memref<32x512xf32, #tpu.memory_space<vmem>>, vector<16xf32>,
      %mul3A_133 = arith.mulf %get3A_128, %get3A_132 : vector<16xf32>
      %mul3A_134 = vector.broadcast %squeeze3A_19 : f32 to vector<16xf32>
      %mul3A_135 = arith.mulf %mul3A_133, %mul3A_134 : vector<16xf32>
      %add3A_136 = arith.addf %add3A_124, %mul3A_135 : vector<16xf32>
      %get3A_137 = arith.constant 4 : i32
      %get3A_138 = arith.index_cast %get3A_137 : i32 to index
      %get3A_139 = arith.index_cast %multiple_of3A_87 : i32 to index
      %get3A_140 = tpu.vector_load %arg11[%get3A_138, %get3A_139] {strides = array<i32>} : memref<32x512xf32, #tpu.memory_space<vmem>>, vector<16xf32>,
      %get3A_141 = arith.constant 4 : i32
      %get3A_142 = arith.index_cast %get3A_141 : i32 to index
      %get3A_143 = arith.index_cast %multiple_of3A_87 : i32 to index
      %get3A_144 = tpu.vector_load %arg12[%get3A_142, %get3A_143] {strides = array<i32>} : memref<32x512xf32, #tpu.memory_space<vmem>>, vector<16xf32>,
      %mul3A_145 = arith.mulf %get3A_140, %get3A_144 : vector<16xf32>
      %mul3A_146 = vector.broadcast %squeeze3A_21 : f32 to vector<16xf32>
      %mul3A_147 = arith.mulf %mul3A_145, %mul3A_146 : vector<16xf32>
      %add3A_148 = arith.addf %add3A_136, %mul3A_147 : vector<16xf32>
      %get3A_149 = arith.constant 5 : i32
      %get3A_150 = arith.index_cast %get3A_149 : i32 to index
      %get3A_151 = arith.index_cast %multiple_of3A_87 : i32 to index
      %get3A_152 = tpu.vector_load %arg11[%get3A_150, %get3A_151] {strides = array<i32>} : memref<32x512xf32, #tpu.memory_space<vmem>>, vector<16xf32>,
      %get3A_153 = arith.constant 5 : i32
      %get3A_154 = arith.index_cast %get3A_153 : i32 to index
      %get3A_155 = arith.index_cast %multiple_of3A_87 : i32 to index
      %get3A_156 = tpu.vector_load %arg12[%get3A_154, %get3A_155] {strides = array<i32>} : memref<32x512xf32, #tpu.memory_space<vmem>>, vector<16xf32>,
      %mul3A_157 = arith.mulf %get3A_152, %get3A_156 : vector<16xf32>
      %mul3A_158 = vector.broadcast %squeeze3A_23 : f32 to vector<16xf32>
      %mul3A_159 = arith.mulf %mul3A_157, %mul3A_158 : vector<16xf32>
      %add3A_160 = arith.addf %add3A_148, %mul3A_159 : vector<16xf32>
      %get3A_161 = arith.constant 6 : i32
      %get3A_162 = arith.index_cast %get3A_161 : i32 to index
      %get3A_163 = arith.index_cast %multiple_of3A_87 : i32 to index
      %get3A_164 = tpu.vector_load %arg11[%get3A_162, %get3A_163] {strides = array<i32>} : memref<32x512xf32, #tpu.memory_space<vmem>>, vector<16xf32>,
      %get3A_165 = arith.constant 6 : i32
      %get3A_166 = arith.index_cast %get3A_165 : i32 to index
      %get3A_167 = arith.index_cast %multiple_of3A_87 : i32 to index
      %get3A_168 = tpu.vector_load %arg12[%get3A_166, %get3A_167] {strides = array<i32>} : memref<32x512xf32, #tpu.memory_space<vmem>>, vector<16xf32>,
      %mul3A_169 = arith.mulf %get3A_164, %get3A_168 : vector<16xf32>
      %mul3A_170 = vector.broadcast %squeeze3A_25 : f32 to vector<16xf32>
      %mul3A_171 = arith.mulf %mul3A_169, %mul3A_170 : vector<16xf32>
      %add3A_172 = arith.addf %add3A_160, %mul3A_171 : vector<16xf32>
      %get3A_173 = arith.constant 7 : i32
      %get3A_174 = arith.index_cast %get3A_173 : i32 to index
      %get3A_175 = arith.index_cast %multiple_of3A_87 : i32 to index
      %get3A_176 = tpu.vector_load %arg11[%get3A_174, %get3A_175] {strides = array<i32>} : memref<32x512xf32, #tpu.memory_space<vmem>>, vector<16xf32>,
      %get3A_177 = arith.constant 7 : i32
      %get3A_178 = arith.index_cast %get3A_177 : i32 to index
      %get3A_179 = arith.index_cast %multiple_of3A_87 : i32 to index
      %get3A_180 = tpu.vector_load %arg12[%get3A_178, %get3A_179] {strides = array<i32>} : memref<32x512xf32, #tpu.memory_space<vmem>>, vector<16xf32>,
      %mul3A_181 = arith.mulf %get3A_176, %get3A_180 : vector<16xf32>
      %mul3A_182 = vector.broadcast %squeeze3A_27 : f32 to vector<16xf32>
      %mul3A_183 = arith.mulf %mul3A_181, %mul3A_182 : vector<16xf32>
      %add3A_184 = arith.addf %add3A_172, %mul3A_183 : vector<16xf32>
      %get3A_185 = arith.constant 8 : i32
      %get3A_186 = arith.index_cast %get3A_185 : i32 to index
      %get3A_187 = arith.index_cast %multiple_of3A_87 : i32 to index
      %get3A_188 = tpu.vector_load %arg11[%get3A_186, %get3A_187] {strides = array<i32>} : memref<32x512xf32, #tpu.memory_space<vmem>>, vector<16xf32>,
      %get3A_189 = arith.constant 8 : i32
      %get3A_190 = arith.index_cast %get3A_189 : i32 to index
      %get3A_191 = arith.index_cast %multiple_of3A_87 : i32 to index
      %get3A_192 = tpu.vector_load %arg12[%get3A_190, %get3A_191] {strides = array<i32>} : memref<32x512xf32, #tpu.memory_space<vmem>>, vector<16xf32>,
      %mul3A_193 = arith.mulf %get3A_188, %get3A_192 : vector<16xf32>
      %mul3A_194 = vector.broadcast %squeeze3A_29 : f32 to vector<16xf32>
      %mul3A_195 = arith.mulf %mul3A_193, %mul3A_194 : vector<16xf32>
      %add3A_196 = arith.addf %add3A_184, %mul3A_195 : vector<16xf32>
      %get3A_197 = arith.constant 9 : i32
      %get3A_198 = arith.index_cast %get3A_197 : i32 to index
      %get3A_199 = arith.index_cast %multiple_of3A_87 : i32 to index
      %get3A_200 = tpu.vector_load %arg11[%get3A_198, %get3A_199] {strides = array<i32>} : memref<32x512xf32, #tpu.memory_space<vmem>>, vector<16xf32>,
      %get3A_201 = arith.constant 9 : i32
      %get3A_202 = arith.index_cast %get3A_201 : i32 to index
      %get3A_203 = arith.index_cast %multiple_of3A_87 : i32 to index
      %get3A_204 = tpu.vector_load %arg12[%get3A_202, %get3A_203] {strides = array<i32>} : memref<32x512xf32, #tpu.memory_space<vmem>>, vector<16xf32>,
      %mul3A_205 = arith.mulf %get3A_200, %get3A_204 : vector<16xf32>
      %mul3A_206 = vector.broadcast %squeeze3A_31 : f32 to vector<16xf32>
      %mul3A_207 = arith.mulf %mul3A_205, %mul3A_206 : vector<16xf32>
      %add3A_208 = arith.addf %add3A_196, %mul3A_207 : vector<16xf32>
      %get3A_209 = arith.constant 10 : i32
      %get3A_210 = arith.index_cast %get3A_209 : i32 to index
      %get3A_211 = arith.index_cast %multiple_of3A_87 : i32 to index
      %get3A_212 = tpu.vector_load %arg11[%get3A_210, %get3A_211] {strides = array<i32>} : memref<32x512xf32, #tpu.memory_space<vmem>>, vector<16xf32>,
      %get3A_213 = arith.constant 10 : i32
      %get3A_214 = arith.index_cast %get3A_213 : i32 to index
      %get3A_215 = arith.index_cast %multiple_of3A_87 : i32 to index
      %get3A_216 = tpu.vector_load %arg12[%get3A_214, %get3A_215] {strides = array<i32>} : memref<32x512xf32, #tpu.memory_space<vmem>>, vector<16xf32>,
      %mul3A_217 = arith.mulf %get3A_212, %get3A_216 : vector<16xf32>
      %mul3A_218 = vector.broadcast %squeeze3A_33 : f32 to vector<16xf32>
      %mul3A_219 = arith.mulf %mul3A_217, %mul3A_218 : vector<16xf32>
      %add3A_220 = arith.addf %add3A_208, %mul3A_219 : vector<16xf32>
      %get3A_221 = arith.constant 11 : i32
      %get3A_222 = arith.index_cast %get3A_221 : i32 to index
      %get3A_223 = arith.index_cast %multiple_of3A_87 : i32 to index
      %get3A_224 = tpu.vector_load %arg11[%get3A_222, %get3A_223] {strides = array<i32>} : memref<32x512xf32, #tpu.memory_space<vmem>>, vector<16xf32>,
      %get3A_225 = arith.constant 11 : i32
      %get3A_226 = arith.index_cast %get3A_225 : i32 to index
      %get3A_227 = arith.index_cast %multiple_of3A_87 : i32 to index
      %get3A_228 = tpu.vector_load %arg12[%get3A_226, %get3A_227] {strides = array<i32>} : memref<32x512xf32, #tpu.memory_space<vmem>>, vector<16xf32>,
      %mul3A_229 = arith.mulf %get3A_224, %get3A_228 : vector<16xf32>
      %mul3A_230 = vector.broadcast %squeeze3A_35 : f32 to vector<16xf32>
      %mul3A_231 = arith.mulf %mul3A_229, %mul3A_230 : vector<16xf32>
      %add3A_232 = arith.addf %add3A_220, %mul3A_231 : vector<16xf32>
      %get3A_233 = arith.constant 12 : i32
      %get3A_234 = arith.index_cast %get3A_233 : i32 to index
      %get3A_235 = arith.index_cast %multiple_of3A_87 : i32 to index
      %get3A_236 = tpu.vector_load %arg11[%get3A_234, %get3A_235] {strides = array<i32>} : memref<32x512xf32, #tpu.memory_space<vmem>>, vector<16xf32>,
      %get3A_237 = arith.constant 12 : i32
      %get3A_238 = arith.index_cast %get3A_237 : i32 to index
      %get3A_239 = arith.index_cast %multiple_of3A_87 : i32 to index
      %get3A_240 = tpu.vector_load %arg12[%get3A_238, %get3A_239] {strides = array<i32>} : memref<32x512xf32, #tpu.memory_space<vmem>>, vector<16xf32>,
      %mul3A_241 = arith.mulf %get3A_236, %get3A_240 : vector<16xf32>
      %mul3A_242 = vector.broadcast %squeeze3A_37 : f32 to vector<16xf32>
      %mul3A_243 = arith.mulf %mul3A_241, %mul3A_242 : vector<16xf32>
      %add3A_244 = arith.addf %add3A_232, %mul3A_243 : vector<16xf32>
      %get3A_245 = arith.constant 13 : i32
      %get3A_246 = arith.index_cast %get3A_245 : i32 to index
      %get3A_247 = arith.index_cast %multiple_of3A_87 : i32 to index
      %get3A_248 = tpu.vector_load %arg11[%get3A_246, %get3A_247] {strides = array<i32>} : memref<32x512xf32, #tpu.memory_space<vmem>>, vector<16xf32>,
      %get3A_249 = arith.constant 13 : i32
      %get3A_250 = arith.index_cast %get3A_249 : i32 to index
      %get3A_251 = arith.index_cast %multiple_of3A_87 : i32 to index
      %get3A_252 = tpu.vector_load %arg12[%get3A_250, %get3A_251] {strides = array<i32>} : memref<32x512xf32, #tpu.memory_space<vmem>>, vector<16xf32>,
      %mul3A_253 = arith.mulf %get3A_248, %get3A_252 : vector<16xf32>
      %mul3A_254 = vector.broadcast %squeeze3A_39 : f32 to vector<16xf32>
      %mul3A_255 = arith.mulf %mul3A_253, %mul3A_254 : vector<16xf32>
      %add3A_256 = arith.addf %add3A_244, %mul3A_255 : vector<16xf32>
      %get3A_257 = arith.constant 14 : i32
      %get3A_258 = arith.index_cast %get3A_257 : i32 to index
      %get3A_259 = arith.index_cast %multiple_of3A_87 : i32 to index
      %get3A_260 = tpu.vector_load %arg11[%get3A_258, %get3A_259] {strides = array<i32>} : memref<32x512xf32, #tpu.memory_space<vmem>>, vector<16xf32>,
      %get3A_261 = arith.constant 14 : i32
      %get3A_262 = arith.index_cast %get3A_261 : i32 to index
      %get3A_263 = arith.index_cast %multiple_of3A_87 : i32 to index
      %get3A_264 = tpu.vector_load %arg12[%get3A_262, %get3A_263] {strides = array<i32>} : memref<32x512xf32, #tpu.memory_space<vmem>>, vector<16xf32>,
      %mul3A_265 = arith.mulf %get3A_260, %get3A_264 : vector<16xf32>
      %mul3A_266 = vector.broadcast %squeeze3A_41 : f32 to vector<16xf32>
      %mul3A_267 = arith.mulf %mul3A_265, %mul3A_266 : vector<16xf32>
      %add3A_268 = arith.addf %add3A_256, %mul3A_267 : vector<16xf32>
      %get3A_269 = arith.constant 15 : i32
      %get3A_270 = arith.index_cast %get3A_269 : i32 to index
      %get3A_271 = arith.index_cast %multiple_of3A_87 : i32 to index
      %get3A_272 = tpu.vector_load %arg11[%get3A_270, %get3A_271] {strides = array<i32>} : memref<32x512xf32, #tpu.memory_space<vmem>>, vector<16xf32>,
      %get3A_273 = arith.constant 15 : i32
      %get3A_274 = arith.index_cast %get3A_273 : i32 to index
      %get3A_275 = arith.index_cast %multiple_of3A_87 : i32 to index
      %get3A_276 = tpu.vector_load %arg12[%get3A_274, %get3A_275] {strides = array<i32>} : memref<32x512xf32, #tpu.memory_space<vmem>>, vector<16xf32>,
      %mul3A_277 = arith.mulf %get3A_272, %get3A_276 : vector<16xf32>
      %mul3A_278 = vector.broadcast %squeeze3A_43 : f32 to vector<16xf32>
      %mul3A_279 = arith.mulf %mul3A_277, %mul3A_278 : vector<16xf32>
      %add3A_280 = arith.addf %add3A_268, %mul3A_279 : vector<16xf32>
      %get3A_281 = arith.constant 16 : i32
      %get3A_282 = arith.index_cast %get3A_281 : i32 to index
      %get3A_283 = arith.index_cast %multiple_of3A_87 : i32 to index
      %get3A_284 = tpu.vector_load %arg11[%get3A_282, %get3A_283] {strides = array<i32>} : memref<32x512xf32, #tpu.memory_space<vmem>>, vector<16xf32>,
      %get3A_285 = arith.constant 16 : i32
      %get3A_286 = arith.index_cast %get3A_285 : i32 to index
      %get3A_287 = arith.index_cast %multiple_of3A_87 : i32 to index
      %get3A_288 = tpu.vector_load %arg12[%get3A_286, %get3A_287] {strides = array<i32>} : memref<32x512xf32, #tpu.memory_space<vmem>>, vector<16xf32>,
      %mul3A_289 = arith.mulf %get3A_284, %get3A_288 : vector<16xf32>
      %mul3A_290 = vector.broadcast %squeeze3A_45 : f32 to vector<16xf32>
      %mul3A_291 = arith.mulf %mul3A_289, %mul3A_290 : vector<16xf32>
      %add3A_292 = arith.addf %add3A_280, %mul3A_291 : vector<16xf32>
      %get3A_293 = arith.constant 17 : i32
      %get3A_294 = arith.index_cast %get3A_293 : i32 to index
      %get3A_295 = arith.index_cast %multiple_of3A_87 : i32 to index
      %get3A_296 = tpu.vector_load %arg11[%get3A_294, %get3A_295] {strides = array<i32>} : memref<32x512xf32, #tpu.memory_space<vmem>>, vector<16xf32>,
      %get3A_297 = arith.constant 17 : i32
      %get3A_298 = arith.index_cast %get3A_297 : i32 to index
      %get3A_299 = arith.index_cast %multiple_of3A_87 : i32 to index
      %get3A_300 = tpu.vector_load %arg12[%get3A_298, %get3A_299] {strides = array<i32>} : memref<32x512xf32, #tpu.memory_space<vmem>>, vector<16xf32>,
      %mul3A_301 = arith.mulf %get3A_296, %get3A_300 : vector<16xf32>
      %mul3A_302 = vector.broadcast %squeeze3A_47 : f32 to vector<16xf32>
      %mul3A_303 = arith.mulf %mul3A_301, %mul3A_302 : vector<16xf32>
      %add3A_304 = arith.addf %add3A_292, %mul3A_303 : vector<16xf32>
      %get3A_305 = arith.constant 18 : i32
      %get3A_306 = arith.index_cast %get3A_305 : i32 to index
      %get3A_307 = arith.index_cast %multiple_of3A_87 : i32 to index
      %get3A_308 = tpu.vector_load %arg11[%get3A_306, %get3A_307] {strides = array<i32>} : memref<32x512xf32, #tpu.memory_space<vmem>>, vector<16xf32>,
      %get3A_309 = arith.constant 18 : i32
      %get3A_310 = arith.index_cast %get3A_309 : i32 to index
      %get3A_311 = arith.index_cast %multiple_of3A_87 : i32 to index
      %get3A_312 = tpu.vector_load %arg12[%get3A_310, %get3A_311] {strides = array<i32>} : memref<32x512xf32, #tpu.memory_space<vmem>>, vector<16xf32>,
      %mul3A_313 = arith.mulf %get3A_308, %get3A_312 : vector<16xf32>
      %mul3A_314 = vector.broadcast %squeeze3A_49 : f32 to vector<16xf32>
      %mul3A_315 = arith.mulf %mul3A_313, %mul3A_314 : vector<16xf32>
      %add3A_316 = arith.addf %add3A_304, %mul3A_315 : vector<16xf32>
      %get3A_317 = arith.constant 19 : i32
      %get3A_318 = arith.index_cast %get3A_317 : i32 to index
      %get3A_319 = arith.index_cast %multiple_of3A_87 : i32 to index
      %get3A_320 = tpu.vector_load %arg11[%get3A_318, %get3A_319] {strides = array<i32>} : memref<32x512xf32, #tpu.memory_space<vmem>>, vector<16xf32>,
      %get3A_321 = arith.constant 19 : i32
      %get3A_322 = arith.index_cast %get3A_321 : i32 to index
      %get3A_323 = arith.index_cast %multiple_of3A_87 : i32 to index
      %get3A_324 = tpu.vector_load %arg12[%get3A_322, %get3A_323] {strides = array<i32>} : memref<32x512xf32, #tpu.memory_space<vmem>>, vector<16xf32>,
      %mul3A_325 = arith.mulf %get3A_320, %get3A_324 : vector<16xf32>
      %mul3A_326 = vector.broadcast %squeeze3A_51 : f32 to vector<16xf32>
      %mul3A_327 = arith.mulf %mul3A_325, %mul3A_326 : vector<16xf32>
      %add3A_328 = arith.addf %add3A_316, %mul3A_327 : vector<16xf32>
      %get3A_329 = arith.constant 20 : i32
      %get3A_330 = arith.index_cast %get3A_329 : i32 to index
      %get3A_331 = arith.index_cast %multiple_of3A_87 : i32 to index
      %get3A_332 = tpu.vector_load %arg11[%get3A_330, %get3A_331] {strides = array<i32>} : memref<32x512xf32, #tpu.memory_space<vmem>>, vector<16xf32>,
      %get3A_333 = arith.constant 20 : i32
      %get3A_334 = arith.index_cast %get3A_333 : i32 to index
      %get3A_335 = arith.index_cast %multiple_of3A_87 : i32 to index
      %get3A_336 = tpu.vector_load %arg12[%get3A_334, %get3A_335] {strides = array<i32>} : memref<32x512xf32, #tpu.memory_space<vmem>>, vector<16xf32>,
      %mul3A_337 = arith.mulf %get3A_332, %get3A_336 : vector<16xf32>
      %mul3A_338 = vector.broadcast %squeeze3A_53 : f32 to vector<16xf32>
      %mul3A_339 = arith.mulf %mul3A_337, %mul3A_338 : vector<16xf32>
      %add3A_340 = arith.addf %add3A_328, %mul3A_339 : vector<16xf32>
      %get3A_341 = arith.constant 21 : i32
      %get3A_342 = arith.index_cast %get3A_341 : i32 to index
      %get3A_343 = arith.index_cast %multiple_of3A_87 : i32 to index
      %get3A_344 = tpu.vector_load %arg11[%get3A_342, %get3A_343] {strides = array<i32>} : memref<32x512xf32, #tpu.memory_space<vmem>>, vector<16xf32>,
      %get3A_345 = arith.constant 21 : i32
      %get3A_346 = arith.index_cast %get3A_345 : i32 to index
      %get3A_347 = arith.index_cast %multiple_of3A_87 : i32 to index
      %get3A_348 = tpu.vector_load %arg12[%get3A_346, %get3A_347] {strides = array<i32>} : memref<32x512xf32, #tpu.memory_space<vmem>>, vector<16xf32>,
      %mul3A_349 = arith.mulf %get3A_344, %get3A_348 : vector<16xf32>
      %mul3A_350 = vector.broadcast %squeeze3A_55 : f32 to vector<16xf32>
      %mul3A_351 = arith.mulf %mul3A_349, %mul3A_350 : vector<16xf32>
      %add3A_352 = arith.addf %add3A_340, %mul3A_351 : vector<16xf32>
      %get3A_353 = arith.constant 22 : i32
      %get3A_354 = arith.index_cast %get3A_353 : i32 to index
      %get3A_355 = arith.index_cast %multiple_of3A_87 : i32 to index
      %get3A_356 = tpu.vector_load %arg11[%get3A_354, %get3A_355] {strides = array<i32>} : memref<32x512xf32, #tpu.memory_space<vmem>>, vector<16xf32>,
      %get3A_357 = arith.constant 22 : i32
      %get3A_358 = arith.index_cast %get3A_357 : i32 to index
      %get3A_359 = arith.index_cast %multiple_of3A_87 : i32 to index
      %get3A_360 = tpu.vector_load %arg12[%get3A_358, %get3A_359] {strides = array<i32>} : memref<32x512xf32, #tpu.memory_space<vmem>>, vector<16xf32>,
      %mul3A_361 = arith.mulf %get3A_356, %get3A_360 : vector<16xf32>
      %mul3A_362 = vector.broadcast %squeeze3A_57 : f32 to vector<16xf32>
      %mul3A_363 = arith.mulf %mul3A_361, %mul3A_362 : vector<16xf32>
      %add3A_364 = arith.addf %add3A_352, %mul3A_363 : vector<16xf32>
      %get3A_365 = arith.constant 23 : i32
      %get3A_366 = arith.index_cast %get3A_365 : i32 to index
      %get3A_367 = arith.index_cast %multiple_of3A_87 : i32 to index
      %get3A_368 = tpu.vector_load %arg11[%get3A_366, %get3A_367] {strides = array<i32>} : memref<32x512xf32, #tpu.memory_space<vmem>>, vector<16xf32>,
      %get3A_369 = arith.constant 23 : i32
      %get3A_370 = arith.index_cast %get3A_369 : i32 to index
      %get3A_371 = arith.index_cast %multiple_of3A_87 : i32 to index
      %get3A_372 = tpu.vector_load %arg12[%get3A_370, %get3A_371] {strides = array<i32>} : memref<32x512xf32, #tpu.memory_space<vmem>>, vector<16xf32>,
      %mul3A_373 = arith.mulf %get3A_368, %get3A_372 : vector<16xf32>
      %mul3A_374 = vector.broadcast %squeeze3A_59 : f32 to vector<16xf32>
      %mul3A_375 = arith.mulf %mul3A_373, %mul3A_374 : vector<16xf32>
      %add3A_376 = arith.addf %add3A_364, %mul3A_375 : vector<16xf32>
      %get3A_377 = arith.constant 24 : i32
      %get3A_378 = arith.index_cast %get3A_377 : i32 to index
      %get3A_379 = arith.index_cast %multiple_of3A_87 : i32 to index
      %get3A_380 = tpu.vector_load %arg11[%get3A_378, %get3A_379] {strides = array<i32>} : memref<32x512xf32, #tpu.memory_space<vmem>>, vector<16xf32>,
      %get3A_381 = arith.constant 24 : i32
      %get3A_382 = arith.index_cast %get3A_381 : i32 to index
      %get3A_383 = arith.index_cast %multiple_of3A_87 : i32 to index
      %get3A_384 = tpu.vector_load %arg12[%get3A_382, %get3A_383] {strides = array<i32>} : memref<32x512xf32, #tpu.memory_space<vmem>>, vector<16xf32>,
      %mul3A_385 = arith.mulf %get3A_380, %get3A_384 : vector<16xf32>
      %mul3A_386 = vector.broadcast %squeeze3A_61 : f32 to vector<16xf32>
      %mul3A_387 = arith.mulf %mul3A_385, %mul3A_386 : vector<16xf32>
      %add3A_388 = arith.addf %add3A_376, %mul3A_387 : vector<16xf32>
      %get3A_389 = arith.constant 25 : i32
      %get3A_390 = arith.index_cast %get3A_389 : i32 to index
      %get3A_391 = arith.index_cast %multiple_of3A_87 : i32 to index
      %get3A_392 = tpu.vector_load %arg11[%get3A_390, %get3A_391] {strides = array<i32>} : memref<32x512xf32, #tpu.memory_space<vmem>>, vector<16xf32>,
      %get3A_393 = arith.constant 25 : i32
      %get3A_394 = arith.index_cast %get3A_393 : i32 to index
      %get3A_395 = arith.index_cast %multiple_of3A_87 : i32 to index
      %get3A_396 = tpu.vector_load %arg12[%get3A_394, %get3A_395] {strides = array<i32>} : memref<32x512xf32, #tpu.memory_space<vmem>>, vector<16xf32>,
      %mul3A_397 = arith.mulf %get3A_392, %get3A_396 : vector<16xf32>
      %mul3A_398 = vector.broadcast %squeeze3A_63 : f32 to vector<16xf32>
      %mul3A_399 = arith.mulf %mul3A_397, %mul3A_398 : vector<16xf32>
      %add3A_400 = arith.addf %add3A_388, %mul3A_399 : vector<16xf32>
      %get3A_401 = arith.constant 26 : i32
      %get3A_402 = arith.index_cast %get3A_401 : i32 to index
      %get3A_403 = arith.index_cast %multiple_of3A_87 : i32 to index
      %get3A_404 = tpu.vector_load %arg11[%get3A_402, %get3A_403] {strides = array<i32>} : memref<32x512xf32, #tpu.memory_space<vmem>>, vector<16xf32>,
      %get3A_405 = arith.constant 26 : i32
      %get3A_406 = arith.index_cast %get3A_405 : i32 to index
      %get3A_407 = arith.index_cast %multiple_of3A_87 : i32 to index
      %get3A_408 = tpu.vector_load %arg12[%get3A_406, %get3A_407] {strides = array<i32>} : memref<32x512xf32, #tpu.memory_space<vmem>>, vector<16xf32>,
      %mul3A_409 = arith.mulf %get3A_404, %get3A_408 : vector<16xf32>
      %mul3A_410 = vector.broadcast %squeeze3A_65 : f32 to vector<16xf32>
      %mul3A_411 = arith.mulf %mul3A_409, %mul3A_410 : vector<16xf32>
      %add3A_412 = arith.addf %add3A_400, %mul3A_411 : vector<16xf32>
      %get3A_413 = arith.constant 27 : i32
      %get3A_414 = arith.index_cast %get3A_413 : i32 to index
      %get3A_415 = arith.index_cast %multiple_of3A_87 : i32 to index
      %get3A_416 = tpu.vector_load %arg11[%get3A_414, %get3A_415] {strides = array<i32>} : memref<32x512xf32, #tpu.memory_space<vmem>>, vector<16xf32>,
      %get3A_417 = arith.constant 27 : i32
      %get3A_418 = arith.index_cast %get3A_417 : i32 to index
      %get3A_419 = arith.index_cast %multiple_of3A_87 : i32 to index
      %get3A_420 = tpu.vector_load %arg12[%get3A_418, %get3A_419] {strides = array<i32>} : memref<32x512xf32, #tpu.memory_space<vmem>>, vector<16xf32>,
      %mul3A_421 = arith.mulf %get3A_416, %get3A_420 : vector<16xf32>
      %mul3A_422 = vector.broadcast %squeeze3A_67 : f32 to vector<16xf32>
      %mul3A_423 = arith.mulf %mul3A_421, %mul3A_422 : vector<16xf32>
      %add3A_424 = arith.addf %add3A_412, %mul3A_423 : vector<16xf32>
      %get3A_425 = arith.constant 28 : i32
      %get3A_426 = arith.index_cast %get3A_425 : i32 to index
      %get3A_427 = arith.index_cast %multiple_of3A_87 : i32 to index
      %get3A_428 = tpu.vector_load %arg11[%get3A_426, %get3A_427] {strides = array<i32>} : memref<32x512xf32, #tpu.memory_space<vmem>>, vector<16xf32>,
      %get3A_429 = arith.constant 28 : i32
      %get3A_430 = arith.index_cast %get3A_429 : i32 to index
      %get3A_431 = arith.index_cast %multiple_of3A_87 : i32 to index
      %get3A_432 = tpu.vector_load %arg12[%get3A_430, %get3A_431] {strides = array<i32>} : memref<32x512xf32, #tpu.memory_space<vmem>>, vector<16xf32>,
      %mul3A_433 = arith.mulf %get3A_428, %get3A_432 : vector<16xf32>
      %mul3A_434 = vector.broadcast %squeeze3A_69 : f32 to vector<16xf32>
      %mul3A_435 = arith.mulf %mul3A_433, %mul3A_434 : vector<16xf32>
      %add3A_436 = arith.addf %add3A_424, %mul3A_435 : vector<16xf32>
      %get3A_437 = arith.constant 29 : i32
      %get3A_438 = arith.index_cast %get3A_437 : i32 to index
      %get3A_439 = arith.index_cast %multiple_of3A_87 : i32 to index
      %get3A_440 = tpu.vector_load %arg11[%get3A_438, %get3A_439] {strides = array<i32>} : memref<32x512xf32, #tpu.memory_space<vmem>>, vector<16xf32>,
      %get3A_441 = arith.constant 29 : i32
      %get3A_442 = arith.index_cast %get3A_441 : i32 to index
      %get3A_443 = arith.index_cast %multiple_of3A_87 : i32 to index
      %get3A_444 = tpu.vector_load %arg12[%get3A_442, %get3A_443] {strides = array<i32>} : memref<32x512xf32, #tpu.memory_space<vmem>>, vector<16xf32>,
      %mul3A_445 = arith.mulf %get3A_440, %get3A_444 : vector<16xf32>
      %mul3A_446 = vector.broadcast %squeeze3A_71 : f32 to vector<16xf32>
      %mul3A_447 = arith.mulf %mul3A_445, %mul3A_446 : vector<16xf32>
      %add3A_448 = arith.addf %add3A_436, %mul3A_447 : vector<16xf32>
      %get3A_449 = arith.constant 30 : i32
      %get3A_450 = arith.index_cast %get3A_449 : i32 to index
      %get3A_451 = arith.index_cast %multiple_of3A_87 : i32 to index
      %get3A_452 = tpu.vector_load %arg11[%get3A_450, %get3A_451] {strides = array<i32>} : memref<32x512xf32, #tpu.memory_space<vmem>>, vector<16xf32>,
      %get3A_453 = arith.constant 30 : i32
      %get3A_454 = arith.index_cast %get3A_453 : i32 to index
      %get3A_455 = arith.index_cast %multiple_of3A_87 : i32 to index
      %get3A_456 = tpu.vector_load %arg12[%get3A_454, %get3A_455] {strides = array<i32>} : memref<32x512xf32, #tpu.memory_space<vmem>>, vector<16xf32>,
      %mul3A_457 = arith.mulf %get3A_452, %get3A_456 : vector<16xf32>
      %mul3A_458 = vector.broadcast %squeeze3A_73 : f32 to vector<16xf32>
      %mul3A_459 = arith.mulf %mul3A_457, %mul3A_458 : vector<16xf32>
      %add3A_460 = arith.addf %add3A_448, %mul3A_459 : vector<16xf32>
      %get3A_461 = arith.constant 31 : i32
      %get3A_462 = arith.index_cast %get3A_461 : i32 to index
      %get3A_463 = arith.index_cast %multiple_of3A_87 : i32 to index
      %get3A_464 = tpu.vector_load %arg11[%get3A_462, %get3A_463] {strides = array<i32>} : memref<32x512xf32, #tpu.memory_space<vmem>>, vector<16xf32>,
      %get3A_465 = arith.constant 31 : i32
      %get3A_466 = arith.index_cast %get3A_465 : i32 to index
      %get3A_467 = arith.index_cast %multiple_of3A_87 : i32 to index
      %get3A_468 = tpu.vector_load %arg12[%get3A_466, %get3A_467] {strides = array<i32>} : memref<32x512xf32, #tpu.memory_space<vmem>>, vector<16xf32>,
      %mul3A_469 = arith.mulf %get3A_464, %get3A_468 : vector<16xf32>
      %mul3A_470 = vector.broadcast %squeeze3A_75 : f32 to vector<16xf32>
      %mul3A_471 = arith.mulf %mul3A_469, %mul3A_470 : vector<16xf32>
      %add3A_472 = arith.addf %add3A_460, %mul3A_471 : vector<16xf32>
      %add3A_473 = arith.addf %add3A_472, %get3A_9 : vector<16xf32>
      %neg3A = arith.constant 0.000000e+00 : f32
      %neg3A_474 = vector.broadcast %neg3A : f32 to vector<16xf32>
      %neg3A_475 = arith.subf %neg3A_474, %add3A_473 : vector<16xf32>
      %exp3A = math.exp %neg3A_475 : vector<16xf32>
      %add3A_476 = arith.constant 1.000000e+00 : f32
      %add3A_477 = vector.broadcast %add3A_476 : f32 to vector<16xf32>
      %add3A_478 = arith.addf %add3A_477, %exp3A : vector<16xf32>
      %div3A = arith.constant 5.000000e+00 : f32
      %div3A_479 = vector.broadcast %div3A : f32 to vector<16xf32>
      %div3A_480 = arith.divf %div3A_479, %add3A_478 : vector<16xf32>
      %swap3A = arith.index_cast %multiple_of3A_87 : i32 to index
      %swap3A_481 = tpu.vector_load %arg13[%swap3A] {strides = array<i32>} : memref<512xf32, #tpu.memory_space<vmem>>, vector<16xf32>,
      tpu.vector_store %arg13[%swap3A], %div3A_480 {strides = array<i32>} : memref<512xf32, #tpu.memory_space<vmem>>, vector<16xf32>,
      %scan3A_482 = arith.constant 0 : i32
      scf.yield %scan3A_482 : i32
    }
    %scan3A_82 = arith.constant 32 : i32
    "tpu.region"() ({
      %run_scoped3A = tpu.sem_alloc : memref<!tpu.dma_semaphore, #tpu.memory_space<semaphore_mem>>
      %dma_start3A = tpu.memref_slice %arg7[%multiple_of3A] : memref<16384xf32, #tpu.memory_space<hbm>> -> memref<512xf32, #tpu.memory_space<hbm>>
      %dma_start3A_83 = tpu.memref_slice %arg7[%multiple_of3A] : memref<16384xf32, #tpu.memory_space<hbm>> -> memref<512xf32, #tpu.memory_space<hbm>>
      tpu.enqueue_dma source(%arg13 : memref<512xf32, #tpu.memory_space<vmem>>) target(%dma_start3A_83 : memref<512xf32, #tpu.memory_space<hbm>>) target_semaphore(%run_scoped3A : memref<!tpu.dma_semaphore, #tpu.memory_space<semaphore_mem>>)
      %dma_wait3A = tpu.memref_slice %arg7[%multiple_of3A] : memref<16384xf32, #tpu.memory_space<hbm>> -> memref<512xf32, #tpu.memory_space<hbm>>
      %dma_wait3A_84 = tpu.memref_slice %arg7[%multiple_of3A] : memref<16384xf32, #tpu.memory_space<hbm>> -> memref<512xf32, #tpu.memory_space<hbm>>
      tpu.wait_dma2 semaphore(%run_scoped3A : memref<!tpu.dma_semaphore, #tpu.memory_space<semaphore_mem>>) src(%arg13 : memref<512xf32, #tpu.memory_space<vmem>>) dst(%dma_wait3A_84 : memref<512xf32, #tpu.memory_space<hbm>>)
      tpu.yield
    }) : () -> ()
    return
  }
}

</mosaic_0001>

<sc_bundles>
// kernel: _gmf.3.cloned.1.call-start
scs
__scs_entry_jumppad:
0x0: {  	(pc) =	sbr.rel $0x88, $3  }
0x1: {  	(tag) =	ssettag $0x0;
	lr =	simm.s32 $0x1  }
0x2: {  	[smem:$0x3F9C] =	sst lr;
	_ =	strace $0xD0000000  }
0x3: {  	_ = 	snop  }
0x4: {  	_ = 	snop  }
0x5: {  	_ = 	snop  }
0x6: {  	_ = 	snop  }
0x7: {  	_ = 	snop  }
__scs_overlays_trampoline_lowered:
0x8: {  	[smem:$0x3FAB] =	sst s0  }
0x9: {  	[smem:$0x3FAC] =	sst s1  }
0xa: {  	[smem:$0x3FAD] =	sst s2  }
0xb: {  	[smem:$0x3FAE] =	sst s3  }
0xc: {  	[smem:$0x3FAF] =	sst s4  }
0xd: {  	[smem:$0x3FB0] =	sst s5  }
0xe: {  	[smem:$0x3FB1] =	sst s6  }
0xf: {  	[smem:$0x3FB2] =	sst s7  }
0x10: {  	[smem:$0x3FB3] =	sst s8  }
0x11: {  	[smem:$0x3FB4] =	sst s9;
	s0 =	simm.s32 @!p0 $0x0  }
0x12: {  	s1 =	sld [smem:$0x3F9A];
	s0 =	simm.s32 @p0 $0x1  }
0x13: {  	[smem:$0x3FB5] =	sst s0;
	s0 =	simm.s32 @!p1 $0x0  }
0x14: {  	s2 =	sld [smem:$0x3F99];
	s0 =	simm.s32 @p1 $0x1  }
0x15: {  	[smem:$0x3FB6] =	sst s0;
	s0 =	simm.s32 @!p2 $0x0  }
0x16: {  	s3 =	sld [smem:$0x3FDB];
	s0 =	simm.s32 @p2 $0x1  }
0x17: {  	s4 =	simm.s32 $0x1BF5;
	[smem:$0x3FB8] =	sst s0  }
0x18: {  	s0 =	sld [smem:$0x3F9B];
	_ =	swait.ge [sflag:s4], $0x0  }
0x19: {  	s7 =	sld [smem:$0x3F9C]  }
0x1a: {  	s8 =	sadd.s32 $0xFFFFE003, lr  }
0x1b: {  	s9 =	sadd.s32 $0xFFFFFEF7, lr;
	s5 =	simm.s32 $0xFFFFFFFF;
	p2 =	slt.u32 s8, $0xFFFFF086  }
0x1c: {  	p1 =	slt.u32 s9, $0xF7A;
	s5 =	simm.s32 @!p2 $0x0  }
0x1d: {  	s5 =	simm.s32 @p1 $0x1;
	p0 =	seq.s32 s7, s2  }
0x1e: {  	s7 =	smul.u32 @!p0 $0xF7A, s2;
	p2 =	seq.s32 @!p0 s5, $0x0  }
0x1f: {  	s9 =	smul.u32 $0xF7A, s1;
	s8 =	simm.s32 @!p0 $0x1BF5;
	p2 =	por !p2, p0  }
0x20: {  	[sflag:s8] =	ssyncset.s32 @!p0 $0xFFFFF086;
	s6 =	sadd.s32 @!p0 s3, s7;
	s7 =	simm.s32 @!p0 $0x108  }
0x21: {  	s3 =	sadd.s32 s3, s9;
	s6 =	sadd.s32 @!p0 $0x88, s6;
	s7 =	simm.s32 @p2 $0x1082  }
0x22: {  	[simem:s7], [sflag:s8] =	dma.local @!p0 [hbm:s6], $0xF7A  }
0x23: {  	s9 =	sor.u32 $0xD0000000, s2;
	s6 =	simm.s32 $0x108;
	_ =	swait.ge @!p0 [sflag:s8], $0x0  }
0x24: {  	s3 =	sadd.s32 $0x88, s3;
	s6 =	simm.s32 @!p1 $0x1082;
	[sflag:s4] =	ssyncset.s32 $0xFFFFF086  }
0x25: {  	[simem:s6], [sflag:s4] =	dma.local [hbm:s3], $0xF7A  }
0x26: {  	[smem:$0x3F9C] =	sst s1;
	(tag) =	ssettag s2;
	_ =	strace s9  }
0x27: {  	s1 =	sld [smem:$0x3FAC]  }
0x28: {  	s2 =	sld [smem:$0x3FAD]  }
0x29: {  	s4 =	sld [smem:$0x3FAF]  }
0x2a: {  	p0 =	seq.s32 s5, $0x0;
	s5 =	sld [smem:$0x3FB0]  }
0x2b: {  	s6 =	sld [smem:$0x3FB1]  }
0x2c: {  	s7 =	sld [smem:$0x3FB2]  }
0x2d: {  	s3 =	simm.s32 $0x108;
	s8 =	sld [smem:$0x3FB3]  }
0x2e: {  	s3 =	simm.s32 @!p0 $0x1082;
	s9 =	sld [smem:$0x3FB4]  }
0x2f: {  	lr =	sadd.s32 s0, s3;
	s0 =	sld [smem:$0x3FAB]  }
0x30: {  	s3 =	sld [smem:$0x3FAE]  }
0x31: {  	[smem:$0x3FB7] =	sst s10  }
0x32: {  	s10 =	sld [smem:$0x3FB5];
	_ =	sdelay $0x3  }
0x33: {  	p0 =	seq.s32 s10, $0x1;
	s10 =	sld [smem:$0x3FB7];
	_ =	sdelay $0x3  }
0x34: {  	[smem:$0x3FB7] =	sst s10  }
0x35: {  	s10 =	sld [smem:$0x3FB6];
	_ =	sdelay $0x3  }
0x36: {  	p1 =	seq.s32 s10, $0x1;
	s10 =	sld [smem:$0x3FB7];
	_ =	sdelay $0x3  }
0x37: {  	[smem:$0x3FB7] =	sst s10  }
0x38: {  	s10 =	sld [smem:$0x3FB8]  }
0x39: {  	_ = 	snop;
	(pc) =	sbr.ind lr, $3  }
0x3a: {  	_ = 	snop  }
0x3b: {  	_ = 	snop  }
0x3c: {  	p2 =	seq.s32 s10, $0x1;
	s10 =	sld [smem:$0x3FB7]  }
0x3d: {  	_ =	shalt  }
0x3e: {  	_ =	shalt  }
0x3f: {  	_ =	shalt  }
0x40: {  	_ =	shalt  }
0x41: {  	_ =	shalt  }
0x42: {  	_ =	shalt  }
0x43: {  	_ =	shalt  }
0x44: {  	_ =	shalt  }
0x45: {  	_ =	shalt  }
0x46: {  	_ =	shalt  }
0x47: {  	_ =	shalt  }
0x48: {  	_ =	shalt  }
0x49: {  	_ =	shalt  }
0x4a: {  	_ =	shalt  }
0x4b: {  	_ =	shalt  }
0x4c: {  	_ =	shalt  }
0x4d: {  	_ =	shalt  }
0x4e: {  	_ =	shalt  }
0x4f: {  	_ =	shalt  }
0x50: {  	_ =	shalt  }
0x51: {  	_ =	shalt  }
0x52: {  	_ =	shalt  }
0x53: {  	_ =	shalt  }
0x54: {  	_ =	shalt  }
0x55: {  	_ =	shalt  }
0x56: {  	_ =	shalt  }
0x57: {  	_ =	shalt  }
0x58: {  	_ =	shalt  }
0x59: {  	_ =	shalt  }
0x5a: {  	_ =	shalt  }
0x5b: {  	_ =	shalt  }
0x5c: {  	_ =	shalt  }
0x5d: {  	_ =	shalt  }
0x5e: {  	_ =	shalt  }
0x5f: {  	_ =	shalt  }
0x60: {  	_ =	shalt  }
0x61: {  	_ =	shalt  }
0x62: {  	_ =	shalt  }
0x63: {  	_ =	shalt  }
0x64: {  	_ =	shalt  }
0x65: {  	_ =	shalt  }
0x66: {  	_ =	shalt  }
0x67: {  	_ =	shalt  }
0x68: {  	_ =	shalt  }
0x69: {  	_ =	shalt  }
0x6a: {  	_ =	shalt  }
0x6b: {  	_ =	shalt  }
0x6c: {  	_ =	shalt  }
0x6d: {  	_ =	shalt  }
0x6e: {  	_ =	shalt  }
0x6f: {  	_ =	shalt  }
0x70: {  	_ =	shalt  }
0x71: {  	_ =	shalt  }
0x72: {  	_ =	shalt  }
0x73: {  	_ =	shalt  }
0x74: {  	_ =	shalt  }
0x75: {  	_ =	shalt  }
0x76: {  	_ =	shalt  }
0x77: {  	_ =	shalt  }
0x78: {  	_ =	shalt  }
0x79: {  	_ =	shalt  }
0x7a: {  	_ =	shalt  }
0x7b: {  	_ =	shalt  }
0x7c: {  	_ =	shalt  }
0x7d: {  	_ =	shalt  }
0x7e: {  	_ =	shalt  }
0x7f: {  	_ =	shalt  }
0x80: {  	_ =	shalt  }
0x81: {  	_ =	shalt  }
0x82: {  	_ =	shalt  }
0x83: {  	_ =	shalt  }
0x84: {  	_ =	shalt  }
0x85: {  	_ =	shalt  }
0x86: {  	_ =	shalt  }
0x87: {  	_ =	shalt  }
.Lfunc_end0:
.L_simem_size_0:
called_computation_lowered:
.L_overlay_start_0:
0x88: {  	s2 =	sld [smem:$0x3FD9]  }
0x89: {  	s3 =	sld [smem:$0x3FFE];
	_ =	sdelay $0x1  }
0x8a: {  	s1 =	srdreg.scid  }
0x8b: {  	s0 =	sand.u32 $0x1, s1  }
0x8c: {  	s18 =	sshll.u32 s0, $0xA;
	s2 =	sadd.s32 s3, s2  }
0x8d: {  	s2 =	sadd.s32 s2, s18  }
0x8e: {  	[smem:$0x3FC3] =	sst s2  }
0x8f: {  	_ = 	snop  }
0x90: {  	s2 =	sld [smem:$0x3FC9]  }
0x91: {  	s19 =	sld [smem:$0x3FC8]  }
0x92: {  	s4 =	sld [smem:$0x3FC7]  }
0x93: {  	s5 =	sld [smem:$0x3FC6]  }
0x94: {  	s6 =	sld [smem:$0x3FC5]  }
0x95: {  	s7 =	sld [smem:$0x3FD0];
	(tm) =	ssettm $0x1  }
0x96: {  	s8 =	sld [smem:$0x3FFB];
	_ =	sdelay $0x3  }
0x97: {  	_ =	strace s8  }
0x98: {  	s8 =	sld [smem:$0x3FFC];
	_ =	sdelay $0x3  }
0x99: {  	_ =	strace s8  }
0x9a: {  	s8 =	sld [smem:$0x3FFD];
	_ =	sdelay $0x3  }
0x9b: {  	_ =	strace s8  }
0x9c: {  	_ =	strace $0x8FFFFFFF  }
0x9d: {  	s20 =	sld [smem:$0x3FDB];
	_ =	sdelay $0x1  }
0x9e: {  	s9 =	simm.s32 $_scs_section_size  }
0x9f: {  	s10 =	simm.s32 $_size__tile_overlayer_lowered;
	s11 =	simm.s32 $_tile_overlayer_lowered  }
0xa0: {  	s23 =	simm.s32 $0x1BFF;
	s22 =	sshll.u32 s11, $0x1;
	s8 =	sadd.s32 s9, s20  }
0xa1: {  	s12 =	simm.s32 $0x0;
	s21 =	sshll.u32 s10, $0x1;
	s10 =	sadd.s32 s22, s8  }
0xa2: {  	[timem:s12], [sflag:s23] =	dma.local [hbm:s10], s21  }
0xa3: {  	_ =	swait.ge [sflag:s23], s21  }
0xa4: {  	s9 =	ssub.s32 $0x0, s21;
	[sflag:s23] =	ssyncset.done $0x0  }
0xa5: {  	[sflag:s23] =	ssyncadd.s32 s9;
	_ =	sdelay $0x1  }
0xa6: {  	s24 =	simm.s32 $0x1B8B  }
0xa7: {  	_ =	swait.ge [sflag:s24], $0x1  }
0xa8: {  	[sflag:s24] =	ssyncset.done $0x0  }
0xa9: {  	s25 =	simm.s32 $0x1B8E;
	[sflag:s24] =	ssyncadd.s32 $0xFFFFFFFF  }
0xaa: {  	s26 =	simm.s32 $execute0_lowered;
	[smem:$0x3FD2] =	sst s25  }
0xab: {  	s9 =	sshll.u32 s26, $0x1;
	_ =	strace $0x80000046;
	[dreg:$0x1] =	wrdreg $0xFFFFFFFF  }
0xac: {  	s28 =	simm.s32 $_size_execute0_lowered;
	s8 =	sadd.s32 s8, s9;
	[dreg:$0x0] =	wrdreg $0x0  }
0xad: {  	s9 =	sshll.u32 s28, $0x1;
	[dreg:$0x2] =	wrdreg s8  }
0xae: {  	[dreg:$0x3] =	wrdreg s9  }
0xaf: {  	[dreg:$0x4] =	wrdreg $0xC0  }
0xb0: {  	_ =	task [dreg:s12], $0x5FFFF  }
0xb1: {  	[dreg:$0x1] =	wrdreg $0xFFFFFFFF  }
0xb2: {  	[dreg:$0x0] =	wrdreg $0x60  }
0xb3: {  	[dreg:$0x2] =	wrdreg s2  }
0xb4: {  	[dreg:$0x3] =	wrdreg s19  }
0xb5: {  	[dreg:$0x4] =	wrdreg s4  }
0xb6: {  	[dreg:$0x5] =	wrdreg s5  }
0xb7: {  	[dreg:$0x6] =	wrdreg s6  }
0xb8: {  	[dreg:$0x7] =	wrdreg s7  }
0xb9: {  	[dreg:$0x8] =	wrdreg $0x9  }
0xba: {  	_ =	task.clear_ibuf [dreg:s12], $0x9FFFF;
	_ =	strace $0x90000046  }
0xbb: {  	s29 =	simm.s32 $0x9;
	_ =	strace $0x80000048  }
0xbc: {  	_ =	swait.ge [sflag:s29], $0x1  }
0xbd: {  	[sflag:s29] =	ssyncadd.s32 $0xFFFFFFFF  }
0xbe: {  	_ =	strace $0x90000048  }
0xbf: {  	_ =	sfence  }
0xc0: {  	s30 =	sld [smem:$0x0];
	_ =	sdelay $0x2  }
0xc1: {  	s31 =	sshll.u32 s1, $0xD;
	s1 =	sshrl.u32 s1, $0x2  }
0xc2: {  	s3 =	sand.u32 $0x4000, s31;
	s1 =	sadd.s32 s1, s30  }
0xc3: {  	s0 =	sor.u32 s3, s0;
	s1 =	sshll.u32 s1, $0x11  }
0xc4: {  	s0 =	sor.u32 s1, s0  }
0xc5: {  	s0 =	sadd.s32 $0x8F2B, s0  }
0xc6: {  	[sflag:s0] =	ssyncadd.remote.s32 $0x1  }
0xc7: {  	_ =	sfence.sel $0xFFFF  }
0xc8: {  	[dreg:$0x0] =	wrdreg $0xFFFFFFFF;
	(pc) =	sbr.abs _section_cstart, $3  }
0xc9: {  	[dreg:$0x1] =	wrdreg $0xFFFFFFFF  }
0xca: {  	_ =	task.clear_ibuf [dreg:s12], $0x2FFFF;
	_ =	strace $0x9FFFFFFF  }
0xcb: {  	(tm) =	ssettm $0x7FFFFFFF  }
tec
execute0_lowered:
.L_overlay_start_1:
0x0: {  	(tag) =	ssettag $0x1  }
0x1: {  	s0 =	rddreg [dreg:$0x0]  }
0x2: {  	s3 =	rddreg [dreg:$0x1]  }
0x3: {  	s1 =	rddreg [dreg:$0x2]  }
0x4: {  	s2 =	rddreg [dreg:$0x3];
	s4 =	srdreg.scid  }
0x5: {  	s9 =	simm.s32 $0x0;
	s11 =	simm.s32 $0x400;
	s14 =	simm.s32 $0x7A1400  }
0x6: {  	v0 =	vlaneseq.u32;
	s13 =	simm.s32 $0x1400;
	s19 =	simm.s32 $0x2400;
	s15 =	simm.s32 $0x3400  }
0x7: {  	s20 =	simm.s32 $0x4400;
	s16 =	simm.s32 $0x5400;
	s21 =	simm.s32 $0x6400;
	v0 =	vmul.u32 $0x1000, v0  }
0x8: {  	s17 =	simm.s32 $0x7400;
	s22 =	simm.s32 $0x8400;
	s23 =	simm.s32 $0x9400  }
0x9: {  	s28 =	simm.s32 $0xD400;
	s29 =	simm.s32 $0xE400;
	[smem:$0x7FF] =	sst s9;
	v2 =	vor.u32 $0x80, v0  }
0xa: {  	s7 =	stileid.u32;
	s5 =	rddreg [dreg:$0x5];
	_ =	strace $0x80000047;
	v3 =	vor.u32 $0x100, v0;
	v4 =	vor.u32 $0x180, v0;
	v5 =	vor.u32 $0x200, v0;
	[tilespmem:$0x1FF60] =	vst v0  }
0xb: {  	s30 =	simm.s32 $0xF400;
	s4 =	sand.u32 $0x1, s4;
	s6 =	sshll.u32 s7, $0x1;
	v6 =	vor.u32 $0x280, v0;
	v7 =	vor.u32 $0x300, v0;
	v8 =	vor.u32 $0x380, v0;
	[tilespmem:$0x1FF70] =	vst v2  }
0xc: {  	s31 =	simm.s32 $0x1;
	s6 =	sor.u32 s4, s6;
	s4 =	ssub.s32 $0x2, s4;
	v9 =	vor.u32 $0x400, v0;
	v34 =	vor.u32 $0x480, v0;
	v10 =	vor.u32 $0x500, v0;
	[tilespmem:$0x1FF80] =	vst v3  }
0xd: {  	s7 =	sshll.u32 s7, $0x7;
	s8 =	sshll.u32 s6, $0x4;
	s24 =	sshrl.u32 s4, $0x1;
	v11 =	vor.u32 $0x580, v0;
	v12 =	vor.u32 $0x600, v0;
	v13 =	vor.u32 $0x680, v0;
	[tilespmem:$0x1FF90] =	vst v4  }
0xe: {  	s25 =	sshll.u32 s6, $0x6;
	v14 =	vor.u32 $0x700, v0;
	v15 =	vor.u32 $0x780, v0;
	v16 =	vor.u32 $0x800, v0;
	s7 =	sor.u32 s7, s8;
	s4 =	ssub.s32 s4, s24;
	[tilespmem:$0x1FFA0] =	vst v5  }
0xf: {  	v17 =	vor.u32 $0x880, v0;
	v18 =	vor.u32 $0x900, v0;
	v19 =	vor.u32 $0x980, v0;
	s24 =	simm.s32 $0xA400;
	[tilespmem:$0x1FFB0] =	vst v6;
	s7 =	sand.u32 $0x670, s7;
	s26 =	smax.u32 s4, $0x1  }
0x10: {  	v20 =	vor.u32 $0xA00, v0;
	v21 =	vor.u32 $0xA80, v0;
	v22 =	vor.u32 $0xB00, v0;
	[tilespmem:$0x1FFC0] =	vst v7;
	s4 =	simm.s32 $0x0;
	s0 =	sadd.s32 s0, s7;
	[dreg:$0xa] =	wrdreg s26  }
0x11: {  	v23 =	vor.u32 $0xB80, v0;
	v24 =	vor.u32 $0xC00, v0;
	v25 =	vor.u32 $0xC80, v0;
	[tilespmem:$0x1FFD0] =	vst v8;
	s3 =	sadd.s32 s3, s7;
	s26 =	simm.s32 $0xC400;
	[dreg:$0x7] =	wrdreg s0  }
0x12: {  	v26 =	vor.u32 $0xD00, v0;
	v27 =	vor.u32 $0xD80, v0;
	v28 =	vor.u32 $0xE00, v0;
	[tilespmem:$0x1FFE0] =	vst v9;
	[dreg:$0x8] =	wrdreg s3;
	s0 =	sadd.s32 s5, s25;
	s5 =	simm.s32 $0x3  }
0x13: {  	v29 =	vor.u32 $0xE80, v0;
	v30 =	vor.u32 $0xF00, v0;
	v31 =	vor.u32 $0xF80, v0;
	[tilespmem:$0x1FFF0] =	vst v34;
	s25 =	simm.s32 $0xB400;
	s3 =	simm.s32 $0x2;
	[dreg:$0x9] =	wrdreg s0  }
.LBB2_1:
0x14: {  	[dreg:$0xb] =	wrdreg s4  }
0x15: {  	s0 =	rddreg [dreg:$0x7];
	s7 =	simm.s32 $0x80  }
0x16: {  	[tilespmem:s9], [sflag:$0x3] =	stream.strided.gather [hbm4b:s0+s7], $0x200, s11, s7, $0x38;
	[tilespmem:$0x18680] =	vst v63  }
0x17: {  	_ =	swait.ge [sflag:s5], $0x200  }
0x18: {  	[sflag:s5] =	ssyncset.done $0x0  }
0x19: {  	s12 =	simm.s32 $0x200;
	s8 =	rddreg [dreg:$0x8];
	[sflag:s5] =	ssyncadd.s32 $0xFFFFFE00  }
0x1a: {  	[tilespmem:s12], [sflag:$0x3] =	stream.strided.gather [hbm4b:s8+s7], $0x200, s11, s7, $0x38;
	[tilespmem:$0x18680] =	vst v63  }
0x1b: {  	_ =	swait.ge [sflag:s5], $0x200  }
0x1c: {  	[sflag:s5] =	ssyncset.done $0x0  }
0x1d: {  	[sflag:s5] =	ssyncadd.s32 $0xFFFFFE00  }
0x1e: {  	s18 =	simm.s32 $0x18600;
	s10 =	rddreg [dreg:$0x4]  }
0x1f: {  	[tilespmem:s18], [sflag:$0x3] =	stream.linear.gather [hbm4b:s10+s9], $0x80, $0x38;
	[tilespmem:$0x18680] =	vst v63  }
0x20: {  	_ =	swait.ge [sflag:s5], $0x80  }
0x21: {  	s6 =	simm.s32 $0x0;
	[sflag:s5] =	ssyncset.done $0x0  }
0x22: {  	s0 =	simm.s32 $0x0;
	s10 =	simm.s32 $0x0;
	[sflag:s5] =	ssyncadd.s32 $0xFFFFFF80  }
.LBB2_2:
0x23: {  	v1 =	vld [tilespmem:s0+$0x0];
	_ =	sdelay $0x4  }
0x24: {  	(v2sf) =	vpush v1, $0x0;
	_ =	sdelay $0x1  }
0x25: {  	(v2sf) =	vpush v1, $0x1;
	_ =	sdelay $0x2  }
0x26: {  	(v2sf) =	vpush v1, $0x2;
	_ =	sdelay $0x1  }
0x27: {  	(v2sf) =	vpush v1, $0x3;
	_ =	sdelay $0x7  }
0x28: {  	s4 =	spop (v2sf);
	(v2sf) =	vpush v1, $0x4;
	_ =	sdelay $0x1  }
0x29: {  	s7 =	spop (v2sf);
	(v2sf) =	vpush v1, $0x5;
	_ =	sdelay $0x1  }
0x2a: {  	s4 =	sand.u32 $0xFFFFF80, s4  }
0x2b: {  	s4 =	sadd.s32 s1, s4;
	s8 =	spop (v2sf);
	(v2sf) =	vpush v1, $0x6  }
0x2c: {  	[tilespmem:s11], [sflag:$0x1] =	stream.strided.gather [hbm4b:s4+s11], $0x1000, s14, s11, $0x38;
	[tilespmem:$0x18680] =	vst v63  }
0x2d: {  	s9 =	spop (v2sf);
	(v2sf) =	vpush v1, $0x7  }
0x2e: {  	s4 =	sand.u32 $0xFFFFF80, s7  }
0x2f: {  	s4 =	sadd.s32 s1, s4  }
0x30: {  	[tilespmem:s13], [sflag:$0x1] =	stream.strided.gather [hbm4b:s4+s11], $0x1000, s14, s11, $0x38;
	[tilespmem:$0x18680] =	vst v63  }
0x31: {  	s4 =	sand.u32 $0xFFFFF80, s8  }
0x32: {  	s4 =	sadd.s32 s1, s4  }
0x33: {  	[tilespmem:s19], [sflag:$0x1] =	stream.strided.gather [hbm4b:s4+s11], $0x1000, s14, s11, $0x38;
	[tilespmem:$0x18680] =	vst v63  }
0x34: {  	s4 =	sand.u32 $0xFFFFF80, s9  }
0x35: {  	s4 =	sadd.s32 s1, s4;
	s13 =	spop (v2sf);
	(v2sf) =	vpush v1, $0x8  }
0x36: {  	[tilespmem:s15], [sflag:$0x1] =	stream.strided.gather [hbm4b:s4+s11], $0x1000, s14, s11, $0x38;
	[tilespmem:$0x18680] =	vst v63  }
0x37: {  	s15 =	spop (v2sf);
	(v2sf) =	vpush v1, $0x9;
	_ =	sdelay $0x1  }
0x38: {  	s4 =	sand.u32 $0xFFFFF80, s13  }
0x39: {  	s4 =	sadd.s32 s1, s4;
	s18 =	spop (v2sf);
	(v2sf) =	vpush v1, $0xA  }
0x3a: {  	[tilespmem:s20], [sflag:$0x1] =	stream.strided.gather [hbm4b:s4+s11], $0x1000, s14, s11, $0x38;
	[tilespmem:$0x18680] =	vst v63  }
0x3b: {  	s19 =	spop (v2sf);
	(v2sf) =	vpush v1, $0xB  }
0x3c: {  	s4 =	sand.u32 $0xFFFFF80, s15  }
0x3d: {  	s4 =	sadd.s32 s1, s4  }
0x3e: {  	[tilespmem:s16], [sflag:$0x1] =	stream.strided.gather [hbm4b:s4+s11], $0x1000, s14, s11, $0x38;
	[tilespmem:$0x18680] =	vst v63  }
0x3f: {  	s4 =	sand.u32 $0xFFFFF80, s18  }
0x40: {  	s4 =	sadd.s32 s1, s4  }
0x41: {  	[tilespmem:s21], [sflag:$0x1] =	stream.strided.gather [hbm4b:s4+s11], $0x1000, s14, s11, $0x38;
	[tilespmem:$0x18680] =	vst v63  }
0x42: {  	s4 =	sand.u32 $0xFFFFF80, s19  }
0x43: {  	s4 =	sadd.s32 s1, s4;
	s20 =	spop (v2sf);
	(v2sf) =	vpush v1, $0xC  }
0x44: {  	[tilespmem:s17], [sflag:$0x1] =	stream.strided.gather [hbm4b:s4+s11], $0x1000, s14, s11, $0x38;
	[tilespmem:$0x18680] =	vst v63  }
0x45: {  	s4 =	sand.u32 $0xFFFFF80, s20;
	s21 =	spop (v2sf);
	(v2sf) =	vpush v1, $0xD  }
0x46: {  	s4 =	sadd.s32 s1, s4  }
0x47: {  	[tilespmem:s22], [sflag:$0x1] =	stream.strided.gather [hbm4b:s4+s11], $0x1000, s14, s11, $0x38;
	[tilespmem:$0x18680] =	vst v63  }
0x48: {  	s22 =	spop (v2sf);
	(v2sf) =	vpush v1, $0xE  }
0x49: {  	s4 =	sand.u32 $0xFFFFF80, s21  }
0x4a: {  	s4 =	sadd.s32 s1, s4;
	s5 =	spop (v2sf)  }
0x4b: {  	(v2sf) =	vpush v1, $0xF;
	[tilespmem:s23], [sflag:$0x1] =	stream.strided.gather [hbm4b:s4+s11], $0x1000, s14, s11, $0x38;
	[tilespmem:$0x18680] =	vst v63  }
0x4c: {  	s4 =	sand.u32 $0xFFFFF80, s22  }
0x4d: {  	s4 =	sadd.s32 s1, s4  }
0x4e: {  	[tilespmem:s24], [sflag:$0x1] =	stream.strided.gather [hbm4b:s4+s11], $0x1000, s14, s11, $0x38;
	[tilespmem:$0x18680] =	vst v63  }
0x4f: {  	s4 =	sand.u32 $0xFFFFF80, s5  }
0x50: {  	s4 =	sadd.s32 s1, s4  }
0x51: {  	[tilespmem:s25], [sflag:$0x1] =	stream.strided.gather [hbm4b:s4+s11], $0x1000, s14, s11, $0x38;
	[tilespmem:$0x18680] =	vst v63  }
0x52: {  	s7 =	spop (v2sf)  }
0x53: {  	s4 =	sand.u32 $0xFFFFF80, s7  }
0x54: {  	s8 =	spop (v2sf);
	s4 =	sadd.s32 s1, s4  }
0x55: {  	[tilespmem:s26], [sflag:$0x1] =	stream.strided.gather [hbm4b:s4+s11], $0x1000, s14, s11, $0x38;
	[tilespmem:$0x18680] =	vst v63  }
0x56: {  	s4 =	sand.u32 $0xFFFFF80, s8  }
0x57: {  	s9 =	spop (v2sf);
	s4 =	sadd.s32 s1, s4  }
0x58: {  	[tilespmem:s28], [sflag:$0x1] =	stream.strided.gather [hbm4b:s4+s11], $0x1000, s14, s11, $0x38;
	[tilespmem:$0x18680] =	vst v63  }
0x59: {  	s4 =	sand.u32 $0xFFFFF80, s9  }
0x5a: {  	s13 =	spop (v2sf);
	s4 =	sadd.s32 s1, s4  }
0x5b: {  	[tilespmem:s29], [sflag:$0x1] =	stream.strided.gather [hbm4b:s4+s11], $0x1000, s14, s11, $0x38;
	[tilespmem:$0x18680] =	vst v63  }
0x5c: {  	v1 =	vand.u32 $0x7F, v1;
	s4 =	sand.u32 $0xFFFFF80, s13  }
0x5d: {  	v32 =	vor.u32 v0, v1;
	s4 =	sadd.s32 s1, s4  }
0x5e: {  	[tilespmem:s30], [sflag:$0x1] =	stream.strided.gather [hbm4b:s4+s11], $0x1000, s14, s11, $0x38;
	[tilespmem:$0x18680] =	vst v63  }
0x5f: {  	_ =	swait.ge [sflag:s31], $0x10000  }
0x60: {  	[sflag:s31] =	ssyncset.done $0x0  }
0x61: {  	[sflag:s31] =	ssyncadd.s32 $0xFFFF0000  }
0x62: {  	v32 =	vld.idx.msk [tilespmem:v32+s11+$0x0], $0xffff  }
0x63: {  	v33 =	vor.u32 v2, v1;
	_ =	sdelay $0x1  }
0x64: {  	s15 =	sand.u32 $0x70, s6;
	s5 =	sand.u32 $0xC00, s10  }
0x65: {  	s7 =	sor.u32 s15, s5  }
0x66: {  	[tilespmem:s7+$0x10400] =	vst v32  }
0x67: {  	v32 =	vld.idx.msk [tilespmem:v33+s11+$0x0], $0xffff  }
0x68: {  	v60 =	vor.u32 v3, v1;
	_ =	sdelay $0x3  }
0x69: {  	[tilespmem:s7+$0x10480] =	vst v32  }
0x6a: {  	v32 =	vld.idx.msk [tilespmem:v60+s11+$0x0], $0xffff  }
0x6b: {  	v61 =	vor.u32 v4, v1;
	_ =	sdelay $0x3  }
0x6c: {  	[tilespmem:s7+$0x10500] =	vst v32  }
0x6d: {  	v32 =	vld.idx.msk [tilespmem:v61+s11+$0x0], $0xffff  }
0x6e: {  	v62 =	vor.u32 v5, v1  }
0x6f: {  	s16 =	sand.u32 $0xFFFFFC00, s10  }
0x70: {  	s17 =	sadd.s32 s16, s6  }
0x71: {  	s8 =	sor.u32 $0x180, s17  }
0x72: {  	[tilespmem:s8+$0x10400] =	vst v32  }
0x73: {  	v32 =	vld.idx.msk [tilespmem:v62+s11+$0x0], $0xffff  }
0x74: {  	v63 =	vor.u32 v6, v1;
	_ =	sdelay $0x3  }
0x75: {  	[tilespmem:s7+$0x10600] =	vst v32  }
0x76: {  	v32 =	vld.idx.msk [tilespmem:v63+s11+$0x0], $0xffff  }
0x77: {  	v36 =	vor.u32 v7, v1;
	_ =	sdelay $0x3  }
0x78: {  	[tilespmem:s7+$0x10680] =	vst v32  }
0x79: {  	v32 =	vld.idx.msk [tilespmem:v36+s11+$0x0], $0xffff  }
0x7a: {  	v37 =	vor.u32 v8, v1;
	_ =	sdelay $0x3  }
0x7b: {  	[tilespmem:s7+$0x10700] =	vst v32  }
0x7c: {  	v32 =	vld.idx.msk [tilespmem:v37+s11+$0x0], $0xffff  }
0x7d: {  	v38 =	vor.u32 v9, v1;
	_ =	sdelay $0x1  }
0x7e: {  	s18 =	sor.u32 s6, s10  }
0x7f: {  	s9 =	sor.u32 $0x380, s18  }
0x80: {  	[tilespmem:s9+$0x10400] =	vst v32  }
0x81: {  	v32 =	vld.idx.msk [tilespmem:v38+s11+$0x0], $0xffff  }
0x82: {  	v39 =	vor.u32 v34, v1;
	_ =	sdelay $0x3  }
0x83: {  	[tilespmem:s7+$0x11400] =	vst v32  }
0x84: {  	v32 =	vld.idx.msk [tilespmem:v39+s11+$0x0], $0xffff  }
0x85: {  	v40 =	vor.u32 v10, v1;
	_ =	sdelay $0x3  }
0x86: {  	[tilespmem:s7+$0x11480] =	vst v32  }
0x87: {  	v32 =	vld.idx.msk [tilespmem:v40+s11+$0x0], $0xffff  }
0x88: {  	v41 =	vor.u32 v11, v1;
	_ =	sdelay $0x3  }
0x89: {  	[tilespmem:s7+$0x11500] =	vst v32  }
0x8a: {  	v32 =	vld.idx.msk [tilespmem:v41+s11+$0x0], $0xffff  }
0x8b: {  	v42 =	vor.u32 v12, v1;
	_ =	sdelay $0x2  }
0x8c: {  	s5 =	sor.u32 $0x1180, s17  }
0x8d: {  	[tilespmem:s5+$0x10400] =	vst v32  }
0x8e: {  	v32 =	vld.idx.msk [tilespmem:v42+s11+$0x0], $0xffff  }
0x8f: {  	v43 =	vor.u32 v13, v1;
	_ =	sdelay $0x3  }
0x90: {  	[tilespmem:s7+$0x11600] =	vst v32  }
0x91: {  	v32 =	vld.idx.msk [tilespmem:v43+s11+$0x0], $0xffff  }
0x92: {  	v44 =	vor.u32 v14, v1;
	_ =	sdelay $0x3  }
0x93: {  	[tilespmem:s7+$0x11680] =	vst v32  }
0x94: {  	v32 =	vld.idx.msk [tilespmem:v44+s11+$0x0], $0xffff  }
0x95: {  	v45 =	vor.u32 v15, v1;
	_ =	sdelay $0x3  }
0x96: {  	[tilespmem:s7+$0x11700] =	vst v32  }
0x97: {  	v32 =	vld.idx.msk [tilespmem:v45+s11+$0x0], $0xffff  }
0x98: {  	v46 =	vor.u32 v16, v1;
	_ =	sdelay $0x2  }
0x99: {  	s13 =	sor.u32 $0x1380, s18  }
0x9a: {  	[tilespmem:s13+$0x10400] =	vst v32  }
0x9b: {  	v32 =	vld.idx.msk [tilespmem:v46+s11+$0x0], $0xffff  }
0x9c: {  	v47 =	vor.u32 v17, v1;
	_ =	sdelay $0x3  }
0x9d: {  	[tilespmem:s7+$0x12400] =	vst v32  }
0x9e: {  	v32 =	vld.idx.msk [tilespmem:v47+s11+$0x0], $0xffff  }
0x9f: {  	v48 =	vor.u32 v18, v1;
	_ =	sdelay $0x3  }
0xa0: {  	[tilespmem:s7+$0x12480] =	vst v32  }
0xa1: {  	v32 =	vld.idx.msk [tilespmem:v48+s11+$0x0], $0xffff  }
0xa2: {  	v49 =	vor.u32 v19, v1;
	_ =	sdelay $0x3  }
0xa3: {  	[tilespmem:s7+$0x12500] =	vst v32  }
0xa4: {  	v32 =	vld.idx.msk [tilespmem:v49+s11+$0x0], $0xffff  }
0xa5: {  	v50 =	vor.u32 v20, v1;
	_ =	sdelay $0x2  }
0xa6: {  	s4 =	sor.u32 $0x2180, s17  }
0xa7: {  	[tilespmem:s4+$0x10400] =	vst v32  }
0xa8: {  	v32 =	vld.idx.msk [tilespmem:v50+s11+$0x0], $0xffff  }
0xa9: {  	v51 =	vor.u32 v21, v1;
	_ =	sdelay $0x3  }
0xaa: {  	[tilespmem:s7+$0x12600] =	vst v32  }
0xab: {  	v32 =	vld.idx.msk [tilespmem:v51+s11+$0x0], $0xffff  }
0xac: {  	v52 =	vor.u32 v22, v1;
	_ =	sdelay $0x3  }
0xad: {  	[tilespmem:s7+$0x12680] =	vst v32  }
0xae: {  	v32 =	vld.idx.msk [tilespmem:v52+s11+$0x0], $0xffff  }
0xaf: {  	v53 =	vor.u32 v23, v1;
	_ =	sdelay $0x3  }
0xb0: {  	[tilespmem:s7+$0x12700] =	vst v32  }
0xb1: {  	v32 =	vld.idx.msk [tilespmem:v53+s11+$0x0], $0xffff  }
0xb2: {  	v54 =	vor.u32 v24, v1;
	_ =	sdelay $0x2  }
0xb3: {  	s15 =	sor.u32 $0x2380, s18  }
0xb4: {  	[tilespmem:s15+$0x10400] =	vst v32  }
0xb5: {  	v32 =	vld.idx.msk [tilespmem:v54+s11+$0x0], $0xffff  }
0xb6: {  	v55 =	vor.u32 v25, v1;
	_ =	sdelay $0x3  }
0xb7: {  	[tilespmem:s7+$0x13400] =	vst v32  }
0xb8: {  	v32 =	vld.idx.msk [tilespmem:v55+s11+$0x0], $0xffff  }
0xb9: {  	v56 =	vor.u32 v26, v1;
	_ =	sdelay $0x3  }
0xba: {  	[tilespmem:s7+$0x13480] =	vst v32  }
0xbb: {  	v32 =	vld.idx.msk [tilespmem:v56+s11+$0x0], $0xffff  }
0xbc: {  	v57 =	vor.u32 v27, v1;
	_ =	sdelay $0x3  }
0xbd: {  	[tilespmem:s7+$0x13500] =	vst v32  }
0xbe: {  	v32 =	vld.idx.msk [tilespmem:v57+s11+$0x0], $0xffff  }
0xbf: {  	v58 =	vor.u32 v28, v1;
	_ =	sdelay $0x2  }
0xc0: {  	s17 =	sor.u32 $0x3180, s17  }
0xc1: {  	[tilespmem:s17+$0x10400] =	vst v32  }
0xc2: {  	v32 =	vld.idx.msk [tilespmem:v58+s11+$0x0], $0xffff  }
0xc3: {  	v59 =	vor.u32 v29, v1;
	_ =	sdelay $0x3  }
0xc4: {  	[tilespmem:s7+$0x13600] =	vst v32  }
0xc5: {  	v32 =	vld.idx.msk [tilespmem:v59+s11+$0x0], $0xffff  }
0xc6: {  	v60 =	vor.u32 v30, v1;
	_ =	sdelay $0x3  }
0xc7: {  	[tilespmem:s7+$0x13680] =	vst v32  }
0xc8: {  	v32 =	vld.idx.msk [tilespmem:v60+s11+$0x0], $0xffff  }
0xc9: {  	v1 =	vor.u32 v31, v1;
	_ =	sdelay $0x3  }
0xca: {  	[tilespmem:s7+$0x13700] =	vst v32  }
0xcb: {  	v1 =	vld.idx.msk [tilespmem:v1+s11+$0x0], $0xffff;
	_ =	sdelay $0x3  }
0xcc: {  	s16 =	sor.u32 $0x3380, s18  }
0xcd: {  	[tilespmem:s16+$0x10400] =	vst v1  }
0xce: {  	v1 =	vld [tilespmem:s12+$0x0];
	_ =	sdelay $0x4  }
0xcf: {  	(v2sf) =	vpush v1, $0x0;
	_ =	sdelay $0x3  }
0xd0: {  	(v2sf) =	vpush v1, $0x1;
	_ =	sdelay $0x3  }
0xd1: {  	(v2sf) =	vpush v1, $0x2;
	_ =	sdelay $0x3  }
0xd2: {  	(v2sf) =	vpush v1, $0x3;
	_ =	sdelay $0x2  }
0xd3: {  	s18 =	spop (v2sf)  }
0xd4: {  	(v2sf) =	vpush v1, $0x4;
	s18 =	sand.u32 $0xFFFFF80, s18  }
0xd5: {  	s18 =	sadd.s32 s2, s18  }
0xd6: {  	[tilespmem:s11], [sflag:$0x2] =	stream.strided.gather [hbm4b:s18+s11], $0x1000, s14, s11, $0x38;
	[tilespmem:$0x18680] =	vst v63  }
0xd7: {  	s18 =	spop (v2sf)  }
0xd8: {  	(v2sf) =	vpush v1, $0x5;
	s18 =	sand.u32 $0xFFFFF80, s18  }
0xd9: {  	s19 =	simm.s32 $0x1400;
	s18 =	sadd.s32 s2, s18  }
0xda: {  	[tilespmem:s19], [sflag:$0x2] =	stream.strided.gather [hbm4b:s18+s11], $0x1000, s14, s11, $0x38;
	[tilespmem:$0x18680] =	vst v63  }
0xdb: {  	s18 =	spop (v2sf)  }
0xdc: {  	(v2sf) =	vpush v1, $0x6;
	s18 =	sand.u32 $0xFFFFF80, s18  }
0xdd: {  	s19 =	simm.s32 $0x2400;
	s18 =	sadd.s32 s2, s18  }
0xde: {  	[tilespmem:s19], [sflag:$0x2] =	stream.strided.gather [hbm4b:s18+s11], $0x1000, s14, s11, $0x38;
	[tilespmem:$0x18680] =	vst v63  }
0xdf: {  	s18 =	spop (v2sf)  }
0xe0: {  	(v2sf) =	vpush v1, $0x7;
	s18 =	sand.u32 $0xFFFFF80, s18  }
0xe1: {  	s20 =	simm.s32 $0x3400;
	s18 =	sadd.s32 s2, s18  }
0xe2: {  	[tilespmem:s20], [sflag:$0x2] =	stream.strided.gather [hbm4b:s18+s11], $0x1000, s14, s11, $0x38;
	[tilespmem:$0x18680] =	vst v63  }
0xe3: {  	s18 =	spop (v2sf)  }
0xe4: {  	(v2sf) =	vpush v1, $0x8;
	s18 =	sand.u32 $0xFFFFF80, s18  }
0xe5: {  	s20 =	simm.s32 $0x4400;
	s18 =	sadd.s32 s2, s18  }
0xe6: {  	[tilespmem:s20], [sflag:$0x2] =	stream.strided.gather [hbm4b:s18+s11], $0x1000, s14, s11, $0x38;
	[tilespmem:$0x18680] =	vst v63  }
0xe7: {  	s18 =	spop (v2sf)  }
0xe8: {  	(v2sf) =	vpush v1, $0x9;
	s18 =	sand.u32 $0xFFFFF80, s18  }
0xe9: {  	s21 =	simm.s32 $0x5400;
	s18 =	sadd.s32 s2, s18  }
0xea: {  	[tilespmem:s21], [sflag:$0x2] =	stream.strided.gather [hbm4b:s18+s11], $0x1000, s14, s11, $0x38;
	[tilespmem:$0x18680] =	vst v63  }
0xeb: {  	s18 =	spop (v2sf)  }
0xec: {  	(v2sf) =	vpush v1, $0xA;
	s18 =	sand.u32 $0xFFFFF80, s18  }
0xed: {  	s21 =	simm.s32 $0x6400;
	s18 =	sadd.s32 s2, s18  }
0xee: {  	[tilespmem:s21], [sflag:$0x2] =	stream.strided.gather [hbm4b:s18+s11], $0x1000, s14, s11, $0x38;
	[tilespmem:$0x18680] =	vst v63  }
0xef: {  	s18 =	spop (v2sf)  }
0xf0: {  	(v2sf) =	vpush v1, $0xB;
	s18 =	sand.u32 $0xFFFFF80, s18  }
0xf1: {  	s22 =	simm.s32 $0x7400;
	s18 =	sadd.s32 s2, s18  }
0xf2: {  	[tilespmem:s22], [sflag:$0x2] =	stream.strided.gather [hbm4b:s18+s11], $0x1000, s14, s11, $0x38;
	[tilespmem:$0x18680] =	vst v63  }
0xf3: {  	s18 =	spop (v2sf)  }
0xf4: {  	(v2sf) =	vpush v1, $0xC;
	s18 =	sand.u32 $0xFFFFF80, s18  }
0xf5: {  	s22 =	simm.s32 $0x8400;
	s18 =	sadd.s32 s2, s18  }
0xf6: {  	[tilespmem:s22], [sflag:$0x2] =	stream.strided.gather [hbm4b:s18+s11], $0x1000, s14, s11, $0x38;
	[tilespmem:$0x18680] =	vst v63  }
0xf7: {  	s18 =	spop (v2sf)  }
0xf8: {  	(v2sf) =	vpush v1, $0xD;
	s18 =	sand.u32 $0xFFFFF80, s18  }
0xf9: {  	s18 =	sadd.s32 s2, s18  }
0xfa: {  	[tilespmem:s23], [sflag:$0x2] =	stream.strided.gather [hbm4b:s18+s11], $0x1000, s14, s11, $0x38;
	[tilespmem:$0x18680] =	vst v63  }
0xfb: {  	s18 =	spop (v2sf)  }
0xfc: {  	(v2sf) =	vpush v1, $0xE;
	s18 =	sand.u32 $0xFFFFF80, s18  }
0xfd: {  	s18 =	sadd.s32 s2, s18  }
0xfe: {  	[tilespmem:s24], [sflag:$0x2] =	stream.strided.gather [hbm4b:s18+s11], $0x1000, s14, s11, $0x38;
	[tilespmem:$0x18680] =	vst v63  }
0xff: {  	s18 =	spop (v2sf)  }
0x100: {  	(v2sf) =	vpush v1, $0xF;
	s18 =	sand.u32 $0xFFFFF80, s18  }
0x101: {  	s18 =	sadd.s32 s2, s18  }
0x102: {  	[tilespmem:s25], [sflag:$0x2] =	stream.strided.gather [hbm4b:s18+s11], $0x1000, s14, s11, $0x38;
	[tilespmem:$0x18680] =	vst v63  }
0x103: {  	s18 =	spop (v2sf)  }
0x104: {  	s18 =	sand.u32 $0xFFFFF80, s18  }
0x105: {  	s18 =	sadd.s32 s2, s18  }
0x106: {  	[tilespmem:s26], [sflag:$0x2] =	stream.strided.gather [hbm4b:s18+s11], $0x1000, s14, s11, $0x38;
	[tilespmem:$0x18680] =	vst v63  }
0x107: {  	s18 =	spop (v2sf)  }
0x108: {  	s18 =	sand.u32 $0xFFFFF80, s18  }
0x109: {  	s18 =	sadd.s32 s2, s18  }
0x10a: {  	[tilespmem:s28], [sflag:$0x2] =	stream.strided.gather [hbm4b:s18+s11], $0x1000, s14, s11, $0x38;
	[tilespmem:$0x18680] =	vst v63  }
0x10b: {  	s18 =	spop (v2sf)  }
0x10c: {  	s18 =	sand.u32 $0xFFFFF80, s18  }
0x10d: {  	s18 =	sadd.s32 s2, s18  }
0x10e: {  	[tilespmem:s29], [sflag:$0x2] =	stream.strided.gather [hbm4b:s18+s11], $0x1000, s14, s11, $0x38;
	[tilespmem:$0x18680] =	vst v63  }
0x10f: {  	s18 =	spop (v2sf)  }
0x110: {  	v1 =	vand.u32 $0x7F, v1;
	s18 =	sand.u32 $0xFFFFF80, s18  }
0x111: {  	v61 =	vor.u32 v0, v1;
	s18 =	sadd.s32 s2, s18  }
0x112: {  	[tilespmem:s30], [sflag:$0x2] =	stream.strided.gather [hbm4b:s18+s11], $0x1000, s14, s11, $0x38;
	[tilespmem:$0x18680] =	vst v63  }
0x113: {  	_ =	swait.ge [sflag:s3], $0x10000  }
0x114: {  	[sflag:s3] =	ssyncset.done $0x0  }
0x115: {  	[sflag:s3] =	ssyncadd.s32 $0xFFFF0000  }
0x116: {  	v32 =	vld.idx.msk [tilespmem:v61+s11+$0x0], $0xffff  }
0x117: {  	v62 =	vor.u32 v2, v1;
	_ =	sdelay $0x3  }
0x118: {  	[tilespmem:s7+$0x14400] =	vst v32  }
0x119: {  	v32 =	vld.idx.msk [tilespmem:v62+s11+$0x0], $0xffff  }
0x11a: {  	v63 =	vor.u32 v3, v1;
	_ =	sdelay $0x3  }
0x11b: {  	[tilespmem:s7+$0x14480] =	vst v32  }
0x11c: {  	v32 =	vld.idx.msk [tilespmem:v63+s11+$0x0], $0xffff  }
0x11d: {  	v36 =	vor.u32 v4, v1;
	_ =	sdelay $0x3  }
0x11e: {  	[tilespmem:s7+$0x14500] =	vst v32  }
0x11f: {  	v32 =	vld.idx.msk [tilespmem:v36+s11+$0x0], $0xffff  }
0x120: {  	v37 =	vor.u32 v5, v1;
	_ =	sdelay $0x3  }
0x121: {  	[tilespmem:s8+$0x14400] =	vst v32  }
0x122: {  	v32 =	vld.idx.msk [tilespmem:v37+s11+$0x0], $0xffff  }
0x123: {  	v38 =	vor.u32 v6, v1;
	_ =	sdelay $0x3  }
0x124: {  	[tilespmem:s7+$0x14600] =	vst v32  }
0x125: {  	v32 =	vld.idx.msk [tilespmem:v38+s11+$0x0], $0xffff  }
0x126: {  	v39 =	vor.u32 v7, v1;
	_ =	sdelay $0x3  }
0x127: {  	[tilespmem:s7+$0x14680] =	vst v32  }
0x128: {  	v32 =	vld.idx.msk [tilespmem:v39+s11+$0x0], $0xffff  }
0x129: {  	v40 =	vor.u32 v8, v1;
	_ =	sdelay $0x3  }
0x12a: {  	[tilespmem:s7+$0x14700] =	vst v32  }
0x12b: {  	v32 =	vld.idx.msk [tilespmem:v40+s11+$0x0], $0xffff  }
0x12c: {  	v41 =	vor.u32 v9, v1;
	_ =	sdelay $0x3  }
0x12d: {  	[tilespmem:s9+$0x14400] =	vst v32  }
0x12e: {  	v32 =	vld.idx.msk [tilespmem:v41+s11+$0x0], $0xffff  }
0x12f: {  	v42 =	vor.u32 v34, v1;
	_ =	sdelay $0x3  }
0x130: {  	[tilespmem:s7+$0x15400] =	vst v32  }
0x131: {  	v32 =	vld.idx.msk [tilespmem:v42+s11+$0x0], $0xffff  }
0x132: {  	v43 =	vor.u32 v10, v1;
	_ =	sdelay $0x3  }
0x133: {  	[tilespmem:s7+$0x15480] =	vst v32  }
0x134: {  	v32 =	vld.idx.msk [tilespmem:v43+s11+$0x0], $0xffff  }
0x135: {  	v44 =	vor.u32 v11, v1;
	_ =	sdelay $0x3  }
0x136: {  	[tilespmem:s7+$0x15500] =	vst v32  }
0x137: {  	v32 =	vld.idx.msk [tilespmem:v44+s11+$0x0], $0xffff  }
0x138: {  	v45 =	vor.u32 v12, v1;
	_ =	sdelay $0x3  }
0x139: {  	[tilespmem:s5+$0x14400] =	vst v32  }
0x13a: {  	v32 =	vld.idx.msk [tilespmem:v45+s11+$0x0], $0xffff  }
0x13b: {  	v46 =	vor.u32 v13, v1;
	_ =	sdelay $0x3  }
0x13c: {  	[tilespmem:s7+$0x15600] =	vst v32  }
0x13d: {  	v32 =	vld.idx.msk [tilespmem:v46+s11+$0x0], $0xffff  }
0x13e: {  	v47 =	vor.u32 v14, v1;
	_ =	sdelay $0x3  }
0x13f: {  	[tilespmem:s7+$0x15680] =	vst v32  }
0x140: {  	v32 =	vld.idx.msk [tilespmem:v47+s11+$0x0], $0xffff  }
0x141: {  	v48 =	vor.u32 v15, v1;
	_ =	sdelay $0x3  }
0x142: {  	[tilespmem:s7+$0x15700] =	vst v32  }
0x143: {  	v32 =	vld.idx.msk [tilespmem:v48+s11+$0x0], $0xffff  }
0x144: {  	v49 =	vor.u32 v16, v1;
	_ =	sdelay $0x3  }
0x145: {  	[tilespmem:s13+$0x14400] =	vst v32  }
0x146: {  	v32 =	vld.idx.msk [tilespmem:v49+s11+$0x0], $0xffff  }
0x147: {  	v50 =	vor.u32 v17, v1;
	_ =	sdelay $0x3  }
0x148: {  	[tilespmem:s7+$0x16400] =	vst v32  }
0x149: {  	v32 =	vld.idx.msk [tilespmem:v50+s11+$0x0], $0xffff  }
0x14a: {  	v51 =	vor.u32 v18, v1;
	_ =	sdelay $0x3  }
0x14b: {  	[tilespmem:s7+$0x16480] =	vst v32  }
0x14c: {  	v32 =	vld.idx.msk [tilespmem:v51+s11+$0x0], $0xffff  }
0x14d: {  	v52 =	vor.u32 v19, v1;
	_ =	sdelay $0x3  }
0x14e: {  	[tilespmem:s7+$0x16500] =	vst v32  }
0x14f: {  	v32 =	vld.idx.msk [tilespmem:v52+s11+$0x0], $0xffff  }
0x150: {  	v53 =	vor.u32 v20, v1;
	_ =	sdelay $0x3  }
0x151: {  	[tilespmem:s4+$0x14400] =	vst v32  }
0x152: {  	v32 =	vld.idx.msk [tilespmem:v53+s11+$0x0], $0xffff  }
0x153: {  	v54 =	vor.u32 v21, v1;
	_ =	sdelay $0x3  }
0x154: {  	[tilespmem:s7+$0x16600] =	vst v32  }
0x155: {  	v32 =	vld.idx.msk [tilespmem:v54+s11+$0x0], $0xffff  }
0x156: {  	v55 =	vor.u32 v22, v1;
	_ =	sdelay $0x3  }
0x157: {  	[tilespmem:s7+$0x16680] =	vst v32  }
0x158: {  	v32 =	vld.idx.msk [tilespmem:v55+s11+$0x0], $0xffff  }
0x159: {  	v56 =	vor.u32 v23, v1;
	_ =	sdelay $0x3  }
0x15a: {  	[tilespmem:s7+$0x16700] =	vst v32  }
0x15b: {  	v32 =	vld.idx.msk [tilespmem:v56+s11+$0x0], $0xffff  }
0x15c: {  	v57 =	vor.u32 v24, v1;
	_ =	sdelay $0x3  }
0x15d: {  	[tilespmem:s15+$0x14400] =	vst v32  }
0x15e: {  	v32 =	vld.idx.msk [tilespmem:v57+s11+$0x0], $0xffff  }
0x15f: {  	v58 =	vor.u32 v25, v1;
	_ =	sdelay $0x3  }
0x160: {  	[tilespmem:s7+$0x17400] =	vst v32  }
0x161: {  	v32 =	vld.idx.msk [tilespmem:v58+s11+$0x0], $0xffff  }
0x162: {  	v59 =	vor.u32 v26, v1;
	_ =	sdelay $0x3  }
0x163: {  	[tilespmem:s7+$0x17480] =	vst v32  }
0x164: {  	v32 =	vld.idx.msk [tilespmem:v59+s11+$0x0], $0xffff  }
0x165: {  	v60 =	vor.u32 v27, v1;
	_ =	sdelay $0x3  }
0x166: {  	[tilespmem:s7+$0x17500] =	vst v32  }
0x167: {  	v32 =	vld.idx.msk [tilespmem:v60+s11+$0x0], $0xffff  }
0x168: {  	v61 =	vor.u32 v28, v1;
	_ =	sdelay $0x3  }
0x169: {  	[tilespmem:s17+$0x14400] =	vst v32  }
0x16a: {  	v32 =	vld.idx.msk [tilespmem:v61+s11+$0x0], $0xffff  }
0x16b: {  	v62 =	vor.u32 v29, v1;
	_ =	sdelay $0x3  }
0x16c: {  	[tilespmem:s7+$0x17600] =	vst v32  }
0x16d: {  	v32 =	vld.idx.msk [tilespmem:v62+s11+$0x0], $0xffff  }
0x16e: {  	v63 =	vor.u32 v30, v1;
	_ =	sdelay $0x3  }
0x16f: {  	[tilespmem:s7+$0x17680] =	vst v32  }
0x170: {  	v32 =	vld.idx.msk [tilespmem:v63+s11+$0x0], $0xffff  }
0x171: {  	v1 =	vor.u32 v31, v1;
	_ =	sdelay $0x3  }
0x172: {  	[tilespmem:s7+$0x17700] =	vst v32  }
0x173: {  	p0 =	sne.s32 s6, $0x1F0;
	v1 =	vld.idx.msk [tilespmem:v1+s11+$0x0], $0xffff  }
.Ltmp0:
0x174: {  	_ = 	snop;
	(pc) =	sbr.rel @p0 .LBB2_2-.Ltmp0, $4  }
0x175: {  	_ = 	snop  }
0x176: {  	s0 =	sadd.s32 $0x10, s0;
	s6 =	sadd.s32 $0x10, s6  }
0x177: {  	s10 =	sadd.s32 $0x80, s10;
	s12 =	sadd.s32 $0x10, s12;
	s13 =	simm.s32 $0x1400  }
0x178: {  	s15 =	simm.s32 $0x3400;
	s17 =	simm.s32 $0x7400;
	[tilespmem:s16+$0x14400] =	vst v1;
	s16 =	simm.s32 $0x5400  }
0x179: {  	s4 =	simm.s32 $0x0  }
0x17a: {  	v47 =	vld [tilespmem:$0x18600];
	s0 =	sand.u32 $0x70, s4;
	s5 =	sand.u32 $0xC00, s4  }
0x17b: {  	v1 =	vld [tilespmem:$0x18610];
	s0 =	sor.u32 s0, s5  }
0x17c: {  	v32 =	vld [tilespmem:s0+$0x14400]  }
0x17d: {  	v33 =	vld [tilespmem:s0+$0x10400]  }
0x17e: {  	v34 =	vld [tilespmem:s0+$0x10480]  }
0x17f: {  	v35 =	vld [tilespmem:s0+$0x14480]  }
0x180: {  	v37 =	vld [tilespmem:s0+$0x10500]  }
0x181: {  	s8 =	sand.u32 $0xFFFFFC00, s4;
	v38 =	vld [tilespmem:s0+$0x14500]  }
0x182: {  	s5 =	sadd.s32 $0x0, s8;
	v41 =	vld [tilespmem:s0+$0x10600]  }
0x183: {  	s6 =	sor.u32 $0x180, s5;
	v42 =	vld [tilespmem:s0+$0x14600]  }
0x184: {  	v39 =	vld [tilespmem:s6+$0x10400]  }
0x185: {  	v40 =	vld [tilespmem:s6+$0x14400];
	v36 =	vbroadcast v47, $0x0;
	v32 =	vmul.f32 v32, v33  }
0x186: {  	v56 =	vld [tilespmem:s0+$0x10680];
	v33 =	vbroadcast v47, $0x1  }
0x187: {  	v44 =	vld [tilespmem:s0+$0x14680];
	v35 =	vmul.f32 v35, v34;
	v32 =	vmul.f32 v32, v36  }
0x188: {  	s4 =	sor.u32 s4, s4;
	v57 =	vld [tilespmem:s0+$0x10700];
	v34 =	vbroadcast v47, $0x2  }
0x189: {  	s9 =	sor.u32 $0x380, s4;
	v45 =	vld [tilespmem:s0+$0x14700];
	v37 =	vmul.f32 v38, v37;
	v35 =	vmul.f32 v35, v33;
	v43 =	vadd.f32 $0.0e+00, v32  }
0x18a: {  	v58 =	vld [tilespmem:s9+$0x10400];
	v39 =	vmul.f32 v40, v39  }
0x18b: {  	v46 =	vld [tilespmem:s9+$0x14400];
	v37 =	vmul.f32 v37, v34;
	v32 =	vbroadcast v47, $0x3;
	v43 =	vadd.f32 v35, v43  }
0x18c: {  	v60 =	vld [tilespmem:s0+$0x11400];
	v41 =	vmul.f32 v42, v41  }
0x18d: {  	v48 =	vld [tilespmem:s0+$0x15400];
	v35 =	vbroadcast v47, $0x4;
	v39 =	vmul.f32 v39, v32;
	v43 =	vadd.f32 v37, v43  }
0x18e: {  	v61 =	vld [tilespmem:s0+$0x11480];
	v59 =	vmul.f32 v44, v56  }
0x18f: {  	v49 =	vld [tilespmem:s0+$0x15480];
	v37 =	vbroadcast v47, $0x5;
	v41 =	vmul.f32 v41, v35;
	v39 =	vadd.f32 v39, v43  }
0x190: {  	v63 =	vld [tilespmem:s0+$0x11500];
	v38 =	vbroadcast v47, $0x6  }
0x191: {  	v50 =	vld [tilespmem:s0+$0x15500];
	v40 =	vmul.f32 v45, v57;
	v43 =	vmul.f32 v59, v37;
	v41 =	vadd.f32 v41, v39  }
0x192: {  	v5 =	vld [tilespmem:s0+$0x11600];
	v42 =	vmul.f32 v46, v58  }
0x193: {  	s10 =	sor.u32 $0x1180, s5;
	v52 =	vld [tilespmem:s0+$0x15600];
	v62 =	vmul.f32 v40, v38;
	v39 =	vbroadcast v47, $0x7;
	v41 =	vadd.f32 v43, v41  }
0x194: {  	v4 =	vld [tilespmem:s10+$0x10400];
	v44 =	vmul.f32 v48, v60  }
0x195: {  	v51 =	vld [tilespmem:s10+$0x14400];
	v40 =	vbroadcast v47, $0x8;
	v42 =	vmul.f32 v42, v39;
	v43 =	vadd.f32 v62, v41  }
0x196: {  	v6 =	vld [tilespmem:s0+$0x11680];
	v45 =	vmul.f32 v49, v61  }
0x197: {  	v53 =	vld [tilespmem:s0+$0x15680];
	v44 =	vmul.f32 v44, v40;
	v41 =	vbroadcast v47, $0x9;
	v43 =	vadd.f32 v42, v43  }
0x198: {  	v7 =	vld [tilespmem:s0+$0x11700];
	v46 =	vmul.f32 v50, v63  }
0x199: {  	s12 =	sor.u32 $0x1380, s4;
	v54 =	vld [tilespmem:s0+$0x15700];
	v42 =	vbroadcast v47, $0xA;
	v45 =	vmul.f32 v45, v41;
	v44 =	vadd.f32 v44, v43  }
0x19a: {  	s7 =	sor.u32 $0x2380, s4;
	v55 =	vld [tilespmem:s12+$0x14400];
	v48 =	vmul.f32 v51, v4  }
0x19b: {  	v3 =	vld [tilespmem:s7+$0x10400];
	v43 =	vbroadcast v47, $0xB;
	v46 =	vmul.f32 v46, v42;
	v45 =	vadd.f32 v45, v44  }
0x19c: {  	v0 =	vld [tilespmem:s0+$0x13400];
	v49 =	vmul.f32 v52, v5  }
0x19d: {  	v60 =	vld [tilespmem:s12+$0x10400];
	v44 =	vbroadcast v47, $0xC;
	v48 =	vmul.f32 v48, v43;
	v46 =	vadd.f32 v46, v45  }
0x19e: {  	v50 =	vmul.f32 v53, v6;
	v56 =	vld [tilespmem:s0+$0x16400]  }
0x19f: {  	v61 =	vld [tilespmem:s0+$0x12400];
	v45 =	vbroadcast v47, $0xD;
	v49 =	vmul.f32 v49, v44;
	v48 =	vadd.f32 v48, v46  }
0x1a0: {  	v63 =	vmul.f32 v54, v7;
	v4 =	vld [tilespmem:s0+$0x12480]  }
0x1a1: {  	v5 =	vld [tilespmem:s0+$0x16480];
	v46 =	vbroadcast v47, $0xE;
	v62 =	vmul.f32 v50, v45;
	v48 =	vadd.f32 v49, v48  }
0x1a2: {  	v6 =	vld [tilespmem:s0+$0x12500];
	v52 =	vmul.f32 v55, v60  }
0x1a3: {  	s18 =	sor.u32 $0x2180, s5;
	v57 =	vld [tilespmem:s0+$0x16500];
	v47 =	vbroadcast v47, $0xF;
	v50 =	vmul.f32 v63, v46;
	v49 =	vadd.f32 v62, v48  }
0x1a4: {  	v7 =	vld [tilespmem:s18+$0x10400];
	v53 =	vmul.f32 v56, v61  }
0x1a5: {  	v58 =	vld [tilespmem:s18+$0x14400];
	v52 =	vmul.f32 v52, v47;
	v48 =	vbroadcast v1, $0x0;
	v50 =	vadd.f32 v50, v49  }
0x1a6: {  	v51 =	vmul.f32 v5, v4;
	v4 =	vld [tilespmem:s0+$0x12600]  }
0x1a7: {  	v59 =	vld [tilespmem:s0+$0x16600];
	v49 =	vbroadcast v1, $0x1;
	v53 =	vmul.f32 v53, v48;
	v52 =	vadd.f32 v52, v50  }
0x1a8: {  	v60 =	vld [tilespmem:s0+$0x16680];
	v55 =	vmul.f32 v57, v6  }
0x1a9: {  	v57 =	vld [tilespmem:s0+$0x12680];
	v50 =	vbroadcast v1, $0x2;
	v5 =	vmul.f32 v51, v49;
	v52 =	vadd.f32 v53, v52  }
0x1aa: {  	v56 =	vmul.f32 v58, v7;
	v6 =	vld [tilespmem:s0+$0x12700]  }
0x1ab: {  	v61 =	vld [tilespmem:s0+$0x16700];
	v51 =	vbroadcast v1, $0x3;
	v55 =	vmul.f32 v55, v50;
	v53 =	vadd.f32 v5, v52  }
0x1ac: {  	v2 =	vld [tilespmem:s0+$0x13480];
	v54 =	vmul.f32 v59, v4  }
0x1ad: {  	v62 =	vld [tilespmem:s7+$0x14400];
	v56 =	vmul.f32 v56, v51;
	v52 =	vbroadcast v1, $0x4;
	v55 =	vadd.f32 v55, v53  }
0x1ae: {  	v57 =	vmul.f32 v60, v57;
	v59 =	vld [tilespmem:s0+$0x17480]  }
0x1af: {  	v63 =	vld [tilespmem:s0+$0x17400];
	v53 =	vbroadcast v1, $0x5;
	v7 =	vmul.f32 v54, v52;
	v55 =	vadd.f32 v56, v55  }
0x1b0: {  	v58 =	vmul.f32 v61, v6  }
0x1b1: {  	s5 =	sor.u32 $0x3180, s5;
	v61 =	vld [tilespmem:s0+$0x17500];
	v54 =	vbroadcast v1, $0x6;
	v57 =	vmul.f32 v57, v53;
	v56 =	vadd.f32 v7, v55  }
0x1b2: {  	v60 =	vld [tilespmem:s5+$0x14400];
	v62 =	vmul.f32 v62, v3  }
0x1b3: {  	v3 =	vld [tilespmem:s0+$0x13500];
	v58 =	vmul.f32 v58, v54;
	v55 =	vbroadcast v1, $0x7;
	v57 =	vadd.f32 v57, v56  }
0x1b4: {  	v59 =	vmul.f32 v59, v2;
	v2 =	vld [tilespmem:s0+$0x17600];
	v63 =	vmul.f32 v63, v0  }
0x1b5: {  	v0 =	vld [tilespmem:s0+$0x13600];
	v56 =	vbroadcast v1, $0x8;
	v62 =	vmul.f32 v62, v55;
	v58 =	vadd.f32 v58, v57  }
0x1b6: {  	v5 =	vld [tilespmem:s5+$0x10400]  }
0x1b7: {  	v57 =	vbroadcast v1, $0x9;
	v63 =	vmul.f32 v63, v56;
	v62 =	vadd.f32 v62, v58  }
0x1b8: {  	v6 =	vld [tilespmem:s0+$0x17680];
	v61 =	vmul.f32 v61, v3  }
0x1b9: {  	s8 =	sor.u32 $0x3380, s4;
	v4 =	vld [tilespmem:s0+$0x13680];
	v58 =	vbroadcast v1, $0xA;
	v62 =	vadd.f32 v63, v62;
	v63 =	vmul.f32 v59, v57  }
0x1ba: {  	v2 =	vmul.f32 v2, v0;
	v0 =	vld [tilespmem:s8+$0x10400];
	v59 =	vbroadcast v1, $0xB  }
0x1bb: {  	v7 =	vld [tilespmem:s0+$0x17700];
	v61 =	vmul.f32 v61, v58;
	v62 =	vadd.f32 v63, v62;
	v63 =	vmul.f32 v60, v5  }
0x1bc: {  	v5 =	vld [tilespmem:s0+$0x13700]  }
0x1bd: {  	v3 =	vld [tilespmem:s8+$0x14400];
	v60 =	vbroadcast v1, $0xC;
	v62 =	vadd.f32 v61, v62;
	v63 =	vmul.f32 v63, v59  }
0x1be: {  	v4 =	vmul.f32 v6, v4  }
0x1bf: {  	v61 =	vbroadcast v1, $0xD;
	v2 =	vmul.f32 v2, v60;
	v63 =	vadd.f32 v63, v62  }
0x1c0: {  	v62 =	vbroadcast v1, $0xE  }
0x1c1: {  	v4 =	vmul.f32 v4, v61;
	v5 =	vmul.f32 v7, v5;
	v2 =	vadd.f32 v2, v63  }
0x1c2: {  	v3 =	vmul.f32 v3, v0  }
0x1c3: {  	v63 =	vbroadcast v1, $0xF;
	v2 =	vadd.f32 v4, v2;
	v4 =	vmul.f32 v5, v62  }
0x1c4: {  	v1 =	vld [tilespmem:$0x18620]  }
0x1c5: {  	v3 =	vmul.f32 v3, v63;
	v2 =	vadd.f32 v4, v2;
	_ =	sdelay $0x1  }
0x1c6: {  	v2 =	vadd.f32 v3, v2;
	_ =	sdelay $0x1  }
0x1c7: {  	v2 =	vadd.f32 v2, v1;
	_ =	sdelay $0x1  }
0x1c8: {  	v2 =	vsub.f32 $0.0e+00, v2;
	_ =	sdelay $0x1  }
0x1c9: {  	v2 =	vmul.f32 $1.442695020e+00, v2;
	_ =	sdelay $0x1  }
0x1ca: {  	(erf) = vpow2.f32 v2;
	_ =	sdelay $0x8  }
0x1cb: {  	v2 =	vpop (erf)  }
0x1cc: {  	v2 =	vadd.f32 $1.000000000e+00, v2;
	_ =	sdelay $0x1  }
0x1cd: {  	(erf) = vrcp.f32 v2;
	_ =	sdelay $0x8  }
0x1ce: {  	v2 =	vpop (erf)  }
0x1cf: {  	s6 =	simm.s32 $0x10;
	s10 =	simm.s32 $0x80;
	v2 =	vmul.f32 $5.000000000e+00, v2  }
0x1d0: {  	s9 =	sand.u32 $0x70, s6;
	s12 =	simm.s32 $0x18400;
	s18 =	sand.u32 $0xC00, s10  }
0x1d1: {  	s7 =	simm.s32 $0x20;
	s0 =	sor.u32 s9, s18;
	[tilespmem:s12+$0x0] =	vst v2  }
.LBB2_4:
0x1d2: {  	p0 =	sne.s32 s7, $0x1F0;
	v2 =	vld [tilespmem:s0+$0x14400]  }
0x1d3: {  	v3 =	vld [tilespmem:s0+$0x10400]  }
0x1d4: {  	v4 =	vld [tilespmem:s0+$0x10480]  }
0x1d5: {  	s4 =	sand.u32 $0xFFFFFC00, s10;
	v5 =	vld [tilespmem:s0+$0x14480]  }
0x1d6: {  	s5 =	sadd.s32 s4, s6;
	v6 =	vld [tilespmem:s0+$0x10500]  }
0x1d7: {  	s4 =	sor.u32 $0x180, s5;
	v0 =	vld [tilespmem:s0+$0x14500]  }
0x1d8: {  	v2 =	vmul.f32 v2, v3;
	v3 =	vld [tilespmem:s4+$0x10400]  }
0x1d9: {  	v7 =	vld [tilespmem:s4+$0x14400]  }
0x1da: {  	v2 =	vmul.f32 v2, v36;
	v4 =	vmul.f32 v5, v4;
	v5 =	vld [tilespmem:s0+$0x10600]  }
0x1db: {  	v8 =	vld [tilespmem:s0+$0x14600]  }
0x1dc: {  	v2 =	vadd.f32 $0.0e+00, v2;
	v4 =	vmul.f32 v4, v33;
	v0 =	vmul.f32 v0, v6;
	v6 =	vld [tilespmem:s0+$0x10680]  }
0x1dd: {  	v9 =	vld [tilespmem:s0+$0x14680]  }
0x1de: {  	s4 =	sor.u32 s6, s10;
	s6 =	smov.u32 s7;
	v2 =	vadd.f32 v4, v2;
	v0 =	vmul.f32 v0, v34;
	v3 =	vmul.f32 v7, v3;
	v4 =	vld [tilespmem:s0+$0x10700]  }
0x1df: {  	s8 =	sor.u32 $0x380, s4;
	v7 =	vld [tilespmem:s0+$0x14700]  }
0x1e0: {  	v0 =	vadd.f32 v0, v2;
	v2 =	vmul.f32 v3, v32;
	v3 =	vmul.f32 v8, v5;
	v5 =	vld [tilespmem:s8+$0x10400]  }
0x1e1: {  	v8 =	vld [tilespmem:s8+$0x14400]  }
0x1e2: {  	v0 =	vadd.f32 v2, v0;
	v2 =	vmul.f32 v3, v35;
	v3 =	vmul.f32 v9, v6;
	v6 =	vld [tilespmem:s0+$0x11400]  }
0x1e3: {  	v9 =	vld [tilespmem:s0+$0x15400]  }
0x1e4: {  	v0 =	vadd.f32 v2, v0;
	v2 =	vmul.f32 v3, v37;
	v3 =	vmul.f32 v7, v4;
	v4 =	vld [tilespmem:s0+$0x11480]  }
0x1e5: {  	v7 =	vld [tilespmem:s0+$0x15480]  }
0x1e6: {  	v0 =	vadd.f32 v2, v0;
	v2 =	vmul.f32 v3, v38;
	v3 =	vmul.f32 v8, v5;
	v5 =	vld [tilespmem:s0+$0x11500]  }
0x1e7: {  	s8 =	sor.u32 $0x1180, s5;
	v8 =	vld [tilespmem:s0+$0x15500]  }
0x1e8: {  	v0 =	vadd.f32 v2, v0;
	v2 =	vmul.f32 v3, v39;
	v3 =	vmul.f32 v9, v6;
	v6 =	vld [tilespmem:s8+$0x10400]  }
0x1e9: {  	v9 =	vld [tilespmem:s8+$0x14400]  }
0x1ea: {  	v0 =	vadd.f32 v2, v0;
	v2 =	vmul.f32 v3, v40;
	v3 =	vmul.f32 v7, v4;
	v4 =	vld [tilespmem:s0+$0x11600]  }
0x1eb: {  	v7 =	vld [tilespmem:s0+$0x15600]  }
0x1ec: {  	v0 =	vadd.f32 v2, v0;
	v2 =	vmul.f32 v3, v41;
	v3 =	vmul.f32 v8, v5;
	v5 =	vld [tilespmem:s0+$0x11680]  }
0x1ed: {  	v8 =	vld [tilespmem:s0+$0x15680]  }
0x1ee: {  	v0 =	vadd.f32 v2, v0;
	v2 =	vmul.f32 v3, v42;
	v3 =	vmul.f32 v9, v6;
	v6 =	vld [tilespmem:s0+$0x11700]  }
0x1ef: {  	s8 =	sor.u32 $0x1380, s4;
	v9 =	vld [tilespmem:s0+$0x15700]  }
0x1f0: {  	v0 =	vadd.f32 v2, v0;
	v2 =	vmul.f32 v3, v43;
	v3 =	vmul.f32 v7, v4;
	v4 =	vld [tilespmem:s8+$0x10400]  }
0x1f1: {  	v7 =	vld [tilespmem:s8+$0x14400]  }
0x1f2: {  	v0 =	vadd.f32 v2, v0;
	v2 =	vmul.f32 v3, v44;
	v3 =	vmul.f32 v8, v5;
	v5 =	vld [tilespmem:s0+$0x12400]  }
0x1f3: {  	v8 =	vld [tilespmem:s0+$0x16400]  }
0x1f4: {  	v0 =	vadd.f32 v2, v0;
	v2 =	vmul.f32 v3, v45;
	v3 =	vmul.f32 v9, v6;
	v6 =	vld [tilespmem:s0+$0x12480]  }
0x1f5: {  	v9 =	vld [tilespmem:s0+$0x16480]  }
0x1f6: {  	v0 =	vadd.f32 v2, v0;
	v2 =	vmul.f32 v3, v46;
	v3 =	vmul.f32 v7, v4;
	v4 =	vld [tilespmem:s0+$0x12500]  }
0x1f7: {  	s8 =	sor.u32 $0x2180, s5;
	v7 =	vld [tilespmem:s0+$0x16500]  }
0x1f8: {  	v0 =	vadd.f32 v2, v0;
	v2 =	vmul.f32 v3, v47;
	v3 =	vmul.f32 v8, v5;
	v5 =	vld [tilespmem:s8+$0x10400]  }
0x1f9: {  	v8 =	vld [tilespmem:s8+$0x14400]  }
0x1fa: {  	v0 =	vadd.f32 v2, v0;
	v2 =	vmul.f32 v3, v48;
	v3 =	vmul.f32 v9, v6;
	v6 =	vld [tilespmem:s0+$0x12600]  }
0x1fb: {  	v9 =	vld [tilespmem:s0+$0x16600]  }
0x1fc: {  	v0 =	vadd.f32 v2, v0;
	v2 =	vmul.f32 v3, v49;
	v3 =	vmul.f32 v7, v4;
	v4 =	vld [tilespmem:s0+$0x12680]  }
0x1fd: {  	v7 =	vld [tilespmem:s0+$0x16680]  }
0x1fe: {  	v0 =	vadd.f32 v2, v0;
	v2 =	vmul.f32 v3, v50;
	v3 =	vmul.f32 v8, v5;
	v5 =	vld [tilespmem:s0+$0x12700]  }
0x1ff: {  	s8 =	sor.u32 $0x2380, s4;
	v8 =	vld [tilespmem:s0+$0x16700]  }
0x200: {  	v0 =	vadd.f32 v2, v0;
	v2 =	vmul.f32 v3, v51;
	v3 =	vmul.f32 v9, v6;
	v6 =	vld [tilespmem:s8+$0x10400]  }
0x201: {  	v9 =	vld [tilespmem:s8+$0x14400]  }
0x202: {  	v0 =	vadd.f32 v2, v0;
	v2 =	vmul.f32 v3, v52;
	v3 =	vmul.f32 v7, v4;
	v4 =	vld [tilespmem:s0+$0x13400]  }
0x203: {  	v7 =	vld [tilespmem:s0+$0x17400]  }
0x204: {  	v0 =	vadd.f32 v2, v0;
	v2 =	vmul.f32 v3, v53;
	v3 =	vmul.f32 v8, v5;
	v5 =	vld [tilespmem:s0+$0x13480]  }
0x205: {  	v8 =	vld [tilespmem:s0+$0x17480]  }
0x206: {  	v0 =	vadd.f32 v2, v0;
	v2 =	vmul.f32 v3, v54;
	v3 =	vmul.f32 v9, v6;
	v6 =	vld [tilespmem:s0+$0x13500]  }
0x207: {  	s5 =	sor.u32 $0x3180, s5;
	v9 =	vld [tilespmem:s0+$0x17500]  }
0x208: {  	v0 =	vadd.f32 v2, v0;
	v2 =	vmul.f32 v3, v55;
	v3 =	vmul.f32 v7, v4;
	v4 =	vld [tilespmem:s5+$0x10400]  }
0x209: {  	v7 =	vld [tilespmem:s5+$0x14400]  }
0x20a: {  	v0 =	vadd.f32 v2, v0;
	v2 =	vmul.f32 v3, v56;
	v3 =	vmul.f32 v8, v5;
	v5 =	vld [tilespmem:s0+$0x13600]  }
0x20b: {  	v8 =	vld [tilespmem:s0+$0x17600]  }
0x20c: {  	v0 =	vadd.f32 v2, v0;
	v2 =	vmul.f32 v3, v57;
	v3 =	vmul.f32 v9, v6;
	v6 =	vld [tilespmem:s0+$0x13680]  }
0x20d: {  	v9 =	vld [tilespmem:s0+$0x17680]  }
0x20e: {  	v0 =	vadd.f32 v2, v0;
	v2 =	vmul.f32 v3, v58;
	v3 =	vmul.f32 v7, v4;
	v4 =	vld [tilespmem:s0+$0x13700]  }
0x20f: {  	v7 =	vld [tilespmem:s0+$0x17700];
	s0 =	sor.u32 $0x3380, s4  }
0x210: {  	v0 =	vadd.f32 v2, v0;
	v2 =	vmul.f32 v3, v59;
	v3 =	vmul.f32 v8, v5;
	v5 =	vld [tilespmem:s0+$0x10400]  }
0x211: {  	v8 =	vld [tilespmem:s0+$0x14400]  }
0x212: {  	v0 =	vadd.f32 v2, v0;
	v2 =	vmul.f32 v3, v60;
	v3 =	vmul.f32 v9, v6;
	_ =	sdelay $0x1  }
0x213: {  	v0 =	vadd.f32 v2, v0;
	v2 =	vmul.f32 v3, v61;
	v3 =	vmul.f32 v7, v4;
	_ =	sdelay $0x1  }
0x214: {  	v0 =	vadd.f32 v2, v0;
	v2 =	vmul.f32 v3, v62;
	v3 =	vmul.f32 v8, v5;
	_ =	sdelay $0x1  }
0x215: {  	v0 =	vadd.f32 v2, v0;
	v2 =	vmul.f32 v3, v63;
	_ =	sdelay $0x1  }
0x216: {  	v0 =	vadd.f32 v2, v0;
	_ =	sdelay $0x1  }
0x217: {  	v0 =	vadd.f32 v0, v1;
	_ =	sdelay $0x1  }
0x218: {  	v0 =	vsub.f32 $0.0e+00, v0;
	_ =	sdelay $0x1  }
0x219: {  	v0 =	vmul.f32 $1.442695020e+00, v0;
	_ =	sdelay $0x1  }
0x21a: {  	(erf) = vpow2.f32 v0;
	_ =	sdelay $0x8  }
0x21b: {  	v0 =	vpop (erf)  }
0x21c: {  	v0 =	vadd.f32 $1.000000000e+00, v0;
	_ =	sdelay $0x1  }
0x21d: {  	(erf) = vrcp.f32 v0;
	_ =	sdelay $0x7  }
.Ltmp1:
0x21e: {  	(pc) =	sbr.rel @p0 .LBB2_4-.Ltmp1, $4  }
0x21f: {  	v0 =	vpop (erf)  }
0x220: {  	s10 =	sadd.s32 $0x80, s10;
	v0 =	vmul.f32 $5.000000000e+00, v0  }
0x221: {  	s12 =	sadd.s32 $0x10, s12;
	s4 =	sand.u32 $0xC00, s10;
	s0 =	sand.u32 $0x70, s7  }
0x222: {  	s7 =	sadd.s32 $0x10, s7;
	s0 =	sor.u32 s0, s4;
	[tilespmem:s12+$0x0] =	vst v0  }
0x223: {  	v0 =	vld [tilespmem:s0+$0x14400]  }
0x224: {  	v2 =	vld [tilespmem:s0+$0x10400]  }
0x225: {  	v3 =	vld [tilespmem:s0+$0x10480]  }
0x226: {  	s4 =	sand.u32 $0xFFFFFC00, s10;
	v4 =	vld [tilespmem:s0+$0x14480]  }
0x227: {  	v5 =	vld [tilespmem:s0+$0x10500];
	s5 =	sadd.s32 s4, s6  }
0x228: {  	v6 =	vld [tilespmem:s0+$0x14500];
	s4 =	sor.u32 $0x180, s5  }
0x229: {  	v7 =	vld [tilespmem:s4+$0x14400];
	v0 =	vmul.f32 v0, v2  }
0x22a: {  	v2 =	vld [tilespmem:s4+$0x10400]  }
0x22b: {  	v8 =	vld [tilespmem:s0+$0x14600];
	v3 =	vmul.f32 v4, v3;
	v0 =	vmul.f32 v0, v36  }
0x22c: {  	v4 =	vld [tilespmem:s0+$0x10600]  }
0x22d: {  	v9 =	vld [tilespmem:s0+$0x14680];
	v5 =	vmul.f32 v6, v5;
	v3 =	vmul.f32 v3, v33;
	v0 =	vadd.f32 $0.0e+00, v0  }
0x22e: {  	v6 =	vld [tilespmem:s0+$0x10680]  }
0x22f: {  	s7 =	sor.u32 s6, s10;
	v2 =	vmul.f32 v7, v2;
	v7 =	vld [tilespmem:s0+$0x14700];
	v0 =	vadd.f32 v3, v0;
	v3 =	vmul.f32 v5, v34  }
0x230: {  	s6 =	sor.u32 $0x380, s7;
	v5 =	vld [tilespmem:s0+$0x10700]  }
0x231: {  	v2 =	vmul.f32 v2, v32;
	v0 =	vadd.f32 v3, v0;
	v3 =	vmul.f32 v8, v4;
	v4 =	vld [tilespmem:s6+$0x10400]  }
0x232: {  	v8 =	vld [tilespmem:s6+$0x14400]  }
0x233: {  	v0 =	vadd.f32 v2, v0;
	v2 =	vmul.f32 v3, v35;
	v3 =	vmul.f32 v9, v6;
	v6 =	vld [tilespmem:s0+$0x11400]  }
0x234: {  	v9 =	vld [tilespmem:s0+$0x15400]  }
0x235: {  	v0 =	vadd.f32 v2, v0;
	v2 =	vmul.f32 v3, v37;
	v3 =	vmul.f32 v7, v5;
	v5 =	vld [tilespmem:s0+$0x11480]  }
0x236: {  	v7 =	vld [tilespmem:s0+$0x15480]  }
0x237: {  	v0 =	vadd.f32 v2, v0;
	v2 =	vmul.f32 v3, v38;
	v3 =	vmul.f32 v8, v4;
	v4 =	vld [tilespmem:s0+$0x11500]  }
0x238: {  	s8 =	sor.u32 $0x1180, s5;
	v8 =	vld [tilespmem:s0+$0x15500]  }
0x239: {  	v0 =	vadd.f32 v2, v0;
	v2 =	vmul.f32 v3, v39;
	v3 =	vmul.f32 v9, v6;
	v6 =	vld [tilespmem:s8+$0x10400]  }
0x23a: {  	v9 =	vld [tilespmem:s8+$0x14400]  }
0x23b: {  	v0 =	vadd.f32 v2, v0;
	v2 =	vmul.f32 v3, v40;
	v3 =	vmul.f32 v7, v5;
	v5 =	vld [tilespmem:s0+$0x11600]  }
0x23c: {  	v7 =	vld [tilespmem:s0+$0x15600]  }
0x23d: {  	v0 =	vadd.f32 v2, v0;
	v2 =	vmul.f32 v3, v41;
	v3 =	vmul.f32 v8, v4;
	v4 =	vld [tilespmem:s0+$0x11680]  }
0x23e: {  	v8 =	vld [tilespmem:s0+$0x15680]  }
0x23f: {  	v0 =	vadd.f32 v2, v0;
	v2 =	vmul.f32 v3, v42;
	v3 =	vmul.f32 v9, v6;
	v6 =	vld [tilespmem:s0+$0x11700]  }
0x240: {  	s9 =	sor.u32 $0x1380, s7;
	v9 =	vld [tilespmem:s0+$0x15700]  }
0x241: {  	v0 =	vadd.f32 v2, v0;
	v2 =	vmul.f32 v3, v43;
	v3 =	vmul.f32 v7, v5;
	v5 =	vld [tilespmem:s9+$0x10400]  }
0x242: {  	v7 =	vld [tilespmem:s9+$0x14400]  }
0x243: {  	v0 =	vadd.f32 v2, v0;
	v2 =	vmul.f32 v3, v44;
	v3 =	vmul.f32 v8, v4;
	v4 =	vld [tilespmem:s0+$0x12400]  }
0x244: {  	v8 =	vld [tilespmem:s0+$0x16400]  }
0x245: {  	v0 =	vadd.f32 v2, v0;
	v2 =	vmul.f32 v3, v45;
	v3 =	vmul.f32 v9, v6;
	v6 =	vld [tilespmem:s0+$0x12480]  }
0x246: {  	v9 =	vld [tilespmem:s0+$0x16480]  }
0x247: {  	v0 =	vadd.f32 v2, v0;
	v2 =	vmul.f32 v3, v46;
	v3 =	vmul.f32 v7, v5;
	v5 =	vld [tilespmem:s0+$0x12500]  }
0x248: {  	s10 =	sor.u32 $0x2180, s5;
	v7 =	vld [tilespmem:s0+$0x16500]  }
0x249: {  	v0 =	vadd.f32 v2, v0;
	v2 =	vmul.f32 v3, v47;
	v3 =	vmul.f32 v8, v4;
	v4 =	vld [tilespmem:s10+$0x10400]  }
0x24a: {  	v8 =	vld [tilespmem:s10+$0x14400]  }
0x24b: {  	v0 =	vadd.f32 v2, v0;
	v2 =	vmul.f32 v3, v48;
	v3 =	vmul.f32 v9, v6;
	v6 =	vld [tilespmem:s0+$0x12600]  }
0x24c: {  	v9 =	vld [tilespmem:s0+$0x16600]  }
0x24d: {  	v0 =	vadd.f32 v2, v0;
	v2 =	vmul.f32 v3, v49;
	v3 =	vmul.f32 v7, v5;
	v5 =	vld [tilespmem:s0+$0x12680]  }
0x24e: {  	v7 =	vld [tilespmem:s0+$0x16680]  }
0x24f: {  	v0 =	vadd.f32 v2, v0;
	v2 =	vmul.f32 v3, v50;
	v3 =	vmul.f32 v8, v4;
	v4 =	vld [tilespmem:s0+$0x12700]  }
0x250: {  	s18 =	sor.u32 $0x2380, s7;
	v8 =	vld [tilespmem:s0+$0x16700]  }
0x251: {  	v0 =	vadd.f32 v2, v0;
	v2 =	vmul.f32 v3, v51;
	v3 =	vmul.f32 v9, v6;
	v6 =	vld [tilespmem:s18+$0x10400]  }
0x252: {  	v9 =	vld [tilespmem:s18+$0x14400]  }
0x253: {  	v0 =	vadd.f32 v2, v0;
	v2 =	vmul.f32 v3, v52;
	v3 =	vmul.f32 v7, v5;
	v5 =	vld [tilespmem:s0+$0x13400]  }
0x254: {  	v7 =	vld [tilespmem:s0+$0x17400]  }
0x255: {  	v0 =	vadd.f32 v2, v0;
	v2 =	vmul.f32 v3, v53;
	v3 =	vmul.f32 v8, v4;
	v4 =	vld [tilespmem:s0+$0x13480]  }
0x256: {  	v8 =	vld [tilespmem:s0+$0x17480]  }
0x257: {  	v0 =	vadd.f32 v2, v0;
	v2 =	vmul.f32 v3, v54;
	v3 =	vmul.f32 v9, v6;
	v6 =	vld [tilespmem:s0+$0x13500]  }
0x258: {  	s5 =	sor.u32 $0x3180, s5;
	v9 =	vld [tilespmem:s0+$0x17500]  }
0x259: {  	v0 =	vadd.f32 v2, v0;
	v2 =	vmul.f32 v3, v55;
	v3 =	vmul.f32 v7, v5;
	v5 =	vld [tilespmem:s5+$0x10400]  }
0x25a: {  	v7 =	vld [tilespmem:s5+$0x14400]  }
0x25b: {  	v0 =	vadd.f32 v2, v0;
	v2 =	vmul.f32 v3, v56;
	v3 =	vmul.f32 v8, v4;
	v4 =	vld [tilespmem:s0+$0x13600]  }
0x25c: {  	v8 =	vld [tilespmem:s0+$0x17600]  }
0x25d: {  	v0 =	vadd.f32 v2, v0;
	v2 =	vmul.f32 v3, v57;
	v3 =	vmul.f32 v9, v6;
	v6 =	vld [tilespmem:s0+$0x13680]  }
0x25e: {  	v9 =	vld [tilespmem:s0+$0x17680]  }
0x25f: {  	v0 =	vadd.f32 v2, v0;
	v2 =	vmul.f32 v3, v58;
	v3 =	vmul.f32 v7, v5;
	v5 =	vld [tilespmem:s0+$0x13700]  }
0x260: {  	s6 =	sor.u32 $0x3380, s7;
	v7 =	vld [tilespmem:s0+$0x17700]  }
0x261: {  	v0 =	vadd.f32 v2, v0;
	v2 =	vmul.f32 v3, v59;
	v3 =	vmul.f32 v8, v4;
	v4 =	vld [tilespmem:s6+$0x10400]  }
0x262: {  	v8 =	vld [tilespmem:s6+$0x14400]  }
0x263: {  	v0 =	vadd.f32 v2, v0;
	v2 =	vmul.f32 v3, v60;
	v3 =	vmul.f32 v9, v6;
	_ =	sdelay $0x1  }
0x264: {  	v0 =	vadd.f32 v2, v0;
	v2 =	vmul.f32 v3, v61;
	v3 =	vmul.f32 v7, v5;
	_ =	sdelay $0x1  }
0x265: {  	v0 =	vadd.f32 v2, v0;
	v2 =	vmul.f32 v3, v62;
	v3 =	vmul.f32 v8, v4;
	_ =	sdelay $0x1  }
0x266: {  	v0 =	vadd.f32 v2, v0;
	v2 =	vmul.f32 v3, v63;
	_ =	sdelay $0x1  }
0x267: {  	v0 =	vadd.f32 v2, v0;
	_ =	sdelay $0x1  }
0x268: {  	v0 =	vadd.f32 v0, v1;
	_ =	sdelay $0x1  }
0x269: {  	v0 =	vsub.f32 $0.0e+00, v0;
	_ =	sdelay $0x1  }
0x26a: {  	v0 =	vmul.f32 $1.442695020e+00, v0;
	_ =	sdelay $0x1  }
0x26b: {  	(erf) = vpow2.f32 v0;
	_ =	sdelay $0x8  }
0x26c: {  	v0 =	vpop (erf)  }
0x26d: {  	v0 =	vadd.f32 $1.000000000e+00, v0;
	_ =	sdelay $0x1  }
0x26e: {  	(erf) = vrcp.f32 v0;
	_ =	sdelay $0x8  }
0x26f: {  	v0 =	vpop (erf)  }
0x270: {  	v0 =	vmul.f32 $5.000000000e+00, v0  }
0x271: {  	s7 =	sadd.s32 $0x10, s12;
	s8 =	rddreg [dreg:$0x9]  }
0x272: {  	s9 =	simm.s32 $0x0;
	s10 =	simm.s32 $0x18400;
	s5 =	simm.s32 $0x3;
	[tilespmem:s7+$0x0] =	vst v0  }
0x273: {  	[hbm4b:s8+s9] =	stream.linear.scatter [tilespmem:s10], [sflag:$0x3], $0x200, $0x38;
	[tilespmem:$0x18680] =	vst v63  }
0x274: {  	_ =	swait.ge [sflag:s5], $0x200  }
0x275: {  	v0 =	vld [tilespmem:$0x1FF60]  }
0x276: {  	v2 =	vld [tilespmem:$0x1FF70]  }
0x277: {  	s12 =	rddreg [dreg:$0xb];
	v3 =	vld [tilespmem:$0x1FF80]  }
0x278: {  	s18 =	rddreg [dreg:$0xa];
	v4 =	vld [tilespmem:$0x1FF90];
	s4 =	sadd.s32 $0x1, s12  }
0x279: {  	v5 =	vld [tilespmem:$0x1FFA0];
	p0 =	sne.s32 s4, s18  }
.Ltmp2:
0x27a: {  	v6 =	vld [tilespmem:$0x1FFB0];
	(pc) =	sbr.rel @p0 .LBB2_1-.Ltmp2, $4  }
0x27b: {  	v7 =	vld [tilespmem:$0x1FFC0]  }
0x27c: {  	v8 =	vld [tilespmem:$0x1FFD0]  }
0x27d: {  	[sflag:s5] =	ssyncset.done $0x0;
	v9 =	vld [tilespmem:$0x1FFE0]  }
0x27e: {  	v34 =	vld [tilespmem:$0x1FFF0];
	[sflag:s5] =	ssyncadd.s32 $0xFFFFFE00  }
0x27f: {  	_ =	sfence.sel $0x180000  }
0x280: {  	[bflag:$0x0] =	sbarrier.arrive $0xFFFF  }
0x281: {  	_ =	strace $0x90000047  }
0x282: {  	s0 =	stileid.u32;
	[bflag:$0x2] =	sbarrier.arrive $0xFFFF  }
0x283: {  	p0 =	sne.s32 s0, $0x0;
	s0 =	rddreg [dreg:$0x6]  }
0x284: {  	s0 =	sadd.s32 @!p0 $0x100000, s0  }
0x285: {  	[sflag:s0] =	ssyncadd.tile.s32 @!p0 $0x1;
	_ =	shalt  }
.Lfunc_end2:
_tile_overlayer_lowered:
.L_overlay_start_2:
0x286: {  	(tag) =	ssettag $0x2  }
0x287: {  	s0 =	rddreg [dreg:$0x0];
	s2 =	stileid.u32  }
0x288: {  	s1 =	rddreg [dreg:$0x1];
	p0 =	sne.s32 s2, $0x0  }
0x289: {  	s3 =	rddreg [dreg:$0x2];
	[bflag:$0x3] =	sbarrier.arrive $0xFFFF;
	s2 =	simm.s32 @!p0 $0x1C03  }
0x28a: {  	[timem:s3], [sflag:s2] =	dma.local @!p0 [hbm:s0], s1  }
0x28b: {  	s0 =	simm.s32 @!p0 $0x3  }
0x28c: {  	_ =	swait.ge @!p0 [sflag:s0], s1  }
0x28d: {  	s1 =	ssub.s32 @!p0 $0x0, s1;
	[sflag:s0] =	ssyncset.done @!p0 $0x0  }
0x28e: {  	[sflag:s0] =	ssyncadd.s32 @!p0 s1  }
0x28f: {  	[bflag:$0x3] =	sbarrier.arrive $0xFFFF  }
0x290: {  	_ =	shalt  }

</sc_bundles>
